<compile_context>
chip_gen: v7x
topology: tpu7x:2x2x1
jax: 0.10.2.dev20260603
libtpu: 0.0.44.dev20260713+nightly
codegen_flags: <defaults>
</compile_context>

<pallas_src>
import functools

import jax
import jax.numpy as jnp
from jax import lax
from jax.experimental import pallas as pl
from jax.experimental.pallas import tpu as pltpu
from jax.experimental.pallas import tpu_sc as plsc

VOCABP = 1024
EMB = 256
NKEY = 2048
NCAND = 1000
NPER = 128
ROWS = NKEY + NKEY + NCAND + NPER + 1
ROWSP = 5232
TOK = 64
SENTINEL = 1000
EPS = 1e-6

R_KEYS = 0
R_VALS = NKEY
R_CAND = 2 * NKEY
R_PERS = 2 * NKEY + NCAND
R_XS = 2 * NKEY + NCAND + NPER


GROUPS = ROWSP // 16


def _build_counts_sc(idx):
    nc, ns = 2, 16
    nw = nc * ns
    gpt = (GROUPS + nw - 1) // nw
    mesh = plsc.VectorSubcoreMesh(core_axis_name="c", subcore_axis_name="s")

    @functools.partial(
        pl.kernel,
        mesh=mesh,
        compiler_params=pltpu.CompilerParams(needs_layout_passes=False),
        out_type=jax.ShapeDtypeStruct((ROWSP, VOCABP), jnp.float32),
        scratch_types=[
            pltpu.VMEM((4, 16, TOK), jnp.int32),
            pltpu.VMEM((2, 16, VOCABP), jnp.float32),
            pltpu.SemaphoreType.DMA,
            pltpu.SemaphoreType.DMA,
            pltpu.SemaphoreType.DMA,
            pltpu.SemaphoreType.DMA,
            pltpu.SemaphoreType.DMA,
            pltpu.SemaphoreType.DMA,
        ],
    )
    def k(idx_hbm, out_hbm, idx_v, cnt_v, os0, os1, is0, is1, is2, is3):
        wid = lax.axis_index("s") * nc + lax.axis_index("c")
        iota16 = lax.iota(jnp.int32, 16)
        ones = jnp.ones((16,), jnp.float32)
        zeros = jnp.zeros((16,), jnp.float32)
        osems = (os0, os1)
        isems = (is0, is1, is2, is3)

        def idx_fetch(g, s, start):
            @pl.when(g < GROUPS)
            def _():
                cp = (pltpu.async_copy if start else pltpu.make_async_copy)(
                    idx_hbm.at[pl.ds(g * 16, 16)], idx_v.at[s], isems[s])
                if not start:
                    cp.wait()

        idx_fetch(wid, 0, True)

        def zbody(j, _):
            for b in range(2):
                for r in range(16):
                    cnt_v[b, r, pl.ds(j * 16, 16)] = zeros
            return 0
        lax.fori_loop(0, VOCABP // 16, zbody, 0)

        def scatter_pass(s, b, val):
            def tbody(t, _):
                tvec = jnp.full((16,), t, jnp.int32)
                tok = plsc.load_gather(idx_v.at[s], [iota16, tvec])
                plsc.addupdate_scatter(cnt_v.at[b], [iota16, tok], val)
                return 0
            lax.fori_loop(0, TOK, tbody, 0, unroll=8)

        def swap_pass(s_old, s_new, b):
            def tbody(t, _):
                tvec = jnp.full((16,), t, jnp.int32)
                tok_o = plsc.load_gather(idx_v.at[s_old], [iota16, tvec])
                tok_n = plsc.load_gather(idx_v.at[s_new], [iota16, tvec])
                plsc.addupdate_scatter(cnt_v.at[b], [iota16, tok_o], -ones)
                plsc.addupdate_scatter(cnt_v.at[b], [iota16, tok_n], ones)
                return 0
            lax.fori_loop(0, TOK, tbody, 0, unroll=4)

        nblk = -(-gpt // 4)

        def block(i, _):
            for u in range(4):
                jj = i * 4 + u
                g = jj * nw + wid
                b = u % 2
                idx_fetch(g + nw, (u + 1) % 4, True)
                idx_fetch(g, u, False)

                @pl.when((g < GROUPS) & (jj >= 2))
                def _():
                    gprev = g - 2 * nw
                    pltpu.make_async_copy(
                        cnt_v.at[b], out_hbm.at[pl.ds(gprev * 16, 16)], osems[b]
                    ).wait()
                    swap_pass((u + 2) % 4, u, b)

                @pl.when((g < GROUPS) & (jj < 2))
                def _():
                    scatter_pass(u, b, ones)

                @pl.when(g < GROUPS)
                def _():
                    pltpu.async_copy(
                        cnt_v.at[b], out_hbm.at[pl.ds(g * 16, 16)], osems[b]
                    )
            return 0

        lax.fori_loop(0, nblk, block, 0)

        for b in range(2):
            pltpu.make_async_copy(
                cnt_v.at[b], out_hbm.at[pl.ds(0, 16)], osems[b]
            ).wait()

    return k(idx)


def _softmax_row(x):
    m = jnp.max(x, axis=1, keepdims=True)
    e = jnp.exp(x - m)
    return e / jnp.sum(e, axis=1, keepdims=True)


def _row_norms(enc):
    n = jnp.sqrt(jnp.sum(enc * enc, axis=1))
    return jnp.maximum(n, EPS)[None, :]


def _vnorm(q):
    return jnp.maximum(jnp.sqrt(jnp.sum(q * q)), EPS)


def _dense_body(cnt_ref, e_ref, ce_ref, r_ref, r2_ref, out_ref):
    E = e_ref[...]
    f32 = jnp.float32
    enc_k = jnp.dot(cnt_ref[R_KEYS:R_KEYS + NKEY, :], E, preferred_element_type=f32)
    enc_v = jnp.dot(cnt_ref[R_VALS:R_VALS + NKEY, :], E, preferred_element_type=f32)
    enc_c = jnp.dot(cnt_ref[R_CAND:R_CAND + NCAND, :], ce_ref[...], preferred_element_type=f32)
    enc_p = jnp.dot(cnt_ref[R_PERS:R_PERS + NPER, :], E, preferred_element_type=f32)
    q = jnp.dot(cnt_ref[R_XS:R_XS + 1, :], E, preferred_element_type=f32)

    nk = _row_norms(enc_k)
    nc = _row_norms(enc_c)
    np_ = _row_norms(enc_p)

    def dotq(v, enc):
        return lax.dot_general(v, enc, (((1,), (1,)), ((), ())),
                               preferred_element_type=f32)

    for rm_ref in (r_ref, r2_ref):
        Rm = rm_ref[...]
        cos = dotq(q, enc_p) / (np_ * _vnorm(q))
        ret = _softmax_row(cos)
        hop = jnp.dot(ret, enc_p, preferred_element_type=f32)
        q_plus = dotq(q + hop, Rm)
        cos2 = dotq(q_plus, enc_k) / (nk * _vnorm(q_plus))
        ret2 = _softmax_row(cos2)
        hop2 = jnp.dot(ret2, enc_v, preferred_element_type=f32)
        q = dotq(q_plus + hop2, Rm)

    out_ref[...] = dotq(q, enc_c) / (nc * _vnorm(q))


def _dense(counts, epad, cepad, R, R2):
    return pl.pallas_call(
        _dense_body,
        out_shape=jax.ShapeDtypeStruct((1, NCAND), jnp.float32),
    )(counts, epad, cepad, R, R2)


def kernel(xs, candidates, persona, keys, values, label, shared_emb, cand_emb, R, R2):
    del label
    i32 = jnp.int32
    xs_pad = jnp.pad(xs.astype(i32), ((0, 0), (0, TOK - xs.shape[1])),
                     constant_values=SENTINEL)
    idx = jnp.concatenate([
        keys.astype(i32), values.astype(i32), candidates.astype(i32),
        persona.astype(i32), xs_pad,
    ], axis=0)
    idx = jnp.pad(idx, ((0, ROWSP - ROWS), (0, 0)), constant_values=SENTINEL)

    epad = jnp.pad(shared_emb, ((0, VOCABP - shared_emb.shape[0]), (0, 0)))
    cepad = jnp.pad(cand_emb, ((0, VOCABP - cand_emb.shape[0]), (0, 0)))

    counts = _build_counts_sc(idx)
    preds = _dense(counts, epad, cepad, R, R2)
    return preds.reshape(NCAND)

# --- scband reference (transcript-rebuilt; emitter-appended) ---
"""Pipeline reference for scband-kvmem-nn-83528523973336 (READ-ONLY COPY).

The authoritative reference and input builder live on the scoring server;
editing this copy changes nothing except your own understanding.
"""

import jax, jax.numpy as jnp
import numpy as np

VOCAB = 1000
EMB = 256

def _cosine(a, b, eps=1e-6):
    dot = jnp.sum(a * b, axis=1)
    na = jnp.maximum(jnp.sqrt(jnp.sum(a * a, axis=1)), eps)
    nb = jnp.maximum(jnp.sqrt(jnp.sum(b * b, axis=1)), eps)
    return dot / (na * nb)

def setup_inputs(seed: int = 0):
    key = jax.random.key(seed)
    ks = jax.random.split(key, 10)
    xs = jax.random.randint(ks[0], (1, 32), 0, VOCAB)
    candidates = jax.random.randint(ks[1], (1000, 64), 0, VOCAB)
    persona = jax.random.randint(ks[2], (128, 64), 0, VOCAB)
    keys = jax.random.randint(ks[3], (2048, 64), 0, VOCAB)
    values = jax.random.randint(ks[4], (2048, 64), 0, VOCAB)
    label = jax.random.randint(ks[5], (1, 32), 0, VOCAB)
    shared_emb = jax.random.normal(ks[6], (VOCAB, EMB), dtype=jnp.float32)
    cand_emb = jax.random.normal(ks[7], (VOCAB, EMB), dtype=jnp.float32)
    scale = 1.0 / np.sqrt(EMB)
    R = jax.random.normal(ks[8], (EMB, EMB), dtype=jnp.float32) * scale
    R2 = jax.random.normal(ks[9], (EMB, EMB), dtype=jnp.float32) * scale
    return {"xs": xs, "candidates": candidates, "persona": persona, "keys": keys,
            "values": values, "label": label, "shared_emb": shared_emb,
            "cand_emb": cand_emb, "R": R, "R2": R2}

def reference(xs, candidates, persona, keys, values, label, shared_emb, cand_emb, R, R2):
    # encode memories: embedding gather + sum over token axis
    enc_keys = jnp.take(shared_emb, keys, axis=0).sum(axis=1)        # [2048, EMB]
    enc_values = jnp.take(shared_emb, values, axis=0).sum(axis=1)    # [2048, EMB]
    enc_cands = jnp.take(cand_emb, candidates, axis=0).sum(axis=1)   # [1000, EMB]
    enc_persona = jnp.take(shared_emb, persona, axis=0).sum(axis=1)  # [128, EMB]
    q = jnp.take(shared_emb, xs, axis=0).sum(axis=1).reshape(EMB)
    for i in range(2):
        Rm = R if i == 0 else R2
        ret = jax.nn.softmax(_cosine(jnp.broadcast_to(q, enc_persona.shape), enc_persona), axis=0)
        hop = (ret[:, None] * enc_persona).sum(axis=0)
        q_plus = (q + hop) @ Rm.T
        ret = jax.nn.softmax(_cosine(jnp.broadcast_to(q_plus, enc_keys.shape), enc_keys), axis=0)
        hop = (ret[:, None] * enc_values).sum(axis=0)
        q = (q_plus + hop) @ Rm.T
    preds = _cosine(jnp.broadcast_to(q, enc_cands.shape), enc_cands)
    return preds

if __name__ == "__main__":
    import jax
    _d = setup_inputs()
    print(jax.jit(kernel)(*tuple(_d.values())))

</pallas_src>

<mosaic_0001>
#map = affine_map<(d0, d1) -> (0, 0)>
module attributes {stable_mosaic.version = 14 : i64} {
  func.func @k(%arg0: i32, %arg1: i32, %arg2: memref<5232x64xi32, #tpu.memory_space<hbm>>, %arg3: memref<5232x1024xf32, #tpu.memory_space<hbm>>, %arg4: memref<4x16x64xi32, #tpu.memory_space<vmem>>, %arg5: memref<2x16x1024xf32, #tpu.memory_space<vmem>>, %arg6: memref<!tpu.dma_semaphore, #tpu.memory_space<semaphore_mem>>, %arg7: memref<!tpu.dma_semaphore, #tpu.memory_space<semaphore_mem>>, %arg8: memref<!tpu.dma_semaphore, #tpu.memory_space<semaphore_mem>>, %arg9: memref<!tpu.dma_semaphore, #tpu.memory_space<semaphore_mem>>, %arg10: memref<!tpu.dma_semaphore, #tpu.memory_space<semaphore_mem>>, %arg11: memref<!tpu.dma_semaphore, #tpu.memory_space<semaphore_mem>>) attributes {dimension_semantics = [#tpu.dimension_semantics<core_parallel>, #tpu.dimension_semantics<subcore_parallel>], iteration_bounds = array<i64: 2, 16>, scalar_prefetch = 0 : i64, scratch_operands = 8 : i64, tpu.core_type = #tpu.core_type<sc_vector_subcore>, window_params = [{transform_indices = #map}, {transform_indices = #map}]} {
    %mul3A = arith.constant 2 : i32
    %mul3A_0 = arith.muli %arg1, %mul3A : i32
    %add3A = arith.addi %mul3A_0, %arg0 : i32
    %iota3A = tpu.iota {dimensions = array<i32: 0>} : vector<16xi32>
    %broadcast_in_dim3A = arith.constant 1.000000e+00 : f32
    %broadcast_in_dim3A_1 = vector.broadcast %broadcast_in_dim3A : f32 to vector<16xf32>
    %broadcast_in_dim3A_2 = arith.constant 0.000000e+00 : f32
    %broadcast_in_dim3A_3 = vector.broadcast %broadcast_in_dim3A_2 : f32 to vector<16xf32>
    %lt3A = arith.constant 327 : i32
    %lt3A_4 = arith.cmpi slt, %add3A, %lt3A : i32
    %convert_element_type3A = arith.extui %lt3A_4 : i1 to i32
    %cond3A = arith.constant 0 : i32
    %cond3A_5 = arith.cmpi ne, %convert_element_type3A, %cond3A : i32
    scf.if %cond3A_5 {
      %mul3A_48 = arith.constant 16 : i32
      %mul3A_49 = arith.muli %add3A, %mul3A_48 : i32
      %dma_start3A = arith.constant 0 : i32
      %dma_start3A_50 = arith.constant 0 : i32
      %dma_start3A_51 = arith.constant 0 : i32
      %dma_start3A_52 = tpu.memref_slice %arg4[%dma_start3A, %dma_start3A_50, %dma_start3A_51] : memref<4x16x64xi32, #tpu.memory_space<vmem>> -> memref<1x16x64xi32, #tpu.memory_space<vmem>>
      %dma_start3A_53 = tpu.memref_squeeze %dma_start3A_52 : memref<1x16x64xi32, #tpu.memory_space<vmem>> -> memref<16x64xi32, #tpu.memory_space<vmem>>
      %dma_start3A_54 = arith.constant 0 : i32
      %dma_start3A_55 = tpu.memref_slice %arg2[%mul3A_49, %dma_start3A_54] : memref<5232x64xi32, #tpu.memory_space<hbm>> -> memref<16x64xi32, #tpu.memory_space<hbm>>
      %dma_start3A_56 = arith.constant 0 : i32
      %dma_start3A_57 = arith.constant 0 : i32
      %dma_start3A_58 = tpu.memref_slice %arg4[%dma_start3A, %dma_start3A_56, %dma_start3A_57] : memref<4x16x64xi32, #tpu.memory_space<vmem>> -> memref<1x16x64xi32, #tpu.memory_space<vmem>>
      %dma_start3A_59 = tpu.memref_squeeze %dma_start3A_58 : memref<1x16x64xi32, #tpu.memory_space<vmem>> -> memref<16x64xi32, #tpu.memory_space<vmem>>
      %dma_start3A_60 = arith.constant 0 : i32
      %dma_start3A_61 = tpu.memref_slice %arg2[%mul3A_49, %dma_start3A_60] : memref<5232x64xi32, #tpu.memory_space<hbm>> -> memref<16x64xi32, #tpu.memory_space<hbm>>
      tpu.enqueue_dma source(%dma_start3A_61 : memref<16x64xi32, #tpu.memory_space<hbm>>) target(%dma_start3A_59 : memref<16x64xi32, #tpu.memory_space<vmem>>) target_semaphore(%arg8 : memref<!tpu.dma_semaphore, #tpu.memory_space<semaphore_mem>>)
    } else {
    }
    %scan3A = arith.constant 0 : i32
    %scan3A_6 = arith.constant 0 : i32
    %scan3A_7 = arith.constant 64 : i32
    %scan3A_8 = arith.addi %scan3A_6, %scan3A_7 : i32
    %scan3A_9 = arith.constant 1 : i32
    %scan3A_10 = scf.for %scan3A_48 = %scan3A_6 to %scan3A_8 step %scan3A_9 iter_args(%scan3A_49 = %scan3A) -> (i32)  : i32 {
      %mul3A_50 = arith.constant 16 : i32
      %mul3A_51 = arith.muli %scan3A_48, %mul3A_50 : i32
      %swap3A = arith.constant 0 : i32
      %swap3A_52 = arith.constant 0 : i32
      %swap3A_53 = arith.index_cast %swap3A : i32 to index
      %swap3A_54 = arith.index_cast %swap3A_52 : i32 to index
      %swap3A_55 = arith.index_cast %mul3A_51 : i32 to index
      %swap3A_56 = tpu.vector_load %arg5[%swap3A_53, %swap3A_54, %swap3A_55] {strides = array<i32>} : memref<2x16x1024xf32, #tpu.memory_space<vmem>>, vector<16xf32>,
      tpu.vector_store %arg5[%swap3A_53, %swap3A_54, %swap3A_55], %broadcast_in_dim3A_3 {strides = array<i32>} : memref<2x16x1024xf32, #tpu.memory_space<vmem>>, vector<16xf32>,
      %mul3A_57 = arith.constant 16 : i32
      %mul3A_58 = arith.muli %scan3A_48, %mul3A_57 : i32
      %swap3A_59 = arith.constant 0 : i32
      %swap3A_60 = arith.constant 1 : i32
      %swap3A_61 = arith.index_cast %swap3A_59 : i32 to index
      %swap3A_62 = arith.index_cast %swap3A_60 : i32 to index
      %swap3A_63 = arith.index_cast %mul3A_58 : i32 to index
      %swap3A_64 = tpu.vector_load %arg5[%swap3A_61, %swap3A_62, %swap3A_63] {strides = array<i32>} : memref<2x16x1024xf32, #tpu.memory_space<vmem>>, vector<16xf32>,
      tpu.vector_store %arg5[%swap3A_61, %swap3A_62, %swap3A_63], %broadcast_in_dim3A_3 {strides = array<i32>} : memref<2x16x1024xf32, #tpu.memory_space<vmem>>, vector<16xf32>,
      %mul3A_65 = arith.constant 16 : i32
      %mul3A_66 = arith.muli %scan3A_48, %mul3A_65 : i32
      %swap3A_67 = arith.constant 0 : i32
      %swap3A_68 = arith.constant 2 : i32
      %swap3A_69 = arith.index_cast %swap3A_67 : i32 to index
      %swap3A_70 = arith.index_cast %swap3A_68 : i32 to index
      %swap3A_71 = arith.index_cast %mul3A_66 : i32 to index
      %swap3A_72 = tpu.vector_load %arg5[%swap3A_69, %swap3A_70, %swap3A_71] {strides = array<i32>} : memref<2x16x1024xf32, #tpu.memory_space<vmem>>, vector<16xf32>,
      tpu.vector_store %arg5[%swap3A_69, %swap3A_70, %swap3A_71], %broadcast_in_dim3A_3 {strides = array<i32>} : memref<2x16x1024xf32, #tpu.memory_space<vmem>>, vector<16xf32>,
      %mul3A_73 = arith.constant 16 : i32
      %mul3A_74 = arith.muli %scan3A_48, %mul3A_73 : i32
      %swap3A_75 = arith.constant 0 : i32
      %swap3A_76 = arith.constant 3 : i32
      %swap3A_77 = arith.index_cast %swap3A_75 : i32 to index
      %swap3A_78 = arith.index_cast %swap3A_76 : i32 to index
      %swap3A_79 = arith.index_cast %mul3A_74 : i32 to index
      %swap3A_80 = tpu.vector_load %arg5[%swap3A_77, %swap3A_78, %swap3A_79] {strides = array<i32>} : memref<2x16x1024xf32, #tpu.memory_space<vmem>>, vector<16xf32>,
      tpu.vector_store %arg5[%swap3A_77, %swap3A_78, %swap3A_79], %broadcast_in_dim3A_3 {strides = array<i32>} : memref<2x16x1024xf32, #tpu.memory_space<vmem>>, vector<16xf32>,
      %mul3A_81 = arith.constant 16 : i32
      %mul3A_82 = arith.muli %scan3A_48, %mul3A_81 : i32
      %swap3A_83 = arith.constant 0 : i32
      %swap3A_84 = arith.constant 4 : i32
      %swap3A_85 = arith.index_cast %swap3A_83 : i32 to index
      %swap3A_86 = arith.index_cast %swap3A_84 : i32 to index
      %swap3A_87 = arith.index_cast %mul3A_82 : i32 to index
      %swap3A_88 = tpu.vector_load %arg5[%swap3A_85, %swap3A_86, %swap3A_87] {strides = array<i32>} : memref<2x16x1024xf32, #tpu.memory_space<vmem>>, vector<16xf32>,
      tpu.vector_store %arg5[%swap3A_85, %swap3A_86, %swap3A_87], %broadcast_in_dim3A_3 {strides = array<i32>} : memref<2x16x1024xf32, #tpu.memory_space<vmem>>, vector<16xf32>,
      %mul3A_89 = arith.constant 16 : i32
      %mul3A_90 = arith.muli %scan3A_48, %mul3A_89 : i32
      %swap3A_91 = arith.constant 0 : i32
      %swap3A_92 = arith.constant 5 : i32
      %swap3A_93 = arith.index_cast %swap3A_91 : i32 to index
      %swap3A_94 = arith.index_cast %swap3A_92 : i32 to index
      %swap3A_95 = arith.index_cast %mul3A_90 : i32 to index
      %swap3A_96 = tpu.vector_load %arg5[%swap3A_93, %swap3A_94, %swap3A_95] {strides = array<i32>} : memref<2x16x1024xf32, #tpu.memory_space<vmem>>, vector<16xf32>,
      tpu.vector_store %arg5[%swap3A_93, %swap3A_94, %swap3A_95], %broadcast_in_dim3A_3 {strides = array<i32>} : memref<2x16x1024xf32, #tpu.memory_space<vmem>>, vector<16xf32>,
      %mul3A_97 = arith.constant 16 : i32
      %mul3A_98 = arith.muli %scan3A_48, %mul3A_97 : i32
      %swap3A_99 = arith.constant 0 : i32
      %swap3A_100 = arith.constant 6 : i32
      %swap3A_101 = arith.index_cast %swap3A_99 : i32 to index
      %swap3A_102 = arith.index_cast %swap3A_100 : i32 to index
      %swap3A_103 = arith.index_cast %mul3A_98 : i32 to index
      %swap3A_104 = tpu.vector_load %arg5[%swap3A_101, %swap3A_102, %swap3A_103] {strides = array<i32>} : memref<2x16x1024xf32, #tpu.memory_space<vmem>>, vector<16xf32>,
      tpu.vector_store %arg5[%swap3A_101, %swap3A_102, %swap3A_103], %broadcast_in_dim3A_3 {strides = array<i32>} : memref<2x16x1024xf32, #tpu.memory_space<vmem>>, vector<16xf32>,
      %mul3A_105 = arith.constant 16 : i32
      %mul3A_106 = arith.muli %scan3A_48, %mul3A_105 : i32
      %swap3A_107 = arith.constant 0 : i32
      %swap3A_108 = arith.constant 7 : i32
      %swap3A_109 = arith.index_cast %swap3A_107 : i32 to index
      %swap3A_110 = arith.index_cast %swap3A_108 : i32 to index
      %swap3A_111 = arith.index_cast %mul3A_106 : i32 to index
      %swap3A_112 = tpu.vector_load %arg5[%swap3A_109, %swap3A_110, %swap3A_111] {strides = array<i32>} : memref<2x16x1024xf32, #tpu.memory_space<vmem>>, vector<16xf32>,
      tpu.vector_store %arg5[%swap3A_109, %swap3A_110, %swap3A_111], %broadcast_in_dim3A_3 {strides = array<i32>} : memref<2x16x1024xf32, #tpu.memory_space<vmem>>, vector<16xf32>,
      %mul3A_113 = arith.constant 16 : i32
      %mul3A_114 = arith.muli %scan3A_48, %mul3A_113 : i32
      %swap3A_115 = arith.constant 0 : i32
      %swap3A_116 = arith.constant 8 : i32
      %swap3A_117 = arith.index_cast %swap3A_115 : i32 to index
      %swap3A_118 = arith.index_cast %swap3A_116 : i32 to index
      %swap3A_119 = arith.index_cast %mul3A_114 : i32 to index
      %swap3A_120 = tpu.vector_load %arg5[%swap3A_117, %swap3A_118, %swap3A_119] {strides = array<i32>} : memref<2x16x1024xf32, #tpu.memory_space<vmem>>, vector<16xf32>,
      tpu.vector_store %arg5[%swap3A_117, %swap3A_118, %swap3A_119], %broadcast_in_dim3A_3 {strides = array<i32>} : memref<2x16x1024xf32, #tpu.memory_space<vmem>>, vector<16xf32>,
      %mul3A_121 = arith.constant 16 : i32
      %mul3A_122 = arith.muli %scan3A_48, %mul3A_121 : i32
      %swap3A_123 = arith.constant 0 : i32
      %swap3A_124 = arith.constant 9 : i32
      %swap3A_125 = arith.index_cast %swap3A_123 : i32 to index
      %swap3A_126 = arith.index_cast %swap3A_124 : i32 to index
      %swap3A_127 = arith.index_cast %mul3A_122 : i32 to index
      %swap3A_128 = tpu.vector_load %arg5[%swap3A_125, %swap3A_126, %swap3A_127] {strides = array<i32>} : memref<2x16x1024xf32, #tpu.memory_space<vmem>>, vector<16xf32>,
      tpu.vector_store %arg5[%swap3A_125, %swap3A_126, %swap3A_127], %broadcast_in_dim3A_3 {strides = array<i32>} : memref<2x16x1024xf32, #tpu.memory_space<vmem>>, vector<16xf32>,
      %mul3A_129 = arith.constant 16 : i32
      %mul3A_130 = arith.muli %scan3A_48, %mul3A_129 : i32
      %swap3A_131 = arith.constant 0 : i32
      %swap3A_132 = arith.constant 10 : i32
      %swap3A_133 = arith.index_cast %swap3A_131 : i32 to index
      %swap3A_134 = arith.index_cast %swap3A_132 : i32 to index
      %swap3A_135 = arith.index_cast %mul3A_130 : i32 to index
      %swap3A_136 = tpu.vector_load %arg5[%swap3A_133, %swap3A_134, %swap3A_135] {strides = array<i32>} : memref<2x16x1024xf32, #tpu.memory_space<vmem>>, vector<16xf32>,
      tpu.vector_store %arg5[%swap3A_133, %swap3A_134, %swap3A_135], %broadcast_in_dim3A_3 {strides = array<i32>} : memref<2x16x1024xf32, #tpu.memory_space<vmem>>, vector<16xf32>,
      %mul3A_137 = arith.constant 16 : i32
      %mul3A_138 = arith.muli %scan3A_48, %mul3A_137 : i32
      %swap3A_139 = arith.constant 0 : i32
      %swap3A_140 = arith.constant 11 : i32
      %swap3A_141 = arith.index_cast %swap3A_139 : i32 to index
      %swap3A_142 = arith.index_cast %swap3A_140 : i32 to index
      %swap3A_143 = arith.index_cast %mul3A_138 : i32 to index
      %swap3A_144 = tpu.vector_load %arg5[%swap3A_141, %swap3A_142, %swap3A_143] {strides = array<i32>} : memref<2x16x1024xf32, #tpu.memory_space<vmem>>, vector<16xf32>,
      tpu.vector_store %arg5[%swap3A_141, %swap3A_142, %swap3A_143], %broadcast_in_dim3A_3 {strides = array<i32>} : memref<2x16x1024xf32, #tpu.memory_space<vmem>>, vector<16xf32>,
      %mul3A_145 = arith.constant 16 : i32
      %mul3A_146 = arith.muli %scan3A_48, %mul3A_145 : i32
      %swap3A_147 = arith.constant 0 : i32
      %swap3A_148 = arith.constant 12 : i32
      %swap3A_149 = arith.index_cast %swap3A_147 : i32 to index
      %swap3A_150 = arith.index_cast %swap3A_148 : i32 to index
      %swap3A_151 = arith.index_cast %mul3A_146 : i32 to index
      %swap3A_152 = tpu.vector_load %arg5[%swap3A_149, %swap3A_150, %swap3A_151] {strides = array<i32>} : memref<2x16x1024xf32, #tpu.memory_space<vmem>>, vector<16xf32>,
      tpu.vector_store %arg5[%swap3A_149, %swap3A_150, %swap3A_151], %broadcast_in_dim3A_3 {strides = array<i32>} : memref<2x16x1024xf32, #tpu.memory_space<vmem>>, vector<16xf32>,
      %mul3A_153 = arith.constant 16 : i32
      %mul3A_154 = arith.muli %scan3A_48, %mul3A_153 : i32
      %swap3A_155 = arith.constant 0 : i32
      %swap3A_156 = arith.constant 13 : i32
      %swap3A_157 = arith.index_cast %swap3A_155 : i32 to index
      %swap3A_158 = arith.index_cast %swap3A_156 : i32 to index
      %swap3A_159 = arith.index_cast %mul3A_154 : i32 to index
      %swap3A_160 = tpu.vector_load %arg5[%swap3A_157, %swap3A_158, %swap3A_159] {strides = array<i32>} : memref<2x16x1024xf32, #tpu.memory_space<vmem>>, vector<16xf32>,
      tpu.vector_store %arg5[%swap3A_157, %swap3A_158, %swap3A_159], %broadcast_in_dim3A_3 {strides = array<i32>} : memref<2x16x1024xf32, #tpu.memory_space<vmem>>, vector<16xf32>,
      %mul3A_161 = arith.constant 16 : i32
      %mul3A_162 = arith.muli %scan3A_48, %mul3A_161 : i32
      %swap3A_163 = arith.constant 0 : i32
      %swap3A_164 = arith.constant 14 : i32
      %swap3A_165 = arith.index_cast %swap3A_163 : i32 to index
      %swap3A_166 = arith.index_cast %swap3A_164 : i32 to index
      %swap3A_167 = arith.index_cast %mul3A_162 : i32 to index
      %swap3A_168 = tpu.vector_load %arg5[%swap3A_165, %swap3A_166, %swap3A_167] {strides = array<i32>} : memref<2x16x1024xf32, #tpu.memory_space<vmem>>, vector<16xf32>,
      tpu.vector_store %arg5[%swap3A_165, %swap3A_166, %swap3A_167], %broadcast_in_dim3A_3 {strides = array<i32>} : memref<2x16x1024xf32, #tpu.memory_space<vmem>>, vector<16xf32>,
      %mul3A_169 = arith.constant 16 : i32
      %mul3A_170 = arith.muli %scan3A_48, %mul3A_169 : i32
      %swap3A_171 = arith.constant 0 : i32
      %swap3A_172 = arith.constant 15 : i32
      %swap3A_173 = arith.index_cast %swap3A_171 : i32 to index
      %swap3A_174 = arith.index_cast %swap3A_172 : i32 to index
      %swap3A_175 = arith.index_cast %mul3A_170 : i32 to index
      %swap3A_176 = tpu.vector_load %arg5[%swap3A_173, %swap3A_174, %swap3A_175] {strides = array<i32>} : memref<2x16x1024xf32, #tpu.memory_space<vmem>>, vector<16xf32>,
      tpu.vector_store %arg5[%swap3A_173, %swap3A_174, %swap3A_175], %broadcast_in_dim3A_3 {strides = array<i32>} : memref<2x16x1024xf32, #tpu.memory_space<vmem>>, vector<16xf32>,
      %mul3A_177 = arith.constant 16 : i32
      %mul3A_178 = arith.muli %scan3A_48, %mul3A_177 : i32
      %swap3A_179 = arith.constant 1 : i32
      %swap3A_180 = arith.constant 0 : i32
      %swap3A_181 = arith.index_cast %swap3A_179 : i32 to index
      %swap3A_182 = arith.index_cast %swap3A_180 : i32 to index
      %swap3A_183 = arith.index_cast %mul3A_178 : i32 to index
      %swap3A_184 = tpu.vector_load %arg5[%swap3A_181, %swap3A_182, %swap3A_183] {strides = array<i32>} : memref<2x16x1024xf32, #tpu.memory_space<vmem>>, vector<16xf32>,
      tpu.vector_store %arg5[%swap3A_181, %swap3A_182, %swap3A_183], %broadcast_in_dim3A_3 {strides = array<i32>} : memref<2x16x1024xf32, #tpu.memory_space<vmem>>, vector<16xf32>,
      %mul3A_185 = arith.constant 16 : i32
      %mul3A_186 = arith.muli %scan3A_48, %mul3A_185 : i32
      %swap3A_187 = arith.constant 1 : i32
      %swap3A_188 = arith.constant 1 : i32
      %swap3A_189 = arith.index_cast %swap3A_187 : i32 to index
      %swap3A_190 = arith.index_cast %swap3A_188 : i32 to index
      %swap3A_191 = arith.index_cast %mul3A_186 : i32 to index
      %swap3A_192 = tpu.vector_load %arg5[%swap3A_189, %swap3A_190, %swap3A_191] {strides = array<i32>} : memref<2x16x1024xf32, #tpu.memory_space<vmem>>, vector<16xf32>,
      tpu.vector_store %arg5[%swap3A_189, %swap3A_190, %swap3A_191], %broadcast_in_dim3A_3 {strides = array<i32>} : memref<2x16x1024xf32, #tpu.memory_space<vmem>>, vector<16xf32>,
      %mul3A_193 = arith.constant 16 : i32
      %mul3A_194 = arith.muli %scan3A_48, %mul3A_193 : i32
      %swap3A_195 = arith.constant 1 : i32
      %swap3A_196 = arith.constant 2 : i32
      %swap3A_197 = arith.index_cast %swap3A_195 : i32 to index
      %swap3A_198 = arith.index_cast %swap3A_196 : i32 to index
      %swap3A_199 = arith.index_cast %mul3A_194 : i32 to index
      %swap3A_200 = tpu.vector_load %arg5[%swap3A_197, %swap3A_198, %swap3A_199] {strides = array<i32>} : memref<2x16x1024xf32, #tpu.memory_space<vmem>>, vector<16xf32>,
      tpu.vector_store %arg5[%swap3A_197, %swap3A_198, %swap3A_199], %broadcast_in_dim3A_3 {strides = array<i32>} : memref<2x16x1024xf32, #tpu.memory_space<vmem>>, vector<16xf32>,
      %mul3A_201 = arith.constant 16 : i32
      %mul3A_202 = arith.muli %scan3A_48, %mul3A_201 : i32
      %swap3A_203 = arith.constant 1 : i32
      %swap3A_204 = arith.constant 3 : i32
      %swap3A_205 = arith.index_cast %swap3A_203 : i32 to index
      %swap3A_206 = arith.index_cast %swap3A_204 : i32 to index
      %swap3A_207 = arith.index_cast %mul3A_202 : i32 to index
      %swap3A_208 = tpu.vector_load %arg5[%swap3A_205, %swap3A_206, %swap3A_207] {strides = array<i32>} : memref<2x16x1024xf32, #tpu.memory_space<vmem>>, vector<16xf32>,
      tpu.vector_store %arg5[%swap3A_205, %swap3A_206, %swap3A_207], %broadcast_in_dim3A_3 {strides = array<i32>} : memref<2x16x1024xf32, #tpu.memory_space<vmem>>, vector<16xf32>,
      %mul3A_209 = arith.constant 16 : i32
      %mul3A_210 = arith.muli %scan3A_48, %mul3A_209 : i32
      %swap3A_211 = arith.constant 1 : i32
      %swap3A_212 = arith.constant 4 : i32
      %swap3A_213 = arith.index_cast %swap3A_211 : i32 to index
      %swap3A_214 = arith.index_cast %swap3A_212 : i32 to index
      %swap3A_215 = arith.index_cast %mul3A_210 : i32 to index
      %swap3A_216 = tpu.vector_load %arg5[%swap3A_213, %swap3A_214, %swap3A_215] {strides = array<i32>} : memref<2x16x1024xf32, #tpu.memory_space<vmem>>, vector<16xf32>,
      tpu.vector_store %arg5[%swap3A_213, %swap3A_214, %swap3A_215], %broadcast_in_dim3A_3 {strides = array<i32>} : memref<2x16x1024xf32, #tpu.memory_space<vmem>>, vector<16xf32>,
      %mul3A_217 = arith.constant 16 : i32
      %mul3A_218 = arith.muli %scan3A_48, %mul3A_217 : i32
      %swap3A_219 = arith.constant 1 : i32
      %swap3A_220 = arith.constant 5 : i32
      %swap3A_221 = arith.index_cast %swap3A_219 : i32 to index
      %swap3A_222 = arith.index_cast %swap3A_220 : i32 to index
      %swap3A_223 = arith.index_cast %mul3A_218 : i32 to index
      %swap3A_224 = tpu.vector_load %arg5[%swap3A_221, %swap3A_222, %swap3A_223] {strides = array<i32>} : memref<2x16x1024xf32, #tpu.memory_space<vmem>>, vector<16xf32>,
      tpu.vector_store %arg5[%swap3A_221, %swap3A_222, %swap3A_223], %broadcast_in_dim3A_3 {strides = array<i32>} : memref<2x16x1024xf32, #tpu.memory_space<vmem>>, vector<16xf32>,
      %mul3A_225 = arith.constant 16 : i32
      %mul3A_226 = arith.muli %scan3A_48, %mul3A_225 : i32
      %swap3A_227 = arith.constant 1 : i32
      %swap3A_228 = arith.constant 6 : i32
      %swap3A_229 = arith.index_cast %swap3A_227 : i32 to index
      %swap3A_230 = arith.index_cast %swap3A_228 : i32 to index
      %swap3A_231 = arith.index_cast %mul3A_226 : i32 to index
      %swap3A_232 = tpu.vector_load %arg5[%swap3A_229, %swap3A_230, %swap3A_231] {strides = array<i32>} : memref<2x16x1024xf32, #tpu.memory_space<vmem>>, vector<16xf32>,
      tpu.vector_store %arg5[%swap3A_229, %swap3A_230, %swap3A_231], %broadcast_in_dim3A_3 {strides = array<i32>} : memref<2x16x1024xf32, #tpu.memory_space<vmem>>, vector<16xf32>,
      %mul3A_233 = arith.constant 16 : i32
      %mul3A_234 = arith.muli %scan3A_48, %mul3A_233 : i32
      %swap3A_235 = arith.constant 1 : i32
      %swap3A_236 = arith.constant 7 : i32
      %swap3A_237 = arith.index_cast %swap3A_235 : i32 to index
      %swap3A_238 = arith.index_cast %swap3A_236 : i32 to index
      %swap3A_239 = arith.index_cast %mul3A_234 : i32 to index
      %swap3A_240 = tpu.vector_load %arg5[%swap3A_237, %swap3A_238, %swap3A_239] {strides = array<i32>} : memref<2x16x1024xf32, #tpu.memory_space<vmem>>, vector<16xf32>,
      tpu.vector_store %arg5[%swap3A_237, %swap3A_238, %swap3A_239], %broadcast_in_dim3A_3 {strides = array<i32>} : memref<2x16x1024xf32, #tpu.memory_space<vmem>>, vector<16xf32>,
      %mul3A_241 = arith.constant 16 : i32
      %mul3A_242 = arith.muli %scan3A_48, %mul3A_241 : i32
      %swap3A_243 = arith.constant 1 : i32
      %swap3A_244 = arith.constant 8 : i32
      %swap3A_245 = arith.index_cast %swap3A_243 : i32 to index
      %swap3A_246 = arith.index_cast %swap3A_244 : i32 to index
      %swap3A_247 = arith.index_cast %mul3A_242 : i32 to index
      %swap3A_248 = tpu.vector_load %arg5[%swap3A_245, %swap3A_246, %swap3A_247] {strides = array<i32>} : memref<2x16x1024xf32, #tpu.memory_space<vmem>>, vector<16xf32>,
      tpu.vector_store %arg5[%swap3A_245, %swap3A_246, %swap3A_247], %broadcast_in_dim3A_3 {strides = array<i32>} : memref<2x16x1024xf32, #tpu.memory_space<vmem>>, vector<16xf32>,
      %mul3A_249 = arith.constant 16 : i32
      %mul3A_250 = arith.muli %scan3A_48, %mul3A_249 : i32
      %swap3A_251 = arith.constant 1 : i32
      %swap3A_252 = arith.constant 9 : i32
      %swap3A_253 = arith.index_cast %swap3A_251 : i32 to index
      %swap3A_254 = arith.index_cast %swap3A_252 : i32 to index
      %swap3A_255 = arith.index_cast %mul3A_250 : i32 to index
      %swap3A_256 = tpu.vector_load %arg5[%swap3A_253, %swap3A_254, %swap3A_255] {strides = array<i32>} : memref<2x16x1024xf32, #tpu.memory_space<vmem>>, vector<16xf32>,
      tpu.vector_store %arg5[%swap3A_253, %swap3A_254, %swap3A_255], %broadcast_in_dim3A_3 {strides = array<i32>} : memref<2x16x1024xf32, #tpu.memory_space<vmem>>, vector<16xf32>,
      %mul3A_257 = arith.constant 16 : i32
      %mul3A_258 = arith.muli %scan3A_48, %mul3A_257 : i32
      %swap3A_259 = arith.constant 1 : i32
      %swap3A_260 = arith.constant 10 : i32
      %swap3A_261 = arith.index_cast %swap3A_259 : i32 to index
      %swap3A_262 = arith.index_cast %swap3A_260 : i32 to index
      %swap3A_263 = arith.index_cast %mul3A_258 : i32 to index
      %swap3A_264 = tpu.vector_load %arg5[%swap3A_261, %swap3A_262, %swap3A_263] {strides = array<i32>} : memref<2x16x1024xf32, #tpu.memory_space<vmem>>, vector<16xf32>,
      tpu.vector_store %arg5[%swap3A_261, %swap3A_262, %swap3A_263], %broadcast_in_dim3A_3 {strides = array<i32>} : memref<2x16x1024xf32, #tpu.memory_space<vmem>>, vector<16xf32>,
      %mul3A_265 = arith.constant 16 : i32
      %mul3A_266 = arith.muli %scan3A_48, %mul3A_265 : i32
      %swap3A_267 = arith.constant 1 : i32
      %swap3A_268 = arith.constant 11 : i32
      %swap3A_269 = arith.index_cast %swap3A_267 : i32 to index
      %swap3A_270 = arith.index_cast %swap3A_268 : i32 to index
      %swap3A_271 = arith.index_cast %mul3A_266 : i32 to index
      %swap3A_272 = tpu.vector_load %arg5[%swap3A_269, %swap3A_270, %swap3A_271] {strides = array<i32>} : memref<2x16x1024xf32, #tpu.memory_space<vmem>>, vector<16xf32>,
      tpu.vector_store %arg5[%swap3A_269, %swap3A_270, %swap3A_271], %broadcast_in_dim3A_3 {strides = array<i32>} : memref<2x16x1024xf32, #tpu.memory_space<vmem>>, vector<16xf32>,
      %mul3A_273 = arith.constant 16 : i32
      %mul3A_274 = arith.muli %scan3A_48, %mul3A_273 : i32
      %swap3A_275 = arith.constant 1 : i32
      %swap3A_276 = arith.constant 12 : i32
      %swap3A_277 = arith.index_cast %swap3A_275 : i32 to index
      %swap3A_278 = arith.index_cast %swap3A_276 : i32 to index
      %swap3A_279 = arith.index_cast %mul3A_274 : i32 to index
      %swap3A_280 = tpu.vector_load %arg5[%swap3A_277, %swap3A_278, %swap3A_279] {strides = array<i32>} : memref<2x16x1024xf32, #tpu.memory_space<vmem>>, vector<16xf32>,
      tpu.vector_store %arg5[%swap3A_277, %swap3A_278, %swap3A_279], %broadcast_in_dim3A_3 {strides = array<i32>} : memref<2x16x1024xf32, #tpu.memory_space<vmem>>, vector<16xf32>,
      %mul3A_281 = arith.constant 16 : i32
      %mul3A_282 = arith.muli %scan3A_48, %mul3A_281 : i32
      %swap3A_283 = arith.constant 1 : i32
      %swap3A_284 = arith.constant 13 : i32
      %swap3A_285 = arith.index_cast %swap3A_283 : i32 to index
      %swap3A_286 = arith.index_cast %swap3A_284 : i32 to index
      %swap3A_287 = arith.index_cast %mul3A_282 : i32 to index
      %swap3A_288 = tpu.vector_load %arg5[%swap3A_285, %swap3A_286, %swap3A_287] {strides = array<i32>} : memref<2x16x1024xf32, #tpu.memory_space<vmem>>, vector<16xf32>,
      tpu.vector_store %arg5[%swap3A_285, %swap3A_286, %swap3A_287], %broadcast_in_dim3A_3 {strides = array<i32>} : memref<2x16x1024xf32, #tpu.memory_space<vmem>>, vector<16xf32>,
      %mul3A_289 = arith.constant 16 : i32
      %mul3A_290 = arith.muli %scan3A_48, %mul3A_289 : i32
      %swap3A_291 = arith.constant 1 : i32
      %swap3A_292 = arith.constant 14 : i32
      %swap3A_293 = arith.index_cast %swap3A_291 : i32 to index
      %swap3A_294 = arith.index_cast %swap3A_292 : i32 to index
      %swap3A_295 = arith.index_cast %mul3A_290 : i32 to index
      %swap3A_296 = tpu.vector_load %arg5[%swap3A_293, %swap3A_294, %swap3A_295] {strides = array<i32>} : memref<2x16x1024xf32, #tpu.memory_space<vmem>>, vector<16xf32>,
      tpu.vector_store %arg5[%swap3A_293, %swap3A_294, %swap3A_295], %broadcast_in_dim3A_3 {strides = array<i32>} : memref<2x16x1024xf32, #tpu.memory_space<vmem>>, vector<16xf32>,
      %mul3A_297 = arith.constant 16 : i32
      %mul3A_298 = arith.muli %scan3A_48, %mul3A_297 : i32
      %swap3A_299 = arith.constant 1 : i32
      %swap3A_300 = arith.constant 15 : i32
      %swap3A_301 = arith.index_cast %swap3A_299 : i32 to index
      %swap3A_302 = arith.index_cast %swap3A_300 : i32 to index
      %swap3A_303 = arith.index_cast %mul3A_298 : i32 to index
      %swap3A_304 = tpu.vector_load %arg5[%swap3A_301, %swap3A_302, %swap3A_303] {strides = array<i32>} : memref<2x16x1024xf32, #tpu.memory_space<vmem>>, vector<16xf32>,
      tpu.vector_store %arg5[%swap3A_301, %swap3A_302, %swap3A_303], %broadcast_in_dim3A_3 {strides = array<i32>} : memref<2x16x1024xf32, #tpu.memory_space<vmem>>, vector<16xf32>,
      %scan3A_305 = arith.constant 0 : i32
      scf.yield %scan3A_305 : i32
    }
    %scan3A_11 = arith.constant 64 : i32
    %scan3A_12 = arith.constant 0 : i32
    %scan3A_13 = arith.constant 0 : i32
    %scan3A_14 = arith.constant 3 : i32
    %scan3A_15 = arith.addi %scan3A_13, %scan3A_14 : i32
    %scan3A_16 = arith.constant 1 : i32
    %scan3A_17 = scf.for %scan3A_48 = %scan3A_13 to %scan3A_15 step %scan3A_16 iter_args(%scan3A_49 = %scan3A_12) -> (i32)  : i32 {
      %mul3A_50 = arith.constant 4 : i32
      %mul3A_51 = arith.muli %scan3A_48, %mul3A_50 : i32
      %add3A_52 = arith.constant 0 : i32
      %add3A_53 = arith.addi %mul3A_51, %add3A_52 : i32
      %mul3A_54 = arith.constant 32 : i32
      %mul3A_55 = arith.muli %add3A_53, %mul3A_54 : i32
      %add3A_56 = arith.addi %mul3A_55, %add3A : i32
      %add3A_57 = arith.constant 32 : i32
      %add3A_58 = arith.addi %add3A_56, %add3A_57 : i32
      %lt3A_59 = arith.constant 327 : i32
      %lt3A_60 = arith.cmpi slt, %add3A_58, %lt3A_59 : i32
      %convert_element_type3A_61 = arith.extui %lt3A_60 : i1 to i32
      %cond3A_62 = arith.constant 0 : i32
      %cond3A_63 = arith.cmpi ne, %convert_element_type3A_61, %cond3A_62 : i32
      scf.if %cond3A_63 {
        %mul3A_209 = arith.constant 16 : i32
        %mul3A_210 = arith.muli %add3A_58, %mul3A_209 : i32
        %dma_start3A = arith.constant 1 : i32
        %dma_start3A_211 = arith.constant 0 : i32
        %dma_start3A_212 = arith.constant 0 : i32
        %dma_start3A_213 = tpu.memref_slice %arg4[%dma_start3A, %dma_start3A_211, %dma_start3A_212] : memref<4x16x64xi32, #tpu.memory_space<vmem>> -> memref<1x16x64xi32, #tpu.memory_space<vmem>>
        %dma_start3A_214 = tpu.memref_squeeze %dma_start3A_213 : memref<1x16x64xi32, #tpu.memory_space<vmem>> -> memref<16x64xi32, #tpu.memory_space<vmem>>
        %dma_start3A_215 = arith.constant 0 : i32
        %dma_start3A_216 = tpu.memref_slice %arg2[%mul3A_210, %dma_start3A_215] : memref<5232x64xi32, #tpu.memory_space<hbm>> -> memref<16x64xi32, #tpu.memory_space<hbm>>
        %dma_start3A_217 = arith.constant 0 : i32
        %dma_start3A_218 = arith.constant 0 : i32
        %dma_start3A_219 = tpu.memref_slice %arg4[%dma_start3A, %dma_start3A_217, %dma_start3A_218] : memref<4x16x64xi32, #tpu.memory_space<vmem>> -> memref<1x16x64xi32, #tpu.memory_space<vmem>>
        %dma_start3A_220 = tpu.memref_squeeze %dma_start3A_219 : memref<1x16x64xi32, #tpu.memory_space<vmem>> -> memref<16x64xi32, #tpu.memory_space<vmem>>
        %dma_start3A_221 = arith.constant 0 : i32
        %dma_start3A_222 = tpu.memref_slice %arg2[%mul3A_210, %dma_start3A_221] : memref<5232x64xi32, #tpu.memory_space<hbm>> -> memref<16x64xi32, #tpu.memory_space<hbm>>
        tpu.enqueue_dma source(%dma_start3A_222 : memref<16x64xi32, #tpu.memory_space<hbm>>) target(%dma_start3A_220 : memref<16x64xi32, #tpu.memory_space<vmem>>) target_semaphore(%arg9 : memref<!tpu.dma_semaphore, #tpu.memory_space<semaphore_mem>>)
      } else {
      }
      %lt3A_64 = arith.constant 327 : i32
      %lt3A_65 = arith.cmpi slt, %add3A_56, %lt3A_64 : i32
      %convert_element_type3A_66 = arith.extui %lt3A_65 : i1 to i32
      %cond3A_67 = arith.constant 0 : i32
      %cond3A_68 = arith.cmpi ne, %convert_element_type3A_66, %cond3A_67 : i32
      scf.if %cond3A_68 {
        %mul3A_209 = arith.constant 16 : i32
        %mul3A_210 = arith.muli %add3A_56, %mul3A_209 : i32
        %dma_wait3A_211 = arith.constant 0 : i32
        %dma_wait3A_212 = arith.constant 0 : i32
        %dma_wait3A_213 = arith.constant 0 : i32
        %dma_wait3A_214 = tpu.memref_slice %arg4[%dma_wait3A_211, %dma_wait3A_212, %dma_wait3A_213] : memref<4x16x64xi32, #tpu.memory_space<vmem>> -> memref<1x16x64xi32, #tpu.memory_space<vmem>>
        %dma_wait3A_215 = tpu.memref_squeeze %dma_wait3A_214 : memref<1x16x64xi32, #tpu.memory_space<vmem>> -> memref<16x64xi32, #tpu.memory_space<vmem>>
        %dma_wait3A_216 = arith.constant 0 : i32
        %dma_wait3A_217 = tpu.memref_slice %arg2[%mul3A_210, %dma_wait3A_216] : memref<5232x64xi32, #tpu.memory_space<hbm>> -> memref<16x64xi32, #tpu.memory_space<hbm>>
        %dma_wait3A_218 = arith.constant 0 : i32
        %dma_wait3A_219 = arith.constant 0 : i32
        %dma_wait3A_220 = tpu.memref_slice %arg4[%dma_wait3A_211, %dma_wait3A_218, %dma_wait3A_219] : memref<4x16x64xi32, #tpu.memory_space<vmem>> -> memref<1x16x64xi32, #tpu.memory_space<vmem>>
        %dma_wait3A_221 = tpu.memref_squeeze %dma_wait3A_220 : memref<1x16x64xi32, #tpu.memory_space<vmem>> -> memref<16x64xi32, #tpu.memory_space<vmem>>
        %dma_wait3A_222 = arith.constant 0 : i32
        %dma_wait3A_223 = tpu.memref_slice %arg2[%mul3A_210, %dma_wait3A_222] : memref<5232x64xi32, #tpu.memory_space<hbm>> -> memref<16x64xi32, #tpu.memory_space<hbm>>
        tpu.wait_dma2 semaphore(%arg8 : memref<!tpu.dma_semaphore, #tpu.memory_space<semaphore_mem>>) src(%dma_wait3A_223 : memref<16x64xi32, #tpu.memory_space<hbm>>) dst(%dma_wait3A_221 : memref<16x64xi32, #tpu.memory_space<vmem>>)
      } else {
      }
      %lt3A_69 = arith.constant 327 : i32
      %lt3A_70 = arith.cmpi slt, %add3A_56, %lt3A_69 : i32
      %ge3A = arith.constant 2 : i32
      %ge3A_71 = arith.cmpi sge, %add3A_53, %ge3A : i32
      %and3A = arith.andi %lt3A_70, %ge3A_71 : i1
      %convert_element_type3A_72 = arith.extui %and3A : i1 to i32
      %cond3A_73 = arith.constant 0 : i32
      %cond3A_74 = arith.cmpi ne, %convert_element_type3A_72, %cond3A_73 : i32
      scf.if %cond3A_74 {
        %sub3A = arith.constant 64 : i32
        %sub3A_209 = arith.subi %add3A_56, %sub3A : i32
        %mul3A_210 = arith.constant 16 : i32
        %mul3A_211 = arith.muli %sub3A_209, %mul3A_210 : i32
        %dma_wait3A_212 = arith.constant 0 : i32
        %dma_wait3A_213 = arith.constant 0 : i32
        %dma_wait3A_214 = arith.constant 0 : i32
        %dma_wait3A_215 = tpu.memref_slice %arg5[%dma_wait3A_212, %dma_wait3A_213, %dma_wait3A_214] : memref<2x16x1024xf32, #tpu.memory_space<vmem>> -> memref<1x16x1024xf32, #tpu.memory_space<vmem>>
        %dma_wait3A_216 = tpu.memref_squeeze %dma_wait3A_215 : memref<1x16x1024xf32, #tpu.memory_space<vmem>> -> memref<16x1024xf32, #tpu.memory_space<vmem>>
        %dma_wait3A_217 = arith.constant 0 : i32
        %dma_wait3A_218 = tpu.memref_slice %arg3[%mul3A_211, %dma_wait3A_217] : memref<5232x1024xf32, #tpu.memory_space<hbm>> -> memref<16x1024xf32, #tpu.memory_space<hbm>>
        %dma_wait3A_219 = arith.constant 0 : i32
        %dma_wait3A_220 = tpu.memref_slice %arg3[%mul3A_211, %dma_wait3A_219] : memref<5232x1024xf32, #tpu.memory_space<hbm>> -> memref<16x1024xf32, #tpu.memory_space<hbm>>
        %dma_wait3A_221 = arith.constant 0 : i32
        %dma_wait3A_222 = arith.constant 0 : i32
        %dma_wait3A_223 = tpu.memref_slice %arg5[%dma_wait3A_212, %dma_wait3A_221, %dma_wait3A_222] : memref<2x16x1024xf32, #tpu.memory_space<vmem>> -> memref<1x16x1024xf32, #tpu.memory_space<vmem>>
        %dma_wait3A_224 = tpu.memref_squeeze %dma_wait3A_223 : memref<1x16x1024xf32, #tpu.memory_space<vmem>> -> memref<16x1024xf32, #tpu.memory_space<vmem>>
        tpu.wait_dma2 semaphore(%arg6 : memref<!tpu.dma_semaphore, #tpu.memory_space<semaphore_mem>>) src(%dma_wait3A_224 : memref<16x1024xf32, #tpu.memory_space<vmem>>) dst(%dma_wait3A_220 : memref<16x1024xf32, #tpu.memory_space<hbm>>)
        %scan3A_225 = arith.constant 0 : i32
        %scan3A_226 = arith.constant 0 : i32
        %scan3A_227 = arith.constant 64 : i32
        %scan3A_228 = arith.addi %scan3A_226, %scan3A_227 : i32
        %scan3A_229 = arith.constant 4 : i32
        %scan3A_230 = scf.for %scan3A_232 = %scan3A_226 to %scan3A_228 step %scan3A_229 iter_args(%scan3A_233 = %scan3A_225) -> (i32)  : i32 {
          %broadcast_in_dim3A_234 = vector.broadcast %scan3A_232 : i32 to vector<16xi32>
          %gather3A = arith.constant 2 : i32
          %gather3A_235 = arith.constant 0 : i32
          %gather3A_236 = arith.constant 0 : i32
          %gather3A_237 = tpu.memref_slice %arg4[%gather3A, %gather3A_235, %gather3A_236] : memref<4x16x64xi32, #tpu.memory_space<vmem>> -> memref<1x16x64xi32, #tpu.memory_space<vmem>>
          %gather3A_238 = tpu.memref_squeeze %gather3A_237 : memref<1x16x64xi32, #tpu.memory_space<vmem>> -> memref<16x64xi32, #tpu.memory_space<vmem>>
          %gather3A_239 = tpu.vector_load_idx %gather3A_238[%iota3A, %broadcast_in_dim3A_234] : memref<16x64xi32, #tpu.memory_space<vmem>>[vector<16xi32>, vector<16xi32>], vector<16xi32>,
          %gather3A_240 = arith.constant 0 : i32
          %gather3A_241 = arith.constant 0 : i32
          %gather3A_242 = arith.constant 0 : i32
          %gather3A_243 = tpu.memref_slice %arg4[%gather3A_240, %gather3A_241, %gather3A_242] : memref<4x16x64xi32, #tpu.memory_space<vmem>> -> memref<1x16x64xi32, #tpu.memory_space<vmem>>
          %gather3A_244 = tpu.memref_squeeze %gather3A_243 : memref<1x16x64xi32, #tpu.memory_space<vmem>> -> memref<16x64xi32, #tpu.memory_space<vmem>>
          %gather3A_245 = tpu.vector_load_idx %gather3A_244[%iota3A, %broadcast_in_dim3A_234] : memref<16x64xi32, #tpu.memory_space<vmem>>[vector<16xi32>, vector<16xi32>], vector<16xi32>,
          %neg3A = arith.constant 0.000000e+00 : f32
          %neg3A_246 = vector.broadcast %neg3A : f32 to vector<16xf32>
          %neg3A_247 = arith.subf %neg3A_246, %broadcast_in_dim3A_1 : vector<16xf32>
          %scatter3A = arith.constant 0 : i32
          %scatter3A_248 = arith.constant 0 : i32
          %scatter3A_249 = arith.constant 0 : i32
          %scatter3A_250 = tpu.memref_slice %arg5[%scatter3A, %scatter3A_248, %scatter3A_249] : memref<2x16x1024xf32, #tpu.memory_space<vmem>> -> memref<1x16x1024xf32, #tpu.memory_space<vmem>>
          %scatter3A_251 = tpu.memref_squeeze %scatter3A_250 : memref<1x16x1024xf32, #tpu.memory_space<vmem>> -> memref<16x1024xf32, #tpu.memory_space<vmem>>
          tpu.vector_store_idx %scatter3A_251[%iota3A, %gather3A_239], %neg3A_247 {add = true} : memref<16x1024xf32, #tpu.memory_space<vmem>>[vector<16xi32>, vector<16xi32>], vector<16xf32>,
          %scatter3A_252 = arith.constant 0 : i32
          %scatter3A_253 = arith.constant 0 : i32
          %scatter3A_254 = arith.constant 0 : i32
          %scatter3A_255 = tpu.memref_slice %arg5[%scatter3A_252, %scatter3A_253, %scatter3A_254] : memref<2x16x1024xf32, #tpu.memory_space<vmem>> -> memref<1x16x1024xf32, #tpu.memory_space<vmem>>
          %scatter3A_256 = tpu.memref_squeeze %scatter3A_255 : memref<1x16x1024xf32, #tpu.memory_space<vmem>> -> memref<16x1024xf32, #tpu.memory_space<vmem>>
          tpu.vector_store_idx %scatter3A_256[%iota3A, %gather3A_245], %broadcast_in_dim3A_1 {add = true} : memref<16x1024xf32, #tpu.memory_space<vmem>>[vector<16xi32>, vector<16xi32>], vector<16xf32>,
          %scan3A_257 = arith.constant 0 : i32
          %scan3A_258 = arith.constant 1 : i32
          %scan3A_259 = arith.addi %scan3A_232, %scan3A_258 : i32
          %broadcast_in_dim3A_260 = vector.broadcast %scan3A_259 : i32 to vector<16xi32>
          %gather3A_261 = arith.constant 2 : i32
          %gather3A_262 = arith.constant 0 : i32
          %gather3A_263 = arith.constant 0 : i32
          %gather3A_264 = tpu.memref_slice %arg4[%gather3A_261, %gather3A_262, %gather3A_263] : memref<4x16x64xi32, #tpu.memory_space<vmem>> -> memref<1x16x64xi32, #tpu.memory_space<vmem>>
          %gather3A_265 = tpu.memref_squeeze %gather3A_264 : memref<1x16x64xi32, #tpu.memory_space<vmem>> -> memref<16x64xi32, #tpu.memory_space<vmem>>
          %gather3A_266 = tpu.vector_load_idx %gather3A_265[%iota3A, %broadcast_in_dim3A_260] : memref<16x64xi32, #tpu.memory_space<vmem>>[vector<16xi32>, vector<16xi32>], vector<16xi32>,
          %gather3A_267 = arith.constant 0 : i32
          %gather3A_268 = arith.constant 0 : i32
          %gather3A_269 = arith.constant 0 : i32
          %gather3A_270 = tpu.memref_slice %arg4[%gather3A_267, %gather3A_268, %gather3A_269] : memref<4x16x64xi32, #tpu.memory_space<vmem>> -> memref<1x16x64xi32, #tpu.memory_space<vmem>>
          %gather3A_271 = tpu.memref_squeeze %gather3A_270 : memref<1x16x64xi32, #tpu.memory_space<vmem>> -> memref<16x64xi32, #tpu.memory_space<vmem>>
          %gather3A_272 = tpu.vector_load_idx %gather3A_271[%iota3A, %broadcast_in_dim3A_260] : memref<16x64xi32, #tpu.memory_space<vmem>>[vector<16xi32>, vector<16xi32>], vector<16xi32>,
          %neg3A_273 = arith.constant 0.000000e+00 : f32
          %neg3A_274 = vector.broadcast %neg3A_273 : f32 to vector<16xf32>
          %neg3A_275 = arith.subf %neg3A_274, %broadcast_in_dim3A_1 : vector<16xf32>
          %scatter3A_276 = arith.constant 0 : i32
          %scatter3A_277 = arith.constant 0 : i32
          %scatter3A_278 = arith.constant 0 : i32
          %scatter3A_279 = tpu.memref_slice %arg5[%scatter3A_276, %scatter3A_277, %scatter3A_278] : memref<2x16x1024xf32, #tpu.memory_space<vmem>> -> memref<1x16x1024xf32, #tpu.memory_space<vmem>>
          %scatter3A_280 = tpu.memref_squeeze %scatter3A_279 : memref<1x16x1024xf32, #tpu.memory_space<vmem>> -> memref<16x1024xf32, #tpu.memory_space<vmem>>
          tpu.vector_store_idx %scatter3A_280[%iota3A, %gather3A_266], %neg3A_275 {add = true} : memref<16x1024xf32, #tpu.memory_space<vmem>>[vector<16xi32>, vector<16xi32>], vector<16xf32>,
          %scatter3A_281 = arith.constant 0 : i32
          %scatter3A_282 = arith.constant 0 : i32
          %scatter3A_283 = arith.constant 0 : i32
          %scatter3A_284 = tpu.memref_slice %arg5[%scatter3A_281, %scatter3A_282, %scatter3A_283] : memref<2x16x1024xf32, #tpu.memory_space<vmem>> -> memref<1x16x1024xf32, #tpu.memory_space<vmem>>
          %scatter3A_285 = tpu.memref_squeeze %scatter3A_284 : memref<1x16x1024xf32, #tpu.memory_space<vmem>> -> memref<16x1024xf32, #tpu.memory_space<vmem>>
          tpu.vector_store_idx %scatter3A_285[%iota3A, %gather3A_272], %broadcast_in_dim3A_1 {add = true} : memref<16x1024xf32, #tpu.memory_space<vmem>>[vector<16xi32>, vector<16xi32>], vector<16xf32>,
          %scan3A_286 = arith.constant 0 : i32
          %scan3A_287 = arith.constant 2 : i32
          %scan3A_288 = arith.addi %scan3A_232, %scan3A_287 : i32
          %broadcast_in_dim3A_289 = vector.broadcast %scan3A_288 : i32 to vector<16xi32>
          %gather3A_290 = arith.constant 2 : i32
          %gather3A_291 = arith.constant 0 : i32
          %gather3A_292 = arith.constant 0 : i32
          %gather3A_293 = tpu.memref_slice %arg4[%gather3A_290, %gather3A_291, %gather3A_292] : memref<4x16x64xi32, #tpu.memory_space<vmem>> -> memref<1x16x64xi32, #tpu.memory_space<vmem>>
          %gather3A_294 = tpu.memref_squeeze %gather3A_293 : memref<1x16x64xi32, #tpu.memory_space<vmem>> -> memref<16x64xi32, #tpu.memory_space<vmem>>
          %gather3A_295 = tpu.vector_load_idx %gather3A_294[%iota3A, %broadcast_in_dim3A_289] : memref<16x64xi32, #tpu.memory_space<vmem>>[vector<16xi32>, vector<16xi32>], vector<16xi32>,
          %gather3A_296 = arith.constant 0 : i32
          %gather3A_297 = arith.constant 0 : i32
          %gather3A_298 = arith.constant 0 : i32
          %gather3A_299 = tpu.memref_slice %arg4[%gather3A_296, %gather3A_297, %gather3A_298] : memref<4x16x64xi32, #tpu.memory_space<vmem>> -> memref<1x16x64xi32, #tpu.memory_space<vmem>>
          %gather3A_300 = tpu.memref_squeeze %gather3A_299 : memref<1x16x64xi32, #tpu.memory_space<vmem>> -> memref<16x64xi32, #tpu.memory_space<vmem>>
          %gather3A_301 = tpu.vector_load_idx %gather3A_300[%iota3A, %broadcast_in_dim3A_289] : memref<16x64xi32, #tpu.memory_space<vmem>>[vector<16xi32>, vector<16xi32>], vector<16xi32>,
          %neg3A_302 = arith.constant 0.000000e+00 : f32
          %neg3A_303 = vector.broadcast %neg3A_302 : f32 to vector<16xf32>
          %neg3A_304 = arith.subf %neg3A_303, %broadcast_in_dim3A_1 : vector<16xf32>
          %scatter3A_305 = arith.constant 0 : i32
          %scatter3A_306 = arith.constant 0 : i32
          %scatter3A_307 = arith.constant 0 : i32
          %scatter3A_308 = tpu.memref_slice %arg5[%scatter3A_305, %scatter3A_306, %scatter3A_307] : memref<2x16x1024xf32, #tpu.memory_space<vmem>> -> memref<1x16x1024xf32, #tpu.memory_space<vmem>>
          %scatter3A_309 = tpu.memref_squeeze %scatter3A_308 : memref<1x16x1024xf32, #tpu.memory_space<vmem>> -> memref<16x1024xf32, #tpu.memory_space<vmem>>
          tpu.vector_store_idx %scatter3A_309[%iota3A, %gather3A_295], %neg3A_304 {add = true} : memref<16x1024xf32, #tpu.memory_space<vmem>>[vector<16xi32>, vector<16xi32>], vector<16xf32>,
          %scatter3A_310 = arith.constant 0 : i32
          %scatter3A_311 = arith.constant 0 : i32
          %scatter3A_312 = arith.constant 0 : i32
          %scatter3A_313 = tpu.memref_slice %arg5[%scatter3A_310, %scatter3A_311, %scatter3A_312] : memref<2x16x1024xf32, #tpu.memory_space<vmem>> -> memref<1x16x1024xf32, #tpu.memory_space<vmem>>
          %scatter3A_314 = tpu.memref_squeeze %scatter3A_313 : memref<1x16x1024xf32, #tpu.memory_space<vmem>> -> memref<16x1024xf32, #tpu.memory_space<vmem>>
          tpu.vector_store_idx %scatter3A_314[%iota3A, %gather3A_301], %broadcast_in_dim3A_1 {add = true} : memref<16x1024xf32, #tpu.memory_space<vmem>>[vector<16xi32>, vector<16xi32>], vector<16xf32>,
          %scan3A_315 = arith.constant 0 : i32
          %scan3A_316 = arith.constant 3 : i32
          %scan3A_317 = arith.addi %scan3A_232, %scan3A_316 : i32
          %broadcast_in_dim3A_318 = vector.broadcast %scan3A_317 : i32 to vector<16xi32>
          %gather3A_319 = arith.constant 2 : i32
          %gather3A_320 = arith.constant 0 : i32
          %gather3A_321 = arith.constant 0 : i32
          %gather3A_322 = tpu.memref_slice %arg4[%gather3A_319, %gather3A_320, %gather3A_321] : memref<4x16x64xi32, #tpu.memory_space<vmem>> -> memref<1x16x64xi32, #tpu.memory_space<vmem>>
          %gather3A_323 = tpu.memref_squeeze %gather3A_322 : memref<1x16x64xi32, #tpu.memory_space<vmem>> -> memref<16x64xi32, #tpu.memory_space<vmem>>
          %gather3A_324 = tpu.vector_load_idx %gather3A_323[%iota3A, %broadcast_in_dim3A_318] : memref<16x64xi32, #tpu.memory_space<vmem>>[vector<16xi32>, vector<16xi32>], vector<16xi32>,
          %gather3A_325 = arith.constant 0 : i32
          %gather3A_326 = arith.constant 0 : i32
          %gather3A_327 = arith.constant 0 : i32
          %gather3A_328 = tpu.memref_slice %arg4[%gather3A_325, %gather3A_326, %gather3A_327] : memref<4x16x64xi32, #tpu.memory_space<vmem>> -> memref<1x16x64xi32, #tpu.memory_space<vmem>>
          %gather3A_329 = tpu.memref_squeeze %gather3A_328 : memref<1x16x64xi32, #tpu.memory_space<vmem>> -> memref<16x64xi32, #tpu.memory_space<vmem>>
          %gather3A_330 = tpu.vector_load_idx %gather3A_329[%iota3A, %broadcast_in_dim3A_318] : memref<16x64xi32, #tpu.memory_space<vmem>>[vector<16xi32>, vector<16xi32>], vector<16xi32>,
          %neg3A_331 = arith.constant 0.000000e+00 : f32
          %neg3A_332 = vector.broadcast %neg3A_331 : f32 to vector<16xf32>
          %neg3A_333 = arith.subf %neg3A_332, %broadcast_in_dim3A_1 : vector<16xf32>
          %scatter3A_334 = arith.constant 0 : i32
          %scatter3A_335 = arith.constant 0 : i32
          %scatter3A_336 = arith.constant 0 : i32
          %scatter3A_337 = tpu.memref_slice %arg5[%scatter3A_334, %scatter3A_335, %scatter3A_336] : memref<2x16x1024xf32, #tpu.memory_space<vmem>> -> memref<1x16x1024xf32, #tpu.memory_space<vmem>>
          %scatter3A_338 = tpu.memref_squeeze %scatter3A_337 : memref<1x16x1024xf32, #tpu.memory_space<vmem>> -> memref<16x1024xf32, #tpu.memory_space<vmem>>
          tpu.vector_store_idx %scatter3A_338[%iota3A, %gather3A_324], %neg3A_333 {add = true} : memref<16x1024xf32, #tpu.memory_space<vmem>>[vector<16xi32>, vector<16xi32>], vector<16xf32>,
          %scatter3A_339 = arith.constant 0 : i32
          %scatter3A_340 = arith.constant 0 : i32
          %scatter3A_341 = arith.constant 0 : i32
          %scatter3A_342 = tpu.memref_slice %arg5[%scatter3A_339, %scatter3A_340, %scatter3A_341] : memref<2x16x1024xf32, #tpu.memory_space<vmem>> -> memref<1x16x1024xf32, #tpu.memory_space<vmem>>
          %scatter3A_343 = tpu.memref_squeeze %scatter3A_342 : memref<1x16x1024xf32, #tpu.memory_space<vmem>> -> memref<16x1024xf32, #tpu.memory_space<vmem>>
          tpu.vector_store_idx %scatter3A_343[%iota3A, %gather3A_330], %broadcast_in_dim3A_1 {add = true} : memref<16x1024xf32, #tpu.memory_space<vmem>>[vector<16xi32>, vector<16xi32>], vector<16xf32>,
          %scan3A_344 = arith.constant 0 : i32
          scf.yield %scan3A_344 : i32
        }
        %scan3A_231 = arith.constant 64 : i32
      } else {
      }
      %lt3A_75 = arith.constant 327 : i32
      %lt3A_76 = arith.cmpi slt, %add3A_56, %lt3A_75 : i32
      %lt3A_77 = arith.constant 2 : i32
      %lt3A_78 = arith.cmpi slt, %add3A_53, %lt3A_77 : i32
      %and3A_79 = arith.andi %lt3A_76, %lt3A_78 : i1
      %convert_element_type3A_80 = arith.extui %and3A_79 : i1 to i32
      %cond3A_81 = arith.constant 0 : i32
      %cond3A_82 = arith.cmpi ne, %convert_element_type3A_80, %cond3A_81 : i32
      scf.if %cond3A_82 {
        %scan3A_209 = arith.constant 0 : i32
        %scan3A_210 = arith.constant 0 : i32
        %scan3A_211 = arith.constant 64 : i32
        %scan3A_212 = arith.addi %scan3A_210, %scan3A_211 : i32
        %scan3A_213 = arith.constant 8 : i32
        %scan3A_214 = scf.for %scan3A_216 = %scan3A_210 to %scan3A_212 step %scan3A_213 iter_args(%scan3A_217 = %scan3A_209) -> (i32)  : i32 {
          %broadcast_in_dim3A_218 = vector.broadcast %scan3A_216 : i32 to vector<16xi32>
          %gather3A = arith.constant 0 : i32
          %gather3A_219 = arith.constant 0 : i32
          %gather3A_220 = arith.constant 0 : i32
          %gather3A_221 = tpu.memref_slice %arg4[%gather3A, %gather3A_219, %gather3A_220] : memref<4x16x64xi32, #tpu.memory_space<vmem>> -> memref<1x16x64xi32, #tpu.memory_space<vmem>>
          %gather3A_222 = tpu.memref_squeeze %gather3A_221 : memref<1x16x64xi32, #tpu.memory_space<vmem>> -> memref<16x64xi32, #tpu.memory_space<vmem>>
          %gather3A_223 = tpu.vector_load_idx %gather3A_222[%iota3A, %broadcast_in_dim3A_218] : memref<16x64xi32, #tpu.memory_space<vmem>>[vector<16xi32>, vector<16xi32>], vector<16xi32>,
          %scatter3A = arith.constant 0 : i32
          %scatter3A_224 = arith.constant 0 : i32
          %scatter3A_225 = arith.constant 0 : i32
          %scatter3A_226 = tpu.memref_slice %arg5[%scatter3A, %scatter3A_224, %scatter3A_225] : memref<2x16x1024xf32, #tpu.memory_space<vmem>> -> memref<1x16x1024xf32, #tpu.memory_space<vmem>>
          %scatter3A_227 = tpu.memref_squeeze %scatter3A_226 : memref<1x16x1024xf32, #tpu.memory_space<vmem>> -> memref<16x1024xf32, #tpu.memory_space<vmem>>
          tpu.vector_store_idx %scatter3A_227[%iota3A, %gather3A_223], %broadcast_in_dim3A_1 {add = true} : memref<16x1024xf32, #tpu.memory_space<vmem>>[vector<16xi32>, vector<16xi32>], vector<16xf32>,
          %scan3A_228 = arith.constant 0 : i32
          %scan3A_229 = arith.constant 1 : i32
          %scan3A_230 = arith.addi %scan3A_216, %scan3A_229 : i32
          %broadcast_in_dim3A_231 = vector.broadcast %scan3A_230 : i32 to vector<16xi32>
          %gather3A_232 = arith.constant 0 : i32
          %gather3A_233 = arith.constant 0 : i32
          %gather3A_234 = arith.constant 0 : i32
          %gather3A_235 = tpu.memref_slice %arg4[%gather3A_232, %gather3A_233, %gather3A_234] : memref<4x16x64xi32, #tpu.memory_space<vmem>> -> memref<1x16x64xi32, #tpu.memory_space<vmem>>
          %gather3A_236 = tpu.memref_squeeze %gather3A_235 : memref<1x16x64xi32, #tpu.memory_space<vmem>> -> memref<16x64xi32, #tpu.memory_space<vmem>>
          %gather3A_237 = tpu.vector_load_idx %gather3A_236[%iota3A, %broadcast_in_dim3A_231] : memref<16x64xi32, #tpu.memory_space<vmem>>[vector<16xi32>, vector<16xi32>], vector<16xi32>,
          %scatter3A_238 = arith.constant 0 : i32
          %scatter3A_239 = arith.constant 0 : i32
          %scatter3A_240 = arith.constant 0 : i32
          %scatter3A_241 = tpu.memref_slice %arg5[%scatter3A_238, %scatter3A_239, %scatter3A_240] : memref<2x16x1024xf32, #tpu.memory_space<vmem>> -> memref<1x16x1024xf32, #tpu.memory_space<vmem>>
          %scatter3A_242 = tpu.memref_squeeze %scatter3A_241 : memref<1x16x1024xf32, #tpu.memory_space<vmem>> -> memref<16x1024xf32, #tpu.memory_space<vmem>>
          tpu.vector_store_idx %scatter3A_242[%iota3A, %gather3A_237], %broadcast_in_dim3A_1 {add = true} : memref<16x1024xf32, #tpu.memory_space<vmem>>[vector<16xi32>, vector<16xi32>], vector<16xf32>,
          %scan3A_243 = arith.constant 0 : i32
          %scan3A_244 = arith.constant 2 : i32
          %scan3A_245 = arith.addi %scan3A_216, %scan3A_244 : i32
          %broadcast_in_dim3A_246 = vector.broadcast %scan3A_245 : i32 to vector<16xi32>
          %gather3A_247 = arith.constant 0 : i32
          %gather3A_248 = arith.constant 0 : i32
          %gather3A_249 = arith.constant 0 : i32
          %gather3A_250 = tpu.memref_slice %arg4[%gather3A_247, %gather3A_248, %gather3A_249] : memref<4x16x64xi32, #tpu.memory_space<vmem>> -> memref<1x16x64xi32, #tpu.memory_space<vmem>>
          %gather3A_251 = tpu.memref_squeeze %gather3A_250 : memref<1x16x64xi32, #tpu.memory_space<vmem>> -> memref<16x64xi32, #tpu.memory_space<vmem>>
          %gather3A_252 = tpu.vector_load_idx %gather3A_251[%iota3A, %broadcast_in_dim3A_246] : memref<16x64xi32, #tpu.memory_space<vmem>>[vector<16xi32>, vector<16xi32>], vector<16xi32>,
          %scatter3A_253 = arith.constant 0 : i32
          %scatter3A_254 = arith.constant 0 : i32
          %scatter3A_255 = arith.constant 0 : i32
          %scatter3A_256 = tpu.memref_slice %arg5[%scatter3A_253, %scatter3A_254, %scatter3A_255] : memref<2x16x1024xf32, #tpu.memory_space<vmem>> -> memref<1x16x1024xf32, #tpu.memory_space<vmem>>
          %scatter3A_257 = tpu.memref_squeeze %scatter3A_256 : memref<1x16x1024xf32, #tpu.memory_space<vmem>> -> memref<16x1024xf32, #tpu.memory_space<vmem>>
          tpu.vector_store_idx %scatter3A_257[%iota3A, %gather3A_252], %broadcast_in_dim3A_1 {add = true} : memref<16x1024xf32, #tpu.memory_space<vmem>>[vector<16xi32>, vector<16xi32>], vector<16xf32>,
          %scan3A_258 = arith.constant 0 : i32
          %scan3A_259 = arith.constant 3 : i32
          %scan3A_260 = arith.addi %scan3A_216, %scan3A_259 : i32
          %broadcast_in_dim3A_261 = vector.broadcast %scan3A_260 : i32 to vector<16xi32>
          %gather3A_262 = arith.constant 0 : i32
          %gather3A_263 = arith.constant 0 : i32
          %gather3A_264 = arith.constant 0 : i32
          %gather3A_265 = tpu.memref_slice %arg4[%gather3A_262, %gather3A_263, %gather3A_264] : memref<4x16x64xi32, #tpu.memory_space<vmem>> -> memref<1x16x64xi32, #tpu.memory_space<vmem>>
          %gather3A_266 = tpu.memref_squeeze %gather3A_265 : memref<1x16x64xi32, #tpu.memory_space<vmem>> -> memref<16x64xi32, #tpu.memory_space<vmem>>
          %gather3A_267 = tpu.vector_load_idx %gather3A_266[%iota3A, %broadcast_in_dim3A_261] : memref<16x64xi32, #tpu.memory_space<vmem>>[vector<16xi32>, vector<16xi32>], vector<16xi32>,
          %scatter3A_268 = arith.constant 0 : i32
          %scatter3A_269 = arith.constant 0 : i32
          %scatter3A_270 = arith.constant 0 : i32
          %scatter3A_271 = tpu.memref_slice %arg5[%scatter3A_268, %scatter3A_269, %scatter3A_270] : memref<2x16x1024xf32, #tpu.memory_space<vmem>> -> memref<1x16x1024xf32, #tpu.memory_space<vmem>>
          %scatter3A_272 = tpu.memref_squeeze %scatter3A_271 : memref<1x16x1024xf32, #tpu.memory_space<vmem>> -> memref<16x1024xf32, #tpu.memory_space<vmem>>
          tpu.vector_store_idx %scatter3A_272[%iota3A, %gather3A_267], %broadcast_in_dim3A_1 {add = true} : memref<16x1024xf32, #tpu.memory_space<vmem>>[vector<16xi32>, vector<16xi32>], vector<16xf32>,
          %scan3A_273 = arith.constant 0 : i32
          %scan3A_274 = arith.constant 4 : i32
          %scan3A_275 = arith.addi %scan3A_216, %scan3A_274 : i32
          %broadcast_in_dim3A_276 = vector.broadcast %scan3A_275 : i32 to vector<16xi32>
          %gather3A_277 = arith.constant 0 : i32
          %gather3A_278 = arith.constant 0 : i32
          %gather3A_279 = arith.constant 0 : i32
          %gather3A_280 = tpu.memref_slice %arg4[%gather3A_277, %gather3A_278, %gather3A_279] : memref<4x16x64xi32, #tpu.memory_space<vmem>> -> memref<1x16x64xi32, #tpu.memory_space<vmem>>
          %gather3A_281 = tpu.memref_squeeze %gather3A_280 : memref<1x16x64xi32, #tpu.memory_space<vmem>> -> memref<16x64xi32, #tpu.memory_space<vmem>>
          %gather3A_282 = tpu.vector_load_idx %gather3A_281[%iota3A, %broadcast_in_dim3A_276] : memref<16x64xi32, #tpu.memory_space<vmem>>[vector<16xi32>, vector<16xi32>], vector<16xi32>,
          %scatter3A_283 = arith.constant 0 : i32
          %scatter3A_284 = arith.constant 0 : i32
          %scatter3A_285 = arith.constant 0 : i32
          %scatter3A_286 = tpu.memref_slice %arg5[%scatter3A_283, %scatter3A_284, %scatter3A_285] : memref<2x16x1024xf32, #tpu.memory_space<vmem>> -> memref<1x16x1024xf32, #tpu.memory_space<vmem>>
          %scatter3A_287 = tpu.memref_squeeze %scatter3A_286 : memref<1x16x1024xf32, #tpu.memory_space<vmem>> -> memref<16x1024xf32, #tpu.memory_space<vmem>>
          tpu.vector_store_idx %scatter3A_287[%iota3A, %gather3A_282], %broadcast_in_dim3A_1 {add = true} : memref<16x1024xf32, #tpu.memory_space<vmem>>[vector<16xi32>, vector<16xi32>], vector<16xf32>,
          %scan3A_288 = arith.constant 0 : i32
          %scan3A_289 = arith.constant 5 : i32
          %scan3A_290 = arith.addi %scan3A_216, %scan3A_289 : i32
          %broadcast_in_dim3A_291 = vector.broadcast %scan3A_290 : i32 to vector<16xi32>
          %gather3A_292 = arith.constant 0 : i32
          %gather3A_293 = arith.constant 0 : i32
          %gather3A_294 = arith.constant 0 : i32
          %gather3A_295 = tpu.memref_slice %arg4[%gather3A_292, %gather3A_293, %gather3A_294] : memref<4x16x64xi32, #tpu.memory_space<vmem>> -> memref<1x16x64xi32, #tpu.memory_space<vmem>>
          %gather3A_296 = tpu.memref_squeeze %gather3A_295 : memref<1x16x64xi32, #tpu.memory_space<vmem>> -> memref<16x64xi32, #tpu.memory_space<vmem>>
          %gather3A_297 = tpu.vector_load_idx %gather3A_296[%iota3A, %broadcast_in_dim3A_291] : memref<16x64xi32, #tpu.memory_space<vmem>>[vector<16xi32>, vector<16xi32>], vector<16xi32>,
          %scatter3A_298 = arith.constant 0 : i32
          %scatter3A_299 = arith.constant 0 : i32
          %scatter3A_300 = arith.constant 0 : i32
          %scatter3A_301 = tpu.memref_slice %arg5[%scatter3A_298, %scatter3A_299, %scatter3A_300] : memref<2x16x1024xf32, #tpu.memory_space<vmem>> -> memref<1x16x1024xf32, #tpu.memory_space<vmem>>
          %scatter3A_302 = tpu.memref_squeeze %scatter3A_301 : memref<1x16x1024xf32, #tpu.memory_space<vmem>> -> memref<16x1024xf32, #tpu.memory_space<vmem>>
          tpu.vector_store_idx %scatter3A_302[%iota3A, %gather3A_297], %broadcast_in_dim3A_1 {add = true} : memref<16x1024xf32, #tpu.memory_space<vmem>>[vector<16xi32>, vector<16xi32>], vector<16xf32>,
          %scan3A_303 = arith.constant 0 : i32
          %scan3A_304 = arith.constant 6 : i32
          %scan3A_305 = arith.addi %scan3A_216, %scan3A_304 : i32
          %broadcast_in_dim3A_306 = vector.broadcast %scan3A_305 : i32 to vector<16xi32>
          %gather3A_307 = arith.constant 0 : i32
          %gather3A_308 = arith.constant 0 : i32
          %gather3A_309 = arith.constant 0 : i32
          %gather3A_310 = tpu.memref_slice %arg4[%gather3A_307, %gather3A_308, %gather3A_309] : memref<4x16x64xi32, #tpu.memory_space<vmem>> -> memref<1x16x64xi32, #tpu.memory_space<vmem>>
          %gather3A_311 = tpu.memref_squeeze %gather3A_310 : memref<1x16x64xi32, #tpu.memory_space<vmem>> -> memref<16x64xi32, #tpu.memory_space<vmem>>
          %gather3A_312 = tpu.vector_load_idx %gather3A_311[%iota3A, %broadcast_in_dim3A_306] : memref<16x64xi32, #tpu.memory_space<vmem>>[vector<16xi32>, vector<16xi32>], vector<16xi32>,
          %scatter3A_313 = arith.constant 0 : i32
          %scatter3A_314 = arith.constant 0 : i32
          %scatter3A_315 = arith.constant 0 : i32
          %scatter3A_316 = tpu.memref_slice %arg5[%scatter3A_313, %scatter3A_314, %scatter3A_315] : memref<2x16x1024xf32, #tpu.memory_space<vmem>> -> memref<1x16x1024xf32, #tpu.memory_space<vmem>>
          %scatter3A_317 = tpu.memref_squeeze %scatter3A_316 : memref<1x16x1024xf32, #tpu.memory_space<vmem>> -> memref<16x1024xf32, #tpu.memory_space<vmem>>
          tpu.vector_store_idx %scatter3A_317[%iota3A, %gather3A_312], %broadcast_in_dim3A_1 {add = true} : memref<16x1024xf32, #tpu.memory_space<vmem>>[vector<16xi32>, vector<16xi32>], vector<16xf32>,
          %scan3A_318 = arith.constant 0 : i32
          %scan3A_319 = arith.constant 7 : i32
          %scan3A_320 = arith.addi %scan3A_216, %scan3A_319 : i32
          %broadcast_in_dim3A_321 = vector.broadcast %scan3A_320 : i32 to vector<16xi32>
          %gather3A_322 = arith.constant 0 : i32
          %gather3A_323 = arith.constant 0 : i32
          %gather3A_324 = arith.constant 0 : i32
          %gather3A_325 = tpu.memref_slice %arg4[%gather3A_322, %gather3A_323, %gather3A_324] : memref<4x16x64xi32, #tpu.memory_space<vmem>> -> memref<1x16x64xi32, #tpu.memory_space<vmem>>
          %gather3A_326 = tpu.memref_squeeze %gather3A_325 : memref<1x16x64xi32, #tpu.memory_space<vmem>> -> memref<16x64xi32, #tpu.memory_space<vmem>>
          %gather3A_327 = tpu.vector_load_idx %gather3A_326[%iota3A, %broadcast_in_dim3A_321] : memref<16x64xi32, #tpu.memory_space<vmem>>[vector<16xi32>, vector<16xi32>], vector<16xi32>,
          %scatter3A_328 = arith.constant 0 : i32
          %scatter3A_329 = arith.constant 0 : i32
          %scatter3A_330 = arith.constant 0 : i32
          %scatter3A_331 = tpu.memref_slice %arg5[%scatter3A_328, %scatter3A_329, %scatter3A_330] : memref<2x16x1024xf32, #tpu.memory_space<vmem>> -> memref<1x16x1024xf32, #tpu.memory_space<vmem>>
          %scatter3A_332 = tpu.memref_squeeze %scatter3A_331 : memref<1x16x1024xf32, #tpu.memory_space<vmem>> -> memref<16x1024xf32, #tpu.memory_space<vmem>>
          tpu.vector_store_idx %scatter3A_332[%iota3A, %gather3A_327], %broadcast_in_dim3A_1 {add = true} : memref<16x1024xf32, #tpu.memory_space<vmem>>[vector<16xi32>, vector<16xi32>], vector<16xf32>,
          %scan3A_333 = arith.constant 0 : i32
          scf.yield %scan3A_333 : i32
        }
        %scan3A_215 = arith.constant 64 : i32
      } else {
      }
      %lt3A_83 = arith.constant 327 : i32
      %lt3A_84 = arith.cmpi slt, %add3A_56, %lt3A_83 : i32
      %convert_element_type3A_85 = arith.extui %lt3A_84 : i1 to i32
      %cond3A_86 = arith.constant 0 : i32
      %cond3A_87 = arith.cmpi ne, %convert_element_type3A_85, %cond3A_86 : i32
      scf.if %cond3A_87 {
        %mul3A_209 = arith.constant 16 : i32
        %mul3A_210 = arith.muli %add3A_56, %mul3A_209 : i32
        %dma_start3A = arith.constant 0 : i32
        %dma_start3A_211 = arith.constant 0 : i32
        %dma_start3A_212 = arith.constant 0 : i32
        %dma_start3A_213 = tpu.memref_slice %arg5[%dma_start3A, %dma_start3A_211, %dma_start3A_212] : memref<2x16x1024xf32, #tpu.memory_space<vmem>> -> memref<1x16x1024xf32, #tpu.memory_space<vmem>>
        %dma_start3A_214 = tpu.memref_squeeze %dma_start3A_213 : memref<1x16x1024xf32, #tpu.memory_space<vmem>> -> memref<16x1024xf32, #tpu.memory_space<vmem>>
        %dma_start3A_215 = arith.constant 0 : i32
        %dma_start3A_216 = tpu.memref_slice %arg3[%mul3A_210, %dma_start3A_215] : memref<5232x1024xf32, #tpu.memory_space<hbm>> -> memref<16x1024xf32, #tpu.memory_space<hbm>>
        %dma_start3A_217 = arith.constant 0 : i32
        %dma_start3A_218 = tpu.memref_slice %arg3[%mul3A_210, %dma_start3A_217] : memref<5232x1024xf32, #tpu.memory_space<hbm>> -> memref<16x1024xf32, #tpu.memory_space<hbm>>
        %dma_start3A_219 = arith.constant 0 : i32
        %dma_start3A_220 = arith.constant 0 : i32
        %dma_start3A_221 = tpu.memref_slice %arg5[%dma_start3A, %dma_start3A_219, %dma_start3A_220] : memref<2x16x1024xf32, #tpu.memory_space<vmem>> -> memref<1x16x1024xf32, #tpu.memory_space<vmem>>
        %dma_start3A_222 = tpu.memref_squeeze %dma_start3A_221 : memref<1x16x1024xf32, #tpu.memory_space<vmem>> -> memref<16x1024xf32, #tpu.memory_space<vmem>>
        tpu.enqueue_dma source(%dma_start3A_222 : memref<16x1024xf32, #tpu.memory_space<vmem>>) target(%dma_start3A_218 : memref<16x1024xf32, #tpu.memory_space<hbm>>) target_semaphore(%arg6 : memref<!tpu.dma_semaphore, #tpu.memory_space<semaphore_mem>>)
      } else {
      }
      %mul3A_88 = arith.constant 4 : i32
      %mul3A_89 = arith.muli %scan3A_48, %mul3A_88 : i32
      %add3A_90 = arith.constant 1 : i32
      %add3A_91 = arith.addi %mul3A_89, %add3A_90 : i32
      %mul3A_92 = arith.constant 32 : i32
      %mul3A_93 = arith.muli %add3A_91, %mul3A_92 : i32
      %add3A_94 = arith.addi %mul3A_93, %add3A : i32
      %add3A_95 = arith.constant 32 : i32
      %add3A_96 = arith.addi %add3A_94, %add3A_95 : i32
      %lt3A_97 = arith.constant 327 : i32
      %lt3A_98 = arith.cmpi slt, %add3A_96, %lt3A_97 : i32
      %convert_element_type3A_99 = arith.extui %lt3A_98 : i1 to i32
      %cond3A_100 = arith.constant 0 : i32
      %cond3A_101 = arith.cmpi ne, %convert_element_type3A_99, %cond3A_100 : i32
      scf.if %cond3A_101 {
        %mul3A_209 = arith.constant 16 : i32
        %mul3A_210 = arith.muli %add3A_96, %mul3A_209 : i32
        %dma_start3A = arith.constant 2 : i32
        %dma_start3A_211 = arith.constant 0 : i32
        %dma_start3A_212 = arith.constant 0 : i32
        %dma_start3A_213 = tpu.memref_slice %arg4[%dma_start3A, %dma_start3A_211, %dma_start3A_212] : memref<4x16x64xi32, #tpu.memory_space<vmem>> -> memref<1x16x64xi32, #tpu.memory_space<vmem>>
        %dma_start3A_214 = tpu.memref_squeeze %dma_start3A_213 : memref<1x16x64xi32, #tpu.memory_space<vmem>> -> memref<16x64xi32, #tpu.memory_space<vmem>>
        %dma_start3A_215 = arith.constant 0 : i32
        %dma_start3A_216 = tpu.memref_slice %arg2[%mul3A_210, %dma_start3A_215] : memref<5232x64xi32, #tpu.memory_space<hbm>> -> memref<16x64xi32, #tpu.memory_space<hbm>>
        %dma_start3A_217 = arith.constant 0 : i32
        %dma_start3A_218 = arith.constant 0 : i32
        %dma_start3A_219 = tpu.memref_slice %arg4[%dma_start3A, %dma_start3A_217, %dma_start3A_218] : memref<4x16x64xi32, #tpu.memory_space<vmem>> -> memref<1x16x64xi32, #tpu.memory_space<vmem>>
        %dma_start3A_220 = tpu.memref_squeeze %dma_start3A_219 : memref<1x16x64xi32, #tpu.memory_space<vmem>> -> memref<16x64xi32, #tpu.memory_space<vmem>>
        %dma_start3A_221 = arith.constant 0 : i32
        %dma_start3A_222 = tpu.memref_slice %arg2[%mul3A_210, %dma_start3A_221] : memref<5232x64xi32, #tpu.memory_space<hbm>> -> memref<16x64xi32, #tpu.memory_space<hbm>>
        tpu.enqueue_dma source(%dma_start3A_222 : memref<16x64xi32, #tpu.memory_space<hbm>>) target(%dma_start3A_220 : memref<16x64xi32, #tpu.memory_space<vmem>>) target_semaphore(%arg10 : memref<!tpu.dma_semaphore, #tpu.memory_space<semaphore_mem>>)
      } else {
      }
      %lt3A_102 = arith.constant 327 : i32
      %lt3A_103 = arith.cmpi slt, %add3A_94, %lt3A_102 : i32
      %convert_element_type3A_104 = arith.extui %lt3A_103 : i1 to i32
      %cond3A_105 = arith.constant 0 : i32
      %cond3A_106 = arith.cmpi ne, %convert_element_type3A_104, %cond3A_105 : i32
      scf.if %cond3A_106 {
        %mul3A_209 = arith.constant 16 : i32
        %mul3A_210 = arith.muli %add3A_94, %mul3A_209 : i32
        %dma_wait3A_211 = arith.constant 1 : i32
        %dma_wait3A_212 = arith.constant 0 : i32
        %dma_wait3A_213 = arith.constant 0 : i32
        %dma_wait3A_214 = tpu.memref_slice %arg4[%dma_wait3A_211, %dma_wait3A_212, %dma_wait3A_213] : memref<4x16x64xi32, #tpu.memory_space<vmem>> -> memref<1x16x64xi32, #tpu.memory_space<vmem>>
        %dma_wait3A_215 = tpu.memref_squeeze %dma_wait3A_214 : memref<1x16x64xi32, #tpu.memory_space<vmem>> -> memref<16x64xi32, #tpu.memory_space<vmem>>
        %dma_wait3A_216 = arith.constant 0 : i32
        %dma_wait3A_217 = tpu.memref_slice %arg2[%mul3A_210, %dma_wait3A_216] : memref<5232x64xi32, #tpu.memory_space<hbm>> -> memref<16x64xi32, #tpu.memory_space<hbm>>
        %dma_wait3A_218 = arith.constant 0 : i32
        %dma_wait3A_219 = arith.constant 0 : i32
        %dma_wait3A_220 = tpu.memref_slice %arg4[%dma_wait3A_211, %dma_wait3A_218, %dma_wait3A_219] : memref<4x16x64xi32, #tpu.memory_space<vmem>> -> memref<1x16x64xi32, #tpu.memory_space<vmem>>
        %dma_wait3A_221 = tpu.memref_squeeze %dma_wait3A_220 : memref<1x16x64xi32, #tpu.memory_space<vmem>> -> memref<16x64xi32, #tpu.memory_space<vmem>>
        %dma_wait3A_222 = arith.constant 0 : i32
        %dma_wait3A_223 = tpu.memref_slice %arg2[%mul3A_210, %dma_wait3A_222] : memref<5232x64xi32, #tpu.memory_space<hbm>> -> memref<16x64xi32, #tpu.memory_space<hbm>>
        tpu.wait_dma2 semaphore(%arg9 : memref<!tpu.dma_semaphore, #tpu.memory_space<semaphore_mem>>) src(%dma_wait3A_223 : memref<16x64xi32, #tpu.memory_space<hbm>>) dst(%dma_wait3A_221 : memref<16x64xi32, #tpu.memory_space<vmem>>)
      } else {
      }
      %lt3A_107 = arith.constant 327 : i32
      %lt3A_108 = arith.cmpi slt, %add3A_94, %lt3A_107 : i32
      %ge3A_109 = arith.constant 2 : i32
      %ge3A_110 = arith.cmpi sge, %add3A_91, %ge3A_109 : i32
      %and3A_111 = arith.andi %lt3A_108, %ge3A_110 : i1
      %convert_element_type3A_112 = arith.extui %and3A_111 : i1 to i32
      %cond3A_113 = arith.constant 0 : i32
      %cond3A_114 = arith.cmpi ne, %convert_element_type3A_112, %cond3A_113 : i32
      scf.if %cond3A_114 {
        %sub3A = arith.constant 64 : i32
        %sub3A_209 = arith.subi %add3A_94, %sub3A : i32
        %mul3A_210 = arith.constant 16 : i32
        %mul3A_211 = arith.muli %sub3A_209, %mul3A_210 : i32
        %dma_wait3A_212 = arith.constant 1 : i32
        %dma_wait3A_213 = arith.constant 0 : i32
        %dma_wait3A_214 = arith.constant 0 : i32
        %dma_wait3A_215 = tpu.memref_slice %arg5[%dma_wait3A_212, %dma_wait3A_213, %dma_wait3A_214] : memref<2x16x1024xf32, #tpu.memory_space<vmem>> -> memref<1x16x1024xf32, #tpu.memory_space<vmem>>
        %dma_wait3A_216 = tpu.memref_squeeze %dma_wait3A_215 : memref<1x16x1024xf32, #tpu.memory_space<vmem>> -> memref<16x1024xf32, #tpu.memory_space<vmem>>
        %dma_wait3A_217 = arith.constant 0 : i32
        %dma_wait3A_218 = tpu.memref_slice %arg3[%mul3A_211, %dma_wait3A_217] : memref<5232x1024xf32, #tpu.memory_space<hbm>> -> memref<16x1024xf32, #tpu.memory_space<hbm>>
        %dma_wait3A_219 = arith.constant 0 : i32
        %dma_wait3A_220 = tpu.memref_slice %arg3[%mul3A_211, %dma_wait3A_219] : memref<5232x1024xf32, #tpu.memory_space<hbm>> -> memref<16x1024xf32, #tpu.memory_space<hbm>>
        %dma_wait3A_221 = arith.constant 0 : i32
        %dma_wait3A_222 = arith.constant 0 : i32
        %dma_wait3A_223 = tpu.memref_slice %arg5[%dma_wait3A_212, %dma_wait3A_221, %dma_wait3A_222] : memref<2x16x1024xf32, #tpu.memory_space<vmem>> -> memref<1x16x1024xf32, #tpu.memory_space<vmem>>
        %dma_wait3A_224 = tpu.memref_squeeze %dma_wait3A_223 : memref<1x16x1024xf32, #tpu.memory_space<vmem>> -> memref<16x1024xf32, #tpu.memory_space<vmem>>
        tpu.wait_dma2 semaphore(%arg7 : memref<!tpu.dma_semaphore, #tpu.memory_space<semaphore_mem>>) src(%dma_wait3A_224 : memref<16x1024xf32, #tpu.memory_space<vmem>>) dst(%dma_wait3A_220 : memref<16x1024xf32, #tpu.memory_space<hbm>>)
        %scan3A_225 = arith.constant 0 : i32
        %scan3A_226 = arith.constant 0 : i32
        %scan3A_227 = arith.constant 64 : i32
        %scan3A_228 = arith.addi %scan3A_226, %scan3A_227 : i32
        %scan3A_229 = arith.constant 4 : i32
        %scan3A_230 = scf.for %scan3A_232 = %scan3A_226 to %scan3A_228 step %scan3A_229 iter_args(%scan3A_233 = %scan3A_225) -> (i32)  : i32 {
          %broadcast_in_dim3A_234 = vector.broadcast %scan3A_232 : i32 to vector<16xi32>
          %gather3A = arith.constant 3 : i32
          %gather3A_235 = arith.constant 0 : i32
          %gather3A_236 = arith.constant 0 : i32
          %gather3A_237 = tpu.memref_slice %arg4[%gather3A, %gather3A_235, %gather3A_236] : memref<4x16x64xi32, #tpu.memory_space<vmem>> -> memref<1x16x64xi32, #tpu.memory_space<vmem>>
          %gather3A_238 = tpu.memref_squeeze %gather3A_237 : memref<1x16x64xi32, #tpu.memory_space<vmem>> -> memref<16x64xi32, #tpu.memory_space<vmem>>
          %gather3A_239 = tpu.vector_load_idx %gather3A_238[%iota3A, %broadcast_in_dim3A_234] : memref<16x64xi32, #tpu.memory_space<vmem>>[vector<16xi32>, vector<16xi32>], vector<16xi32>,
          %gather3A_240 = arith.constant 1 : i32
          %gather3A_241 = arith.constant 0 : i32
          %gather3A_242 = arith.constant 0 : i32
          %gather3A_243 = tpu.memref_slice %arg4[%gather3A_240, %gather3A_241, %gather3A_242] : memref<4x16x64xi32, #tpu.memory_space<vmem>> -> memref<1x16x64xi32, #tpu.memory_space<vmem>>
          %gather3A_244 = tpu.memref_squeeze %gather3A_243 : memref<1x16x64xi32, #tpu.memory_space<vmem>> -> memref<16x64xi32, #tpu.memory_space<vmem>>
          %gather3A_245 = tpu.vector_load_idx %gather3A_244[%iota3A, %broadcast_in_dim3A_234] : memref<16x64xi32, #tpu.memory_space<vmem>>[vector<16xi32>, vector<16xi32>], vector<16xi32>,
          %neg3A = arith.constant 0.000000e+00 : f32
          %neg3A_246 = vector.broadcast %neg3A : f32 to vector<16xf32>
          %neg3A_247 = arith.subf %neg3A_246, %broadcast_in_dim3A_1 : vector<16xf32>
          %scatter3A = arith.constant 1 : i32
          %scatter3A_248 = arith.constant 0 : i32
          %scatter3A_249 = arith.constant 0 : i32
          %scatter3A_250 = tpu.memref_slice %arg5[%scatter3A, %scatter3A_248, %scatter3A_249] : memref<2x16x1024xf32, #tpu.memory_space<vmem>> -> memref<1x16x1024xf32, #tpu.memory_space<vmem>>
          %scatter3A_251 = tpu.memref_squeeze %scatter3A_250 : memref<1x16x1024xf32, #tpu.memory_space<vmem>> -> memref<16x1024xf32, #tpu.memory_space<vmem>>
          tpu.vector_store_idx %scatter3A_251[%iota3A, %gather3A_239], %neg3A_247 {add = true} : memref<16x1024xf32, #tpu.memory_space<vmem>>[vector<16xi32>, vector<16xi32>], vector<16xf32>,
          %scatter3A_252 = arith.constant 1 : i32
          %scatter3A_253 = arith.constant 0 : i32
          %scatter3A_254 = arith.constant 0 : i32
          %scatter3A_255 = tpu.memref_slice %arg5[%scatter3A_252, %scatter3A_253, %scatter3A_254] : memref<2x16x1024xf32, #tpu.memory_space<vmem>> -> memref<1x16x1024xf32, #tpu.memory_space<vmem>>
          %scatter3A_256 = tpu.memref_squeeze %scatter3A_255 : memref<1x16x1024xf32, #tpu.memory_space<vmem>> -> memref<16x1024xf32, #tpu.memory_space<vmem>>
          tpu.vector_store_idx %scatter3A_256[%iota3A, %gather3A_245], %broadcast_in_dim3A_1 {add = true} : memref<16x1024xf32, #tpu.memory_space<vmem>>[vector<16xi32>, vector<16xi32>], vector<16xf32>,
          %scan3A_257 = arith.constant 0 : i32
          %scan3A_258 = arith.constant 1 : i32
          %scan3A_259 = arith.addi %scan3A_232, %scan3A_258 : i32
          %broadcast_in_dim3A_260 = vector.broadcast %scan3A_259 : i32 to vector<16xi32>
          %gather3A_261 = arith.constant 3 : i32
          %gather3A_262 = arith.constant 0 : i32
          %gather3A_263 = arith.constant 0 : i32
          %gather3A_264 = tpu.memref_slice %arg4[%gather3A_261, %gather3A_262, %gather3A_263] : memref<4x16x64xi32, #tpu.memory_space<vmem>> -> memref<1x16x64xi32, #tpu.memory_space<vmem>>
          %gather3A_265 = tpu.memref_squeeze %gather3A_264 : memref<1x16x64xi32, #tpu.memory_space<vmem>> -> memref<16x64xi32, #tpu.memory_space<vmem>>
          %gather3A_266 = tpu.vector_load_idx %gather3A_265[%iota3A, %broadcast_in_dim3A_260] : memref<16x64xi32, #tpu.memory_space<vmem>>[vector<16xi32>, vector<16xi32>], vector<16xi32>,
          %gather3A_267 = arith.constant 1 : i32
          %gather3A_268 = arith.constant 0 : i32
          %gather3A_269 = arith.constant 0 : i32
          %gather3A_270 = tpu.memref_slice %arg4[%gather3A_267, %gather3A_268, %gather3A_269] : memref<4x16x64xi32, #tpu.memory_space<vmem>> -> memref<1x16x64xi32, #tpu.memory_space<vmem>>
          %gather3A_271 = tpu.memref_squeeze %gather3A_270 : memref<1x16x64xi32, #tpu.memory_space<vmem>> -> memref<16x64xi32, #tpu.memory_space<vmem>>
          %gather3A_272 = tpu.vector_load_idx %gather3A_271[%iota3A, %broadcast_in_dim3A_260] : memref<16x64xi32, #tpu.memory_space<vmem>>[vector<16xi32>, vector<16xi32>], vector<16xi32>,
          %neg3A_273 = arith.constant 0.000000e+00 : f32
          %neg3A_274 = vector.broadcast %neg3A_273 : f32 to vector<16xf32>
          %neg3A_275 = arith.subf %neg3A_274, %broadcast_in_dim3A_1 : vector<16xf32>
          %scatter3A_276 = arith.constant 1 : i32
          %scatter3A_277 = arith.constant 0 : i32
          %scatter3A_278 = arith.constant 0 : i32
          %scatter3A_279 = tpu.memref_slice %arg5[%scatter3A_276, %scatter3A_277, %scatter3A_278] : memref<2x16x1024xf32, #tpu.memory_space<vmem>> -> memref<1x16x1024xf32, #tpu.memory_space<vmem>>
          %scatter3A_280 = tpu.memref_squeeze %scatter3A_279 : memref<1x16x1024xf32, #tpu.memory_space<vmem>> -> memref<16x1024xf32, #tpu.memory_space<vmem>>
          tpu.vector_store_idx %scatter3A_280[%iota3A, %gather3A_266], %neg3A_275 {add = true} : memref<16x1024xf32, #tpu.memory_space<vmem>>[vector<16xi32>, vector<16xi32>], vector<16xf32>,
          %scatter3A_281 = arith.constant 1 : i32
          %scatter3A_282 = arith.constant 0 : i32
          %scatter3A_283 = arith.constant 0 : i32
          %scatter3A_284 = tpu.memref_slice %arg5[%scatter3A_281, %scatter3A_282, %scatter3A_283] : memref<2x16x1024xf32, #tpu.memory_space<vmem>> -> memref<1x16x1024xf32, #tpu.memory_space<vmem>>
          %scatter3A_285 = tpu.memref_squeeze %scatter3A_284 : memref<1x16x1024xf32, #tpu.memory_space<vmem>> -> memref<16x1024xf32, #tpu.memory_space<vmem>>
          tpu.vector_store_idx %scatter3A_285[%iota3A, %gather3A_272], %broadcast_in_dim3A_1 {add = true} : memref<16x1024xf32, #tpu.memory_space<vmem>>[vector<16xi32>, vector<16xi32>], vector<16xf32>,
          %scan3A_286 = arith.constant 0 : i32
          %scan3A_287 = arith.constant 2 : i32
          %scan3A_288 = arith.addi %scan3A_232, %scan3A_287 : i32
          %broadcast_in_dim3A_289 = vector.broadcast %scan3A_288 : i32 to vector<16xi32>
          %gather3A_290 = arith.constant 3 : i32
          %gather3A_291 = arith.constant 0 : i32
          %gather3A_292 = arith.constant 0 : i32
          %gather3A_293 = tpu.memref_slice %arg4[%gather3A_290, %gather3A_291, %gather3A_292] : memref<4x16x64xi32, #tpu.memory_space<vmem>> -> memref<1x16x64xi32, #tpu.memory_space<vmem>>
          %gather3A_294 = tpu.memref_squeeze %gather3A_293 : memref<1x16x64xi32, #tpu.memory_space<vmem>> -> memref<16x64xi32, #tpu.memory_space<vmem>>
          %gather3A_295 = tpu.vector_load_idx %gather3A_294[%iota3A, %broadcast_in_dim3A_289] : memref<16x64xi32, #tpu.memory_space<vmem>>[vector<16xi32>, vector<16xi32>], vector<16xi32>,
          %gather3A_296 = arith.constant 1 : i32
          %gather3A_297 = arith.constant 0 : i32
          %gather3A_298 = arith.constant 0 : i32
          %gather3A_299 = tpu.memref_slice %arg4[%gather3A_296, %gather3A_297, %gather3A_298] : memref<4x16x64xi32, #tpu.memory_space<vmem>> -> memref<1x16x64xi32, #tpu.memory_space<vmem>>
          %gather3A_300 = tpu.memref_squeeze %gather3A_299 : memref<1x16x64xi32, #tpu.memory_space<vmem>> -> memref<16x64xi32, #tpu.memory_space<vmem>>
          %gather3A_301 = tpu.vector_load_idx %gather3A_300[%iota3A, %broadcast_in_dim3A_289] : memref<16x64xi32, #tpu.memory_space<vmem>>[vector<16xi32>, vector<16xi32>], vector<16xi32>,
          %neg3A_302 = arith.constant 0.000000e+00 : f32
          %neg3A_303 = vector.broadcast %neg3A_302 : f32 to vector<16xf32>
          %neg3A_304 = arith.subf %neg3A_303, %broadcast_in_dim3A_1 : vector<16xf32>
          %scatter3A_305 = arith.constant 1 : i32
          %scatter3A_306 = arith.constant 0 : i32
          %scatter3A_307 = arith.constant 0 : i32
          %scatter3A_308 = tpu.memref_slice %arg5[%scatter3A_305, %scatter3A_306, %scatter3A_307] : memref<2x16x1024xf32, #tpu.memory_space<vmem>> -> memref<1x16x1024xf32, #tpu.memory_space<vmem>>
          %scatter3A_309 = tpu.memref_squeeze %scatter3A_308 : memref<1x16x1024xf32, #tpu.memory_space<vmem>> -> memref<16x1024xf32, #tpu.memory_space<vmem>>
          tpu.vector_store_idx %scatter3A_309[%iota3A, %gather3A_295], %neg3A_304 {add = true} : memref<16x1024xf32, #tpu.memory_space<vmem>>[vector<16xi32>, vector<16xi32>], vector<16xf32>,
          %scatter3A_310 = arith.constant 1 : i32
          %scatter3A_311 = arith.constant 0 : i32
          %scatter3A_312 = arith.constant 0 : i32
          %scatter3A_313 = tpu.memref_slice %arg5[%scatter3A_310, %scatter3A_311, %scatter3A_312] : memref<2x16x1024xf32, #tpu.memory_space<vmem>> -> memref<1x16x1024xf32, #tpu.memory_space<vmem>>
          %scatter3A_314 = tpu.memref_squeeze %scatter3A_313 : memref<1x16x1024xf32, #tpu.memory_space<vmem>> -> memref<16x1024xf32, #tpu.memory_space<vmem>>
          tpu.vector_store_idx %scatter3A_314[%iota3A, %gather3A_301], %broadcast_in_dim3A_1 {add = true} : memref<16x1024xf32, #tpu.memory_space<vmem>>[vector<16xi32>, vector<16xi32>], vector<16xf32>,
          %scan3A_315 = arith.constant 0 : i32
          %scan3A_316 = arith.constant 3 : i32
          %scan3A_317 = arith.addi %scan3A_232, %scan3A_316 : i32
          %broadcast_in_dim3A_318 = vector.broadcast %scan3A_317 : i32 to vector<16xi32>
          %gather3A_319 = arith.constant 3 : i32
          %gather3A_320 = arith.constant 0 : i32
          %gather3A_321 = arith.constant 0 : i32
          %gather3A_322 = tpu.memref_slice %arg4[%gather3A_319, %gather3A_320, %gather3A_321] : memref<4x16x64xi32, #tpu.memory_space<vmem>> -> memref<1x16x64xi32, #tpu.memory_space<vmem>>
          %gather3A_323 = tpu.memref_squeeze %gather3A_322 : memref<1x16x64xi32, #tpu.memory_space<vmem>> -> memref<16x64xi32, #tpu.memory_space<vmem>>
          %gather3A_324 = tpu.vector_load_idx %gather3A_323[%iota3A, %broadcast_in_dim3A_318] : memref<16x64xi32, #tpu.memory_space<vmem>>[vector<16xi32>, vector<16xi32>], vector<16xi32>,
          %gather3A_325 = arith.constant 1 : i32
          %gather3A_326 = arith.constant 0 : i32
          %gather3A_327 = arith.constant 0 : i32
          %gather3A_328 = tpu.memref_slice %arg4[%gather3A_325, %gather3A_326, %gather3A_327] : memref<4x16x64xi32, #tpu.memory_space<vmem>> -> memref<1x16x64xi32, #tpu.memory_space<vmem>>
          %gather3A_329 = tpu.memref_squeeze %gather3A_328 : memref<1x16x64xi32, #tpu.memory_space<vmem>> -> memref<16x64xi32, #tpu.memory_space<vmem>>
          %gather3A_330 = tpu.vector_load_idx %gather3A_329[%iota3A, %broadcast_in_dim3A_318] : memref<16x64xi32, #tpu.memory_space<vmem>>[vector<16xi32>, vector<16xi32>], vector<16xi32>,
          %neg3A_331 = arith.constant 0.000000e+00 : f32
          %neg3A_332 = vector.broadcast %neg3A_331 : f32 to vector<16xf32>
          %neg3A_333 = arith.subf %neg3A_332, %broadcast_in_dim3A_1 : vector<16xf32>
          %scatter3A_334 = arith.constant 1 : i32
          %scatter3A_335 = arith.constant 0 : i32
          %scatter3A_336 = arith.constant 0 : i32
          %scatter3A_337 = tpu.memref_slice %arg5[%scatter3A_334, %scatter3A_335, %scatter3A_336] : memref<2x16x1024xf32, #tpu.memory_space<vmem>> -> memref<1x16x1024xf32, #tpu.memory_space<vmem>>
          %scatter3A_338 = tpu.memref_squeeze %scatter3A_337 : memref<1x16x1024xf32, #tpu.memory_space<vmem>> -> memref<16x1024xf32, #tpu.memory_space<vmem>>
          tpu.vector_store_idx %scatter3A_338[%iota3A, %gather3A_324], %neg3A_333 {add = true} : memref<16x1024xf32, #tpu.memory_space<vmem>>[vector<16xi32>, vector<16xi32>], vector<16xf32>,
          %scatter3A_339 = arith.constant 1 : i32
          %scatter3A_340 = arith.constant 0 : i32
          %scatter3A_341 = arith.constant 0 : i32
          %scatter3A_342 = tpu.memref_slice %arg5[%scatter3A_339, %scatter3A_340, %scatter3A_341] : memref<2x16x1024xf32, #tpu.memory_space<vmem>> -> memref<1x16x1024xf32, #tpu.memory_space<vmem>>
          %scatter3A_343 = tpu.memref_squeeze %scatter3A_342 : memref<1x16x1024xf32, #tpu.memory_space<vmem>> -> memref<16x1024xf32, #tpu.memory_space<vmem>>
          tpu.vector_store_idx %scatter3A_343[%iota3A, %gather3A_330], %broadcast_in_dim3A_1 {add = true} : memref<16x1024xf32, #tpu.memory_space<vmem>>[vector<16xi32>, vector<16xi32>], vector<16xf32>,
          %scan3A_344 = arith.constant 0 : i32
          scf.yield %scan3A_344 : i32
        }
        %scan3A_231 = arith.constant 64 : i32
      } else {
      }
      %lt3A_115 = arith.constant 327 : i32
      %lt3A_116 = arith.cmpi slt, %add3A_94, %lt3A_115 : i32
      %lt3A_117 = arith.constant 2 : i32
      %lt3A_118 = arith.cmpi slt, %add3A_91, %lt3A_117 : i32
      %and3A_119 = arith.andi %lt3A_116, %lt3A_118 : i1
      %convert_element_type3A_120 = arith.extui %and3A_119 : i1 to i32
      %cond3A_121 = arith.constant 0 : i32
      %cond3A_122 = arith.cmpi ne, %convert_element_type3A_120, %cond3A_121 : i32
      scf.if %cond3A_122 {
        %scan3A_209 = arith.constant 0 : i32
        %scan3A_210 = arith.constant 0 : i32
        %scan3A_211 = arith.constant 64 : i32
        %scan3A_212 = arith.addi %scan3A_210, %scan3A_211 : i32
        %scan3A_213 = arith.constant 8 : i32
        %scan3A_214 = scf.for %scan3A_216 = %scan3A_210 to %scan3A_212 step %scan3A_213 iter_args(%scan3A_217 = %scan3A_209) -> (i32)  : i32 {
          %broadcast_in_dim3A_218 = vector.broadcast %scan3A_216 : i32 to vector<16xi32>
          %gather3A = arith.constant 1 : i32
          %gather3A_219 = arith.constant 0 : i32
          %gather3A_220 = arith.constant 0 : i32
          %gather3A_221 = tpu.memref_slice %arg4[%gather3A, %gather3A_219, %gather3A_220] : memref<4x16x64xi32, #tpu.memory_space<vmem>> -> memref<1x16x64xi32, #tpu.memory_space<vmem>>
          %gather3A_222 = tpu.memref_squeeze %gather3A_221 : memref<1x16x64xi32, #tpu.memory_space<vmem>> -> memref<16x64xi32, #tpu.memory_space<vmem>>
          %gather3A_223 = tpu.vector_load_idx %gather3A_222[%iota3A, %broadcast_in_dim3A_218] : memref<16x64xi32, #tpu.memory_space<vmem>>[vector<16xi32>, vector<16xi32>], vector<16xi32>,
          %scatter3A = arith.constant 1 : i32
          %scatter3A_224 = arith.constant 0 : i32
          %scatter3A_225 = arith.constant 0 : i32
          %scatter3A_226 = tpu.memref_slice %arg5[%scatter3A, %scatter3A_224, %scatter3A_225] : memref<2x16x1024xf32, #tpu.memory_space<vmem>> -> memref<1x16x1024xf32, #tpu.memory_space<vmem>>
          %scatter3A_227 = tpu.memref_squeeze %scatter3A_226 : memref<1x16x1024xf32, #tpu.memory_space<vmem>> -> memref<16x1024xf32, #tpu.memory_space<vmem>>
          tpu.vector_store_idx %scatter3A_227[%iota3A, %gather3A_223], %broadcast_in_dim3A_1 {add = true} : memref<16x1024xf32, #tpu.memory_space<vmem>>[vector<16xi32>, vector<16xi32>], vector<16xf32>,
          %scan3A_228 = arith.constant 0 : i32
          %scan3A_229 = arith.constant 1 : i32
          %scan3A_230 = arith.addi %scan3A_216, %scan3A_229 : i32
          %broadcast_in_dim3A_231 = vector.broadcast %scan3A_230 : i32 to vector<16xi32>
          %gather3A_232 = arith.constant 1 : i32
          %gather3A_233 = arith.constant 0 : i32
          %gather3A_234 = arith.constant 0 : i32
          %gather3A_235 = tpu.memref_slice %arg4[%gather3A_232, %gather3A_233, %gather3A_234] : memref<4x16x64xi32, #tpu.memory_space<vmem>> -> memref<1x16x64xi32, #tpu.memory_space<vmem>>
          %gather3A_236 = tpu.memref_squeeze %gather3A_235 : memref<1x16x64xi32, #tpu.memory_space<vmem>> -> memref<16x64xi32, #tpu.memory_space<vmem>>
          %gather3A_237 = tpu.vector_load_idx %gather3A_236[%iota3A, %broadcast_in_dim3A_231] : memref<16x64xi32, #tpu.memory_space<vmem>>[vector<16xi32>, vector<16xi32>], vector<16xi32>,
          %scatter3A_238 = arith.constant 1 : i32
          %scatter3A_239 = arith.constant 0 : i32
          %scatter3A_240 = arith.constant 0 : i32
          %scatter3A_241 = tpu.memref_slice %arg5[%scatter3A_238, %scatter3A_239, %scatter3A_240] : memref<2x16x1024xf32, #tpu.memory_space<vmem>> -> memref<1x16x1024xf32, #tpu.memory_space<vmem>>
          %scatter3A_242 = tpu.memref_squeeze %scatter3A_241 : memref<1x16x1024xf32, #tpu.memory_space<vmem>> -> memref<16x1024xf32, #tpu.memory_space<vmem>>
          tpu.vector_store_idx %scatter3A_242[%iota3A, %gather3A_237], %broadcast_in_dim3A_1 {add = true} : memref<16x1024xf32, #tpu.memory_space<vmem>>[vector<16xi32>, vector<16xi32>], vector<16xf32>,
          %scan3A_243 = arith.constant 0 : i32
          %scan3A_244 = arith.constant 2 : i32
          %scan3A_245 = arith.addi %scan3A_216, %scan3A_244 : i32
          %broadcast_in_dim3A_246 = vector.broadcast %scan3A_245 : i32 to vector<16xi32>
          %gather3A_247 = arith.constant 1 : i32
          %gather3A_248 = arith.constant 0 : i32
          %gather3A_249 = arith.constant 0 : i32
          %gather3A_250 = tpu.memref_slice %arg4[%gather3A_247, %gather3A_248, %gather3A_249] : memref<4x16x64xi32, #tpu.memory_space<vmem>> -> memref<1x16x64xi32, #tpu.memory_space<vmem>>
          %gather3A_251 = tpu.memref_squeeze %gather3A_250 : memref<1x16x64xi32, #tpu.memory_space<vmem>> -> memref<16x64xi32, #tpu.memory_space<vmem>>
          %gather3A_252 = tpu.vector_load_idx %gather3A_251[%iota3A, %broadcast_in_dim3A_246] : memref<16x64xi32, #tpu.memory_space<vmem>>[vector<16xi32>, vector<16xi32>], vector<16xi32>,
          %scatter3A_253 = arith.constant 1 : i32
          %scatter3A_254 = arith.constant 0 : i32
          %scatter3A_255 = arith.constant 0 : i32
          %scatter3A_256 = tpu.memref_slice %arg5[%scatter3A_253, %scatter3A_254, %scatter3A_255] : memref<2x16x1024xf32, #tpu.memory_space<vmem>> -> memref<1x16x1024xf32, #tpu.memory_space<vmem>>
          %scatter3A_257 = tpu.memref_squeeze %scatter3A_256 : memref<1x16x1024xf32, #tpu.memory_space<vmem>> -> memref<16x1024xf32, #tpu.memory_space<vmem>>
          tpu.vector_store_idx %scatter3A_257[%iota3A, %gather3A_252], %broadcast_in_dim3A_1 {add = true} : memref<16x1024xf32, #tpu.memory_space<vmem>>[vector<16xi32>, vector<16xi32>], vector<16xf32>,
          %scan3A_258 = arith.constant 0 : i32
          %scan3A_259 = arith.constant 3 : i32
          %scan3A_260 = arith.addi %scan3A_216, %scan3A_259 : i32
          %broadcast_in_dim3A_261 = vector.broadcast %scan3A_260 : i32 to vector<16xi32>
          %gather3A_262 = arith.constant 1 : i32
          %gather3A_263 = arith.constant 0 : i32
          %gather3A_264 = arith.constant 0 : i32
          %gather3A_265 = tpu.memref_slice %arg4[%gather3A_262, %gather3A_263, %gather3A_264] : memref<4x16x64xi32, #tpu.memory_space<vmem>> -> memref<1x16x64xi32, #tpu.memory_space<vmem>>
          %gather3A_266 = tpu.memref_squeeze %gather3A_265 : memref<1x16x64xi32, #tpu.memory_space<vmem>> -> memref<16x64xi32, #tpu.memory_space<vmem>>
          %gather3A_267 = tpu.vector_load_idx %gather3A_266[%iota3A, %broadcast_in_dim3A_261] : memref<16x64xi32, #tpu.memory_space<vmem>>[vector<16xi32>, vector<16xi32>], vector<16xi32>,
          %scatter3A_268 = arith.constant 1 : i32
          %scatter3A_269 = arith.constant 0 : i32
          %scatter3A_270 = arith.constant 0 : i32
          %scatter3A_271 = tpu.memref_slice %arg5[%scatter3A_268, %scatter3A_269, %scatter3A_270] : memref<2x16x1024xf32, #tpu.memory_space<vmem>> -> memref<1x16x1024xf32, #tpu.memory_space<vmem>>
          %scatter3A_272 = tpu.memref_squeeze %scatter3A_271 : memref<1x16x1024xf32, #tpu.memory_space<vmem>> -> memref<16x1024xf32, #tpu.memory_space<vmem>>
          tpu.vector_store_idx %scatter3A_272[%iota3A, %gather3A_267], %broadcast_in_dim3A_1 {add = true} : memref<16x1024xf32, #tpu.memory_space<vmem>>[vector<16xi32>, vector<16xi32>], vector<16xf32>,
          %scan3A_273 = arith.constant 0 : i32
          %scan3A_274 = arith.constant 4 : i32
          %scan3A_275 = arith.addi %scan3A_216, %scan3A_274 : i32
          %broadcast_in_dim3A_276 = vector.broadcast %scan3A_275 : i32 to vector<16xi32>
          %gather3A_277 = arith.constant 1 : i32
          %gather3A_278 = arith.constant 0 : i32
          %gather3A_279 = arith.constant 0 : i32
          %gather3A_280 = tpu.memref_slice %arg4[%gather3A_277, %gather3A_278, %gather3A_279] : memref<4x16x64xi32, #tpu.memory_space<vmem>> -> memref<1x16x64xi32, #tpu.memory_space<vmem>>
          %gather3A_281 = tpu.memref_squeeze %gather3A_280 : memref<1x16x64xi32, #tpu.memory_space<vmem>> -> memref<16x64xi32, #tpu.memory_space<vmem>>
          %gather3A_282 = tpu.vector_load_idx %gather3A_281[%iota3A, %broadcast_in_dim3A_276] : memref<16x64xi32, #tpu.memory_space<vmem>>[vector<16xi32>, vector<16xi32>], vector<16xi32>,
          %scatter3A_283 = arith.constant 1 : i32
          %scatter3A_284 = arith.constant 0 : i32
          %scatter3A_285 = arith.constant 0 : i32
          %scatter3A_286 = tpu.memref_slice %arg5[%scatter3A_283, %scatter3A_284, %scatter3A_285] : memref<2x16x1024xf32, #tpu.memory_space<vmem>> -> memref<1x16x1024xf32, #tpu.memory_space<vmem>>
          %scatter3A_287 = tpu.memref_squeeze %scatter3A_286 : memref<1x16x1024xf32, #tpu.memory_space<vmem>> -> memref<16x1024xf32, #tpu.memory_space<vmem>>
          tpu.vector_store_idx %scatter3A_287[%iota3A, %gather3A_282], %broadcast_in_dim3A_1 {add = true} : memref<16x1024xf32, #tpu.memory_space<vmem>>[vector<16xi32>, vector<16xi32>], vector<16xf32>,
          %scan3A_288 = arith.constant 0 : i32
          %scan3A_289 = arith.constant 5 : i32
          %scan3A_290 = arith.addi %scan3A_216, %scan3A_289 : i32
          %broadcast_in_dim3A_291 = vector.broadcast %scan3A_290 : i32 to vector<16xi32>
          %gather3A_292 = arith.constant 1 : i32
          %gather3A_293 = arith.constant 0 : i32
          %gather3A_294 = arith.constant 0 : i32
          %gather3A_295 = tpu.memref_slice %arg4[%gather3A_292, %gather3A_293, %gather3A_294] : memref<4x16x64xi32, #tpu.memory_space<vmem>> -> memref<1x16x64xi32, #tpu.memory_space<vmem>>
          %gather3A_296 = tpu.memref_squeeze %gather3A_295 : memref<1x16x64xi32, #tpu.memory_space<vmem>> -> memref<16x64xi32, #tpu.memory_space<vmem>>
          %gather3A_297 = tpu.vector_load_idx %gather3A_296[%iota3A, %broadcast_in_dim3A_291] : memref<16x64xi32, #tpu.memory_space<vmem>>[vector<16xi32>, vector<16xi32>], vector<16xi32>,
          %scatter3A_298 = arith.constant 1 : i32
          %scatter3A_299 = arith.constant 0 : i32
          %scatter3A_300 = arith.constant 0 : i32
          %scatter3A_301 = tpu.memref_slice %arg5[%scatter3A_298, %scatter3A_299, %scatter3A_300] : memref<2x16x1024xf32, #tpu.memory_space<vmem>> -> memref<1x16x1024xf32, #tpu.memory_space<vmem>>
          %scatter3A_302 = tpu.memref_squeeze %scatter3A_301 : memref<1x16x1024xf32, #tpu.memory_space<vmem>> -> memref<16x1024xf32, #tpu.memory_space<vmem>>
          tpu.vector_store_idx %scatter3A_302[%iota3A, %gather3A_297], %broadcast_in_dim3A_1 {add = true} : memref<16x1024xf32, #tpu.memory_space<vmem>>[vector<16xi32>, vector<16xi32>], vector<16xf32>,
          %scan3A_303 = arith.constant 0 : i32
          %scan3A_304 = arith.constant 6 : i32
          %scan3A_305 = arith.addi %scan3A_216, %scan3A_304 : i32
          %broadcast_in_dim3A_306 = vector.broadcast %scan3A_305 : i32 to vector<16xi32>
          %gather3A_307 = arith.constant 1 : i32
          %gather3A_308 = arith.constant 0 : i32
          %gather3A_309 = arith.constant 0 : i32
          %gather3A_310 = tpu.memref_slice %arg4[%gather3A_307, %gather3A_308, %gather3A_309] : memref<4x16x64xi32, #tpu.memory_space<vmem>> -> memref<1x16x64xi32, #tpu.memory_space<vmem>>
          %gather3A_311 = tpu.memref_squeeze %gather3A_310 : memref<1x16x64xi32, #tpu.memory_space<vmem>> -> memref<16x64xi32, #tpu.memory_space<vmem>>
          %gather3A_312 = tpu.vector_load_idx %gather3A_311[%iota3A, %broadcast_in_dim3A_306] : memref<16x64xi32, #tpu.memory_space<vmem>>[vector<16xi32>, vector<16xi32>], vector<16xi32>,
          %scatter3A_313 = arith.constant 1 : i32
          %scatter3A_314 = arith.constant 0 : i32
          %scatter3A_315 = arith.constant 0 : i32
          %scatter3A_316 = tpu.memref_slice %arg5[%scatter3A_313, %scatter3A_314, %scatter3A_315] : memref<2x16x1024xf32, #tpu.memory_space<vmem>> -> memref<1x16x1024xf32, #tpu.memory_space<vmem>>
          %scatter3A_317 = tpu.memref_squeeze %scatter3A_316 : memref<1x16x1024xf32, #tpu.memory_space<vmem>> -> memref<16x1024xf32, #tpu.memory_space<vmem>>
          tpu.vector_store_idx %scatter3A_317[%iota3A, %gather3A_312], %broadcast_in_dim3A_1 {add = true} : memref<16x1024xf32, #tpu.memory_space<vmem>>[vector<16xi32>, vector<16xi32>], vector<16xf32>,
          %scan3A_318 = arith.constant 0 : i32
          %scan3A_319 = arith.constant 7 : i32
          %scan3A_320 = arith.addi %scan3A_216, %scan3A_319 : i32
          %broadcast_in_dim3A_321 = vector.broadcast %scan3A_320 : i32 to vector<16xi32>
          %gather3A_322 = arith.constant 1 : i32
          %gather3A_323 = arith.constant 0 : i32
          %gather3A_324 = arith.constant 0 : i32
          %gather3A_325 = tpu.memref_slice %arg4[%gather3A_322, %gather3A_323, %gather3A_324] : memref<4x16x64xi32, #tpu.memory_space<vmem>> -> memref<1x16x64xi32, #tpu.memory_space<vmem>>
          %gather3A_326 = tpu.memref_squeeze %gather3A_325 : memref<1x16x64xi32, #tpu.memory_space<vmem>> -> memref<16x64xi32, #tpu.memory_space<vmem>>
          %gather3A_327 = tpu.vector_load_idx %gather3A_326[%iota3A, %broadcast_in_dim3A_321] : memref<16x64xi32, #tpu.memory_space<vmem>>[vector<16xi32>, vector<16xi32>], vector<16xi32>,
          %scatter3A_328 = arith.constant 1 : i32
          %scatter3A_329 = arith.constant 0 : i32
          %scatter3A_330 = arith.constant 0 : i32
          %scatter3A_331 = tpu.memref_slice %arg5[%scatter3A_328, %scatter3A_329, %scatter3A_330] : memref<2x16x1024xf32, #tpu.memory_space<vmem>> -> memref<1x16x1024xf32, #tpu.memory_space<vmem>>
          %scatter3A_332 = tpu.memref_squeeze %scatter3A_331 : memref<1x16x1024xf32, #tpu.memory_space<vmem>> -> memref<16x1024xf32, #tpu.memory_space<vmem>>
          tpu.vector_store_idx %scatter3A_332[%iota3A, %gather3A_327], %broadcast_in_dim3A_1 {add = true} : memref<16x1024xf32, #tpu.memory_space<vmem>>[vector<16xi32>, vector<16xi32>], vector<16xf32>,
          %scan3A_333 = arith.constant 0 : i32
          scf.yield %scan3A_333 : i32
        }
        %scan3A_215 = arith.constant 64 : i32
      } else {
      }
      %lt3A_123 = arith.constant 327 : i32
      %lt3A_124 = arith.cmpi slt, %add3A_94, %lt3A_123 : i32
      %convert_element_type3A_125 = arith.extui %lt3A_124 : i1 to i32
      %cond3A_126 = arith.constant 0 : i32
      %cond3A_127 = arith.cmpi ne, %convert_element_type3A_125, %cond3A_126 : i32
      scf.if %cond3A_127 {
        %mul3A_209 = arith.constant 16 : i32
        %mul3A_210 = arith.muli %add3A_94, %mul3A_209 : i32
        %dma_start3A = arith.constant 1 : i32
        %dma_start3A_211 = arith.constant 0 : i32
        %dma_start3A_212 = arith.constant 0 : i32
        %dma_start3A_213 = tpu.memref_slice %arg5[%dma_start3A, %dma_start3A_211, %dma_start3A_212] : memref<2x16x1024xf32, #tpu.memory_space<vmem>> -> memref<1x16x1024xf32, #tpu.memory_space<vmem>>
        %dma_start3A_214 = tpu.memref_squeeze %dma_start3A_213 : memref<1x16x1024xf32, #tpu.memory_space<vmem>> -> memref<16x1024xf32, #tpu.memory_space<vmem>>
        %dma_start3A_215 = arith.constant 0 : i32
        %dma_start3A_216 = tpu.memref_slice %arg3[%mul3A_210, %dma_start3A_215] : memref<5232x1024xf32, #tpu.memory_space<hbm>> -> memref<16x1024xf32, #tpu.memory_space<hbm>>
        %dma_start3A_217 = arith.constant 0 : i32
        %dma_start3A_218 = tpu.memref_slice %arg3[%mul3A_210, %dma_start3A_217] : memref<5232x1024xf32, #tpu.memory_space<hbm>> -> memref<16x1024xf32, #tpu.memory_space<hbm>>
        %dma_start3A_219 = arith.constant 0 : i32
        %dma_start3A_220 = arith.constant 0 : i32
        %dma_start3A_221 = tpu.memref_slice %arg5[%dma_start3A, %dma_start3A_219, %dma_start3A_220] : memref<2x16x1024xf32, #tpu.memory_space<vmem>> -> memref<1x16x1024xf32, #tpu.memory_space<vmem>>
        %dma_start3A_222 = tpu.memref_squeeze %dma_start3A_221 : memref<1x16x1024xf32, #tpu.memory_space<vmem>> -> memref<16x1024xf32, #tpu.memory_space<vmem>>
        tpu.enqueue_dma source(%dma_start3A_222 : memref<16x1024xf32, #tpu.memory_space<vmem>>) target(%dma_start3A_218 : memref<16x1024xf32, #tpu.memory_space<hbm>>) target_semaphore(%arg7 : memref<!tpu.dma_semaphore, #tpu.memory_space<semaphore_mem>>)
      } else {
      }
      %mul3A_128 = arith.constant 4 : i32
      %mul3A_129 = arith.muli %scan3A_48, %mul3A_128 : i32
      %add3A_130 = arith.constant 2 : i32
      %add3A_131 = arith.addi %mul3A_129, %add3A_130 : i32
      %mul3A_132 = arith.constant 32 : i32
      %mul3A_133 = arith.muli %add3A_131, %mul3A_132 : i32
      %add3A_134 = arith.addi %mul3A_133, %add3A : i32
      %add3A_135 = arith.constant 32 : i32
      %add3A_136 = arith.addi %add3A_134, %add3A_135 : i32
      %lt3A_137 = arith.constant 327 : i32
      %lt3A_138 = arith.cmpi slt, %add3A_136, %lt3A_137 : i32
      %convert_element_type3A_139 = arith.extui %lt3A_138 : i1 to i32
      %cond3A_140 = arith.constant 0 : i32
      %cond3A_141 = arith.cmpi ne, %convert_element_type3A_139, %cond3A_140 : i32
      scf.if %cond3A_141 {
        %mul3A_209 = arith.constant 16 : i32
        %mul3A_210 = arith.muli %add3A_136, %mul3A_209 : i32
        %dma_start3A = arith.constant 3 : i32
        %dma_start3A_211 = arith.constant 0 : i32
        %dma_start3A_212 = arith.constant 0 : i32
        %dma_start3A_213 = tpu.memref_slice %arg4[%dma_start3A, %dma_start3A_211, %dma_start3A_212] : memref<4x16x64xi32, #tpu.memory_space<vmem>> -> memref<1x16x64xi32, #tpu.memory_space<vmem>>
        %dma_start3A_214 = tpu.memref_squeeze %dma_start3A_213 : memref<1x16x64xi32, #tpu.memory_space<vmem>> -> memref<16x64xi32, #tpu.memory_space<vmem>>
        %dma_start3A_215 = arith.constant 0 : i32
        %dma_start3A_216 = tpu.memref_slice %arg2[%mul3A_210, %dma_start3A_215] : memref<5232x64xi32, #tpu.memory_space<hbm>> -> memref<16x64xi32, #tpu.memory_space<hbm>>
        %dma_start3A_217 = arith.constant 0 : i32
        %dma_start3A_218 = arith.constant 0 : i32
        %dma_start3A_219 = tpu.memref_slice %arg4[%dma_start3A, %dma_start3A_217, %dma_start3A_218] : memref<4x16x64xi32, #tpu.memory_space<vmem>> -> memref<1x16x64xi32, #tpu.memory_space<vmem>>
        %dma_start3A_220 = tpu.memref_squeeze %dma_start3A_219 : memref<1x16x64xi32, #tpu.memory_space<vmem>> -> memref<16x64xi32, #tpu.memory_space<vmem>>
        %dma_start3A_221 = arith.constant 0 : i32
        %dma_start3A_222 = tpu.memref_slice %arg2[%mul3A_210, %dma_start3A_221] : memref<5232x64xi32, #tpu.memory_space<hbm>> -> memref<16x64xi32, #tpu.memory_space<hbm>>
        tpu.enqueue_dma source(%dma_start3A_222 : memref<16x64xi32, #tpu.memory_space<hbm>>) target(%dma_start3A_220 : memref<16x64xi32, #tpu.memory_space<vmem>>) target_semaphore(%arg11 : memref<!tpu.dma_semaphore, #tpu.memory_space<semaphore_mem>>)
      } else {
      }
      %lt3A_142 = arith.constant 327 : i32
      %lt3A_143 = arith.cmpi slt, %add3A_134, %lt3A_142 : i32
      %convert_element_type3A_144 = arith.extui %lt3A_143 : i1 to i32
      %cond3A_145 = arith.constant 0 : i32
      %cond3A_146 = arith.cmpi ne, %convert_element_type3A_144, %cond3A_145 : i32
      scf.if %cond3A_146 {
        %mul3A_209 = arith.constant 16 : i32
        %mul3A_210 = arith.muli %add3A_134, %mul3A_209 : i32
        %dma_wait3A_211 = arith.constant 2 : i32
        %dma_wait3A_212 = arith.constant 0 : i32
        %dma_wait3A_213 = arith.constant 0 : i32
        %dma_wait3A_214 = tpu.memref_slice %arg4[%dma_wait3A_211, %dma_wait3A_212, %dma_wait3A_213] : memref<4x16x64xi32, #tpu.memory_space<vmem>> -> memref<1x16x64xi32, #tpu.memory_space<vmem>>
        %dma_wait3A_215 = tpu.memref_squeeze %dma_wait3A_214 : memref<1x16x64xi32, #tpu.memory_space<vmem>> -> memref<16x64xi32, #tpu.memory_space<vmem>>
        %dma_wait3A_216 = arith.constant 0 : i32
        %dma_wait3A_217 = tpu.memref_slice %arg2[%mul3A_210, %dma_wait3A_216] : memref<5232x64xi32, #tpu.memory_space<hbm>> -> memref<16x64xi32, #tpu.memory_space<hbm>>
        %dma_wait3A_218 = arith.constant 0 : i32
        %dma_wait3A_219 = arith.constant 0 : i32
        %dma_wait3A_220 = tpu.memref_slice %arg4[%dma_wait3A_211, %dma_wait3A_218, %dma_wait3A_219] : memref<4x16x64xi32, #tpu.memory_space<vmem>> -> memref<1x16x64xi32, #tpu.memory_space<vmem>>
        %dma_wait3A_221 = tpu.memref_squeeze %dma_wait3A_220 : memref<1x16x64xi32, #tpu.memory_space<vmem>> -> memref<16x64xi32, #tpu.memory_space<vmem>>
        %dma_wait3A_222 = arith.constant 0 : i32
        %dma_wait3A_223 = tpu.memref_slice %arg2[%mul3A_210, %dma_wait3A_222] : memref<5232x64xi32, #tpu.memory_space<hbm>> -> memref<16x64xi32, #tpu.memory_space<hbm>>
        tpu.wait_dma2 semaphore(%arg10 : memref<!tpu.dma_semaphore, #tpu.memory_space<semaphore_mem>>) src(%dma_wait3A_223 : memref<16x64xi32, #tpu.memory_space<hbm>>) dst(%dma_wait3A_221 : memref<16x64xi32, #tpu.memory_space<vmem>>)
      } else {
      }
      %lt3A_147 = arith.constant 327 : i32
      %lt3A_148 = arith.cmpi slt, %add3A_134, %lt3A_147 : i32
      %ge3A_149 = arith.constant 2 : i32
      %ge3A_150 = arith.cmpi sge, %add3A_131, %ge3A_149 : i32
      %and3A_151 = arith.andi %lt3A_148, %ge3A_150 : i1
      %convert_element_type3A_152 = arith.extui %and3A_151 : i1 to i32
      %cond3A_153 = arith.constant 0 : i32
      %cond3A_154 = arith.cmpi ne, %convert_element_type3A_152, %cond3A_153 : i32
      scf.if %cond3A_154 {
        %sub3A = arith.constant 64 : i32
        %sub3A_209 = arith.subi %add3A_134, %sub3A : i32
        %mul3A_210 = arith.constant 16 : i32
        %mul3A_211 = arith.muli %sub3A_209, %mul3A_210 : i32
        %dma_wait3A_212 = arith.constant 0 : i32
        %dma_wait3A_213 = arith.constant 0 : i32
        %dma_wait3A_214 = arith.constant 0 : i32
        %dma_wait3A_215 = tpu.memref_slice %arg5[%dma_wait3A_212, %dma_wait3A_213, %dma_wait3A_214] : memref<2x16x1024xf32, #tpu.memory_space<vmem>> -> memref<1x16x1024xf32, #tpu.memory_space<vmem>>
        %dma_wait3A_216 = tpu.memref_squeeze %dma_wait3A_215 : memref<1x16x1024xf32, #tpu.memory_space<vmem>> -> memref<16x1024xf32, #tpu.memory_space<vmem>>
        %dma_wait3A_217 = arith.constant 0 : i32
        %dma_wait3A_218 = tpu.memref_slice %arg3[%mul3A_211, %dma_wait3A_217] : memref<5232x1024xf32, #tpu.memory_space<hbm>> -> memref<16x1024xf32, #tpu.memory_space<hbm>>
        %dma_wait3A_219 = arith.constant 0 : i32
        %dma_wait3A_220 = tpu.memref_slice %arg3[%mul3A_211, %dma_wait3A_219] : memref<5232x1024xf32, #tpu.memory_space<hbm>> -> memref<16x1024xf32, #tpu.memory_space<hbm>>
        %dma_wait3A_221 = arith.constant 0 : i32
        %dma_wait3A_222 = arith.constant 0 : i32
        %dma_wait3A_223 = tpu.memref_slice %arg5[%dma_wait3A_212, %dma_wait3A_221, %dma_wait3A_222] : memref<2x16x1024xf32, #tpu.memory_space<vmem>> -> memref<1x16x1024xf32, #tpu.memory_space<vmem>>
        %dma_wait3A_224 = tpu.memref_squeeze %dma_wait3A_223 : memref<1x16x1024xf32, #tpu.memory_space<vmem>> -> memref<16x1024xf32, #tpu.memory_space<vmem>>
        tpu.wait_dma2 semaphore(%arg6 : memref<!tpu.dma_semaphore, #tpu.memory_space<semaphore_mem>>) src(%dma_wait3A_224 : memref<16x1024xf32, #tpu.memory_space<vmem>>) dst(%dma_wait3A_220 : memref<16x1024xf32, #tpu.memory_space<hbm>>)
        %scan3A_225 = arith.constant 0 : i32
        %scan3A_226 = arith.constant 0 : i32
        %scan3A_227 = arith.constant 64 : i32
        %scan3A_228 = arith.addi %scan3A_226, %scan3A_227 : i32
        %scan3A_229 = arith.constant 4 : i32
        %scan3A_230 = scf.for %scan3A_232 = %scan3A_226 to %scan3A_228 step %scan3A_229 iter_args(%scan3A_233 = %scan3A_225) -> (i32)  : i32 {
          %broadcast_in_dim3A_234 = vector.broadcast %scan3A_232 : i32 to vector<16xi32>
          %gather3A = arith.constant 0 : i32
          %gather3A_235 = arith.constant 0 : i32
          %gather3A_236 = arith.constant 0 : i32
          %gather3A_237 = tpu.memref_slice %arg4[%gather3A, %gather3A_235, %gather3A_236] : memref<4x16x64xi32, #tpu.memory_space<vmem>> -> memref<1x16x64xi32, #tpu.memory_space<vmem>>
          %gather3A_238 = tpu.memref_squeeze %gather3A_237 : memref<1x16x64xi32, #tpu.memory_space<vmem>> -> memref<16x64xi32, #tpu.memory_space<vmem>>
          %gather3A_239 = tpu.vector_load_idx %gather3A_238[%iota3A, %broadcast_in_dim3A_234] : memref<16x64xi32, #tpu.memory_space<vmem>>[vector<16xi32>, vector<16xi32>], vector<16xi32>,
          %gather3A_240 = arith.constant 2 : i32
          %gather3A_241 = arith.constant 0 : i32
          %gather3A_242 = arith.constant 0 : i32
          %gather3A_243 = tpu.memref_slice %arg4[%gather3A_240, %gather3A_241, %gather3A_242] : memref<4x16x64xi32, #tpu.memory_space<vmem>> -> memref<1x16x64xi32, #tpu.memory_space<vmem>>
          %gather3A_244 = tpu.memref_squeeze %gather3A_243 : memref<1x16x64xi32, #tpu.memory_space<vmem>> -> memref<16x64xi32, #tpu.memory_space<vmem>>
          %gather3A_245 = tpu.vector_load_idx %gather3A_244[%iota3A, %broadcast_in_dim3A_234] : memref<16x64xi32, #tpu.memory_space<vmem>>[vector<16xi32>, vector<16xi32>], vector<16xi32>,
          %neg3A = arith.constant 0.000000e+00 : f32
          %neg3A_246 = vector.broadcast %neg3A : f32 to vector<16xf32>
          %neg3A_247 = arith.subf %neg3A_246, %broadcast_in_dim3A_1 : vector<16xf32>
          %scatter3A = arith.constant 0 : i32
          %scatter3A_248 = arith.constant 0 : i32
          %scatter3A_249 = arith.constant 0 : i32
          %scatter3A_250 = tpu.memref_slice %arg5[%scatter3A, %scatter3A_248, %scatter3A_249] : memref<2x16x1024xf32, #tpu.memory_space<vmem>> -> memref<1x16x1024xf32, #tpu.memory_space<vmem>>
          %scatter3A_251 = tpu.memref_squeeze %scatter3A_250 : memref<1x16x1024xf32, #tpu.memory_space<vmem>> -> memref<16x1024xf32, #tpu.memory_space<vmem>>
          tpu.vector_store_idx %scatter3A_251[%iota3A, %gather3A_239], %neg3A_247 {add = true} : memref<16x1024xf32, #tpu.memory_space<vmem>>[vector<16xi32>, vector<16xi32>], vector<16xf32>,
          %scatter3A_252 = arith.constant 0 : i32
          %scatter3A_253 = arith.constant 0 : i32
          %scatter3A_254 = arith.constant 0 : i32
          %scatter3A_255 = tpu.memref_slice %arg5[%scatter3A_252, %scatter3A_253, %scatter3A_254] : memref<2x16x1024xf32, #tpu.memory_space<vmem>> -> memref<1x16x1024xf32, #tpu.memory_space<vmem>>
          %scatter3A_256 = tpu.memref_squeeze %scatter3A_255 : memref<1x16x1024xf32, #tpu.memory_space<vmem>> -> memref<16x1024xf32, #tpu.memory_space<vmem>>
          tpu.vector_store_idx %scatter3A_256[%iota3A, %gather3A_245], %broadcast_in_dim3A_1 {add = true} : memref<16x1024xf32, #tpu.memory_space<vmem>>[vector<16xi32>, vector<16xi32>], vector<16xf32>,
          %scan3A_257 = arith.constant 0 : i32
          %scan3A_258 = arith.constant 1 : i32
          %scan3A_259 = arith.addi %scan3A_232, %scan3A_258 : i32
          %broadcast_in_dim3A_260 = vector.broadcast %scan3A_259 : i32 to vector<16xi32>
          %gather3A_261 = arith.constant 0 : i32
          %gather3A_262 = arith.constant 0 : i32
          %gather3A_263 = arith.constant 0 : i32
          %gather3A_264 = tpu.memref_slice %arg4[%gather3A_261, %gather3A_262, %gather3A_263] : memref<4x16x64xi32, #tpu.memory_space<vmem>> -> memref<1x16x64xi32, #tpu.memory_space<vmem>>
          %gather3A_265 = tpu.memref_squeeze %gather3A_264 : memref<1x16x64xi32, #tpu.memory_space<vmem>> -> memref<16x64xi32, #tpu.memory_space<vmem>>
          %gather3A_266 = tpu.vector_load_idx %gather3A_265[%iota3A, %broadcast_in_dim3A_260] : memref<16x64xi32, #tpu.memory_space<vmem>>[vector<16xi32>, vector<16xi32>], vector<16xi32>,
          %gather3A_267 = arith.constant 2 : i32
          %gather3A_268 = arith.constant 0 : i32
          %gather3A_269 = arith.constant 0 : i32
          %gather3A_270 = tpu.memref_slice %arg4[%gather3A_267, %gather3A_268, %gather3A_269] : memref<4x16x64xi32, #tpu.memory_space<vmem>> -> memref<1x16x64xi32, #tpu.memory_space<vmem>>
          %gather3A_271 = tpu.memref_squeeze %gather3A_270 : memref<1x16x64xi32, #tpu.memory_space<vmem>> -> memref<16x64xi32, #tpu.memory_space<vmem>>
          %gather3A_272 = tpu.vector_load_idx %gather3A_271[%iota3A, %broadcast_in_dim3A_260] : memref<16x64xi32, #tpu.memory_space<vmem>>[vector<16xi32>, vector<16xi32>], vector<16xi32>,
          %neg3A_273 = arith.constant 0.000000e+00 : f32
          %neg3A_274 = vector.broadcast %neg3A_273 : f32 to vector<16xf32>
          %neg3A_275 = arith.subf %neg3A_274, %broadcast_in_dim3A_1 : vector<16xf32>
          %scatter3A_276 = arith.constant 0 : i32
          %scatter3A_277 = arith.constant 0 : i32
          %scatter3A_278 = arith.constant 0 : i32
          %scatter3A_279 = tpu.memref_slice %arg5[%scatter3A_276, %scatter3A_277, %scatter3A_278] : memref<2x16x1024xf32, #tpu.memory_space<vmem>> -> memref<1x16x1024xf32, #tpu.memory_space<vmem>>
          %scatter3A_280 = tpu.memref_squeeze %scatter3A_279 : memref<1x16x1024xf32, #tpu.memory_space<vmem>> -> memref<16x1024xf32, #tpu.memory_space<vmem>>
          tpu.vector_store_idx %scatter3A_280[%iota3A, %gather3A_266], %neg3A_275 {add = true} : memref<16x1024xf32, #tpu.memory_space<vmem>>[vector<16xi32>, vector<16xi32>], vector<16xf32>,
          %scatter3A_281 = arith.constant 0 : i32
          %scatter3A_282 = arith.constant 0 : i32
          %scatter3A_283 = arith.constant 0 : i32
          %scatter3A_284 = tpu.memref_slice %arg5[%scatter3A_281, %scatter3A_282, %scatter3A_283] : memref<2x16x1024xf32, #tpu.memory_space<vmem>> -> memref<1x16x1024xf32, #tpu.memory_space<vmem>>
          %scatter3A_285 = tpu.memref_squeeze %scatter3A_284 : memref<1x16x1024xf32, #tpu.memory_space<vmem>> -> memref<16x1024xf32, #tpu.memory_space<vmem>>
          tpu.vector_store_idx %scatter3A_285[%iota3A, %gather3A_272], %broadcast_in_dim3A_1 {add = true} : memref<16x1024xf32, #tpu.memory_space<vmem>>[vector<16xi32>, vector<16xi32>], vector<16xf32>,
          %scan3A_286 = arith.constant 0 : i32
          %scan3A_287 = arith.constant 2 : i32
          %scan3A_288 = arith.addi %scan3A_232, %scan3A_287 : i32
          %broadcast_in_dim3A_289 = vector.broadcast %scan3A_288 : i32 to vector<16xi32>
          %gather3A_290 = arith.constant 0 : i32
          %gather3A_291 = arith.constant 0 : i32
          %gather3A_292 = arith.constant 0 : i32
          %gather3A_293 = tpu.memref_slice %arg4[%gather3A_290, %gather3A_291, %gather3A_292] : memref<4x16x64xi32, #tpu.memory_space<vmem>> -> memref<1x16x64xi32, #tpu.memory_space<vmem>>
          %gather3A_294 = tpu.memref_squeeze %gather3A_293 : memref<1x16x64xi32, #tpu.memory_space<vmem>> -> memref<16x64xi32, #tpu.memory_space<vmem>>
          %gather3A_295 = tpu.vector_load_idx %gather3A_294[%iota3A, %broadcast_in_dim3A_289] : memref<16x64xi32, #tpu.memory_space<vmem>>[vector<16xi32>, vector<16xi32>], vector<16xi32>,
          %gather3A_296 = arith.constant 2 : i32
          %gather3A_297 = arith.constant 0 : i32
          %gather3A_298 = arith.constant 0 : i32
          %gather3A_299 = tpu.memref_slice %arg4[%gather3A_296, %gather3A_297, %gather3A_298] : memref<4x16x64xi32, #tpu.memory_space<vmem>> -> memref<1x16x64xi32, #tpu.memory_space<vmem>>
          %gather3A_300 = tpu.memref_squeeze %gather3A_299 : memref<1x16x64xi32, #tpu.memory_space<vmem>> -> memref<16x64xi32, #tpu.memory_space<vmem>>
          %gather3A_301 = tpu.vector_load_idx %gather3A_300[%iota3A, %broadcast_in_dim3A_289] : memref<16x64xi32, #tpu.memory_space<vmem>>[vector<16xi32>, vector<16xi32>], vector<16xi32>,
          %neg3A_302 = arith.constant 0.000000e+00 : f32
          %neg3A_303 = vector.broadcast %neg3A_302 : f32 to vector<16xf32>
          %neg3A_304 = arith.subf %neg3A_303, %broadcast_in_dim3A_1 : vector<16xf32>
          %scatter3A_305 = arith.constant 0 : i32
          %scatter3A_306 = arith.constant 0 : i32
          %scatter3A_307 = arith.constant 0 : i32
          %scatter3A_308 = tpu.memref_slice %arg5[%scatter3A_305, %scatter3A_306, %scatter3A_307] : memref<2x16x1024xf32, #tpu.memory_space<vmem>> -> memref<1x16x1024xf32, #tpu.memory_space<vmem>>
          %scatter3A_309 = tpu.memref_squeeze %scatter3A_308 : memref<1x16x1024xf32, #tpu.memory_space<vmem>> -> memref<16x1024xf32, #tpu.memory_space<vmem>>
          tpu.vector_store_idx %scatter3A_309[%iota3A, %gather3A_295], %neg3A_304 {add = true} : memref<16x1024xf32, #tpu.memory_space<vmem>>[vector<16xi32>, vector<16xi32>], vector<16xf32>,
          %scatter3A_310 = arith.constant 0 : i32
          %scatter3A_311 = arith.constant 0 : i32
          %scatter3A_312 = arith.constant 0 : i32
          %scatter3A_313 = tpu.memref_slice %arg5[%scatter3A_310, %scatter3A_311, %scatter3A_312] : memref<2x16x1024xf32, #tpu.memory_space<vmem>> -> memref<1x16x1024xf32, #tpu.memory_space<vmem>>
          %scatter3A_314 = tpu.memref_squeeze %scatter3A_313 : memref<1x16x1024xf32, #tpu.memory_space<vmem>> -> memref<16x1024xf32, #tpu.memory_space<vmem>>
          tpu.vector_store_idx %scatter3A_314[%iota3A, %gather3A_301], %broadcast_in_dim3A_1 {add = true} : memref<16x1024xf32, #tpu.memory_space<vmem>>[vector<16xi32>, vector<16xi32>], vector<16xf32>,
          %scan3A_315 = arith.constant 0 : i32
          %scan3A_316 = arith.constant 3 : i32
          %scan3A_317 = arith.addi %scan3A_232, %scan3A_316 : i32
          %broadcast_in_dim3A_318 = vector.broadcast %scan3A_317 : i32 to vector<16xi32>
          %gather3A_319 = arith.constant 0 : i32
          %gather3A_320 = arith.constant 0 : i32
          %gather3A_321 = arith.constant 0 : i32
          %gather3A_322 = tpu.memref_slice %arg4[%gather3A_319, %gather3A_320, %gather3A_321] : memref<4x16x64xi32, #tpu.memory_space<vmem>> -> memref<1x16x64xi32, #tpu.memory_space<vmem>>
          %gather3A_323 = tpu.memref_squeeze %gather3A_322 : memref<1x16x64xi32, #tpu.memory_space<vmem>> -> memref<16x64xi32, #tpu.memory_space<vmem>>
          %gather3A_324 = tpu.vector_load_idx %gather3A_323[%iota3A, %broadcast_in_dim3A_318] : memref<16x64xi32, #tpu.memory_space<vmem>>[vector<16xi32>, vector<16xi32>], vector<16xi32>,
          %gather3A_325 = arith.constant 2 : i32
          %gather3A_326 = arith.constant 0 : i32
          %gather3A_327 = arith.constant 0 : i32
          %gather3A_328 = tpu.memref_slice %arg4[%gather3A_325, %gather3A_326, %gather3A_327] : memref<4x16x64xi32, #tpu.memory_space<vmem>> -> memref<1x16x64xi32, #tpu.memory_space<vmem>>
          %gather3A_329 = tpu.memref_squeeze %gather3A_328 : memref<1x16x64xi32, #tpu.memory_space<vmem>> -> memref<16x64xi32, #tpu.memory_space<vmem>>
          %gather3A_330 = tpu.vector_load_idx %gather3A_329[%iota3A, %broadcast_in_dim3A_318] : memref<16x64xi32, #tpu.memory_space<vmem>>[vector<16xi32>, vector<16xi32>], vector<16xi32>,
          %neg3A_331 = arith.constant 0.000000e+00 : f32
          %neg3A_332 = vector.broadcast %neg3A_331 : f32 to vector<16xf32>
          %neg3A_333 = arith.subf %neg3A_332, %broadcast_in_dim3A_1 : vector<16xf32>
          %scatter3A_334 = arith.constant 0 : i32
          %scatter3A_335 = arith.constant 0 : i32
          %scatter3A_336 = arith.constant 0 : i32
          %scatter3A_337 = tpu.memref_slice %arg5[%scatter3A_334, %scatter3A_335, %scatter3A_336] : memref<2x16x1024xf32, #tpu.memory_space<vmem>> -> memref<1x16x1024xf32, #tpu.memory_space<vmem>>
          %scatter3A_338 = tpu.memref_squeeze %scatter3A_337 : memref<1x16x1024xf32, #tpu.memory_space<vmem>> -> memref<16x1024xf32, #tpu.memory_space<vmem>>
          tpu.vector_store_idx %scatter3A_338[%iota3A, %gather3A_324], %neg3A_333 {add = true} : memref<16x1024xf32, #tpu.memory_space<vmem>>[vector<16xi32>, vector<16xi32>], vector<16xf32>,
          %scatter3A_339 = arith.constant 0 : i32
          %scatter3A_340 = arith.constant 0 : i32
          %scatter3A_341 = arith.constant 0 : i32
          %scatter3A_342 = tpu.memref_slice %arg5[%scatter3A_339, %scatter3A_340, %scatter3A_341] : memref<2x16x1024xf32, #tpu.memory_space<vmem>> -> memref<1x16x1024xf32, #tpu.memory_space<vmem>>
          %scatter3A_343 = tpu.memref_squeeze %scatter3A_342 : memref<1x16x1024xf32, #tpu.memory_space<vmem>> -> memref<16x1024xf32, #tpu.memory_space<vmem>>
          tpu.vector_store_idx %scatter3A_343[%iota3A, %gather3A_330], %broadcast_in_dim3A_1 {add = true} : memref<16x1024xf32, #tpu.memory_space<vmem>>[vector<16xi32>, vector<16xi32>], vector<16xf32>,
          %scan3A_344 = arith.constant 0 : i32
          scf.yield %scan3A_344 : i32
        }
        %scan3A_231 = arith.constant 64 : i32
      } else {
      }
      %lt3A_155 = arith.constant 327 : i32
      %lt3A_156 = arith.cmpi slt, %add3A_134, %lt3A_155 : i32
      %lt3A_157 = arith.constant 2 : i32
      %lt3A_158 = arith.cmpi slt, %add3A_131, %lt3A_157 : i32
      %and3A_159 = arith.andi %lt3A_156, %lt3A_158 : i1
      %convert_element_type3A_160 = arith.extui %and3A_159 : i1 to i32
      %cond3A_161 = arith.constant 0 : i32
      %cond3A_162 = arith.cmpi ne, %convert_element_type3A_160, %cond3A_161 : i32
      scf.if %cond3A_162 {
        %scan3A_209 = arith.constant 0 : i32
        %scan3A_210 = arith.constant 0 : i32
        %scan3A_211 = arith.constant 64 : i32
        %scan3A_212 = arith.addi %scan3A_210, %scan3A_211 : i32
        %scan3A_213 = arith.constant 8 : i32
        %scan3A_214 = scf.for %scan3A_216 = %scan3A_210 to %scan3A_212 step %scan3A_213 iter_args(%scan3A_217 = %scan3A_209) -> (i32)  : i32 {
          %broadcast_in_dim3A_218 = vector.broadcast %scan3A_216 : i32 to vector<16xi32>
          %gather3A = arith.constant 2 : i32
          %gather3A_219 = arith.constant 0 : i32
          %gather3A_220 = arith.constant 0 : i32
          %gather3A_221 = tpu.memref_slice %arg4[%gather3A, %gather3A_219, %gather3A_220] : memref<4x16x64xi32, #tpu.memory_space<vmem>> -> memref<1x16x64xi32, #tpu.memory_space<vmem>>
          %gather3A_222 = tpu.memref_squeeze %gather3A_221 : memref<1x16x64xi32, #tpu.memory_space<vmem>> -> memref<16x64xi32, #tpu.memory_space<vmem>>
          %gather3A_223 = tpu.vector_load_idx %gather3A_222[%iota3A, %broadcast_in_dim3A_218] : memref<16x64xi32, #tpu.memory_space<vmem>>[vector<16xi32>, vector<16xi32>], vector<16xi32>,
          %scatter3A = arith.constant 0 : i32
          %scatter3A_224 = arith.constant 0 : i32
          %scatter3A_225 = arith.constant 0 : i32
          %scatter3A_226 = tpu.memref_slice %arg5[%scatter3A, %scatter3A_224, %scatter3A_225] : memref<2x16x1024xf32, #tpu.memory_space<vmem>> -> memref<1x16x1024xf32, #tpu.memory_space<vmem>>
          %scatter3A_227 = tpu.memref_squeeze %scatter3A_226 : memref<1x16x1024xf32, #tpu.memory_space<vmem>> -> memref<16x1024xf32, #tpu.memory_space<vmem>>
          tpu.vector_store_idx %scatter3A_227[%iota3A, %gather3A_223], %broadcast_in_dim3A_1 {add = true} : memref<16x1024xf32, #tpu.memory_space<vmem>>[vector<16xi32>, vector<16xi32>], vector<16xf32>,
          %scan3A_228 = arith.constant 0 : i32
          %scan3A_229 = arith.constant 1 : i32
          %scan3A_230 = arith.addi %scan3A_216, %scan3A_229 : i32
          %broadcast_in_dim3A_231 = vector.broadcast %scan3A_230 : i32 to vector<16xi32>
          %gather3A_232 = arith.constant 2 : i32
          %gather3A_233 = arith.constant 0 : i32
          %gather3A_234 = arith.constant 0 : i32
          %gather3A_235 = tpu.memref_slice %arg4[%gather3A_232, %gather3A_233, %gather3A_234] : memref<4x16x64xi32, #tpu.memory_space<vmem>> -> memref<1x16x64xi32, #tpu.memory_space<vmem>>
          %gather3A_236 = tpu.memref_squeeze %gather3A_235 : memref<1x16x64xi32, #tpu.memory_space<vmem>> -> memref<16x64xi32, #tpu.memory_space<vmem>>
          %gather3A_237 = tpu.vector_load_idx %gather3A_236[%iota3A, %broadcast_in_dim3A_231] : memref<16x64xi32, #tpu.memory_space<vmem>>[vector<16xi32>, vector<16xi32>], vector<16xi32>,
          %scatter3A_238 = arith.constant 0 : i32
          %scatter3A_239 = arith.constant 0 : i32
          %scatter3A_240 = arith.constant 0 : i32
          %scatter3A_241 = tpu.memref_slice %arg5[%scatter3A_238, %scatter3A_239, %scatter3A_240] : memref<2x16x1024xf32, #tpu.memory_space<vmem>> -> memref<1x16x1024xf32, #tpu.memory_space<vmem>>
          %scatter3A_242 = tpu.memref_squeeze %scatter3A_241 : memref<1x16x1024xf32, #tpu.memory_space<vmem>> -> memref<16x1024xf32, #tpu.memory_space<vmem>>
          tpu.vector_store_idx %scatter3A_242[%iota3A, %gather3A_237], %broadcast_in_dim3A_1 {add = true} : memref<16x1024xf32, #tpu.memory_space<vmem>>[vector<16xi32>, vector<16xi32>], vector<16xf32>,
          %scan3A_243 = arith.constant 0 : i32
          %scan3A_244 = arith.constant 2 : i32
          %scan3A_245 = arith.addi %scan3A_216, %scan3A_244 : i32
          %broadcast_in_dim3A_246 = vector.broadcast %scan3A_245 : i32 to vector<16xi32>
          %gather3A_247 = arith.constant 2 : i32
          %gather3A_248 = arith.constant 0 : i32
          %gather3A_249 = arith.constant 0 : i32
          %gather3A_250 = tpu.memref_slice %arg4[%gather3A_247, %gather3A_248, %gather3A_249] : memref<4x16x64xi32, #tpu.memory_space<vmem>> -> memref<1x16x64xi32, #tpu.memory_space<vmem>>
          %gather3A_251 = tpu.memref_squeeze %gather3A_250 : memref<1x16x64xi32, #tpu.memory_space<vmem>> -> memref<16x64xi32, #tpu.memory_space<vmem>>
          %gather3A_252 = tpu.vector_load_idx %gather3A_251[%iota3A, %broadcast_in_dim3A_246] : memref<16x64xi32, #tpu.memory_space<vmem>>[vector<16xi32>, vector<16xi32>], vector<16xi32>,
          %scatter3A_253 = arith.constant 0 : i32
          %scatter3A_254 = arith.constant 0 : i32
          %scatter3A_255 = arith.constant 0 : i32
          %scatter3A_256 = tpu.memref_slice %arg5[%scatter3A_253, %scatter3A_254, %scatter3A_255] : memref<2x16x1024xf32, #tpu.memory_space<vmem>> -> memref<1x16x1024xf32, #tpu.memory_space<vmem>>
          %scatter3A_257 = tpu.memref_squeeze %scatter3A_256 : memref<1x16x1024xf32, #tpu.memory_space<vmem>> -> memref<16x1024xf32, #tpu.memory_space<vmem>>
          tpu.vector_store_idx %scatter3A_257[%iota3A, %gather3A_252], %broadcast_in_dim3A_1 {add = true} : memref<16x1024xf32, #tpu.memory_space<vmem>>[vector<16xi32>, vector<16xi32>], vector<16xf32>,
          %scan3A_258 = arith.constant 0 : i32
          %scan3A_259 = arith.constant 3 : i32
          %scan3A_260 = arith.addi %scan3A_216, %scan3A_259 : i32
          %broadcast_in_dim3A_261 = vector.broadcast %scan3A_260 : i32 to vector<16xi32>
          %gather3A_262 = arith.constant 2 : i32
          %gather3A_263 = arith.constant 0 : i32
          %gather3A_264 = arith.constant 0 : i32
          %gather3A_265 = tpu.memref_slice %arg4[%gather3A_262, %gather3A_263, %gather3A_264] : memref<4x16x64xi32, #tpu.memory_space<vmem>> -> memref<1x16x64xi32, #tpu.memory_space<vmem>>
          %gather3A_266 = tpu.memref_squeeze %gather3A_265 : memref<1x16x64xi32, #tpu.memory_space<vmem>> -> memref<16x64xi32, #tpu.memory_space<vmem>>
          %gather3A_267 = tpu.vector_load_idx %gather3A_266[%iota3A, %broadcast_in_dim3A_261] : memref<16x64xi32, #tpu.memory_space<vmem>>[vector<16xi32>, vector<16xi32>], vector<16xi32>,
          %scatter3A_268 = arith.constant 0 : i32
          %scatter3A_269 = arith.constant 0 : i32
          %scatter3A_270 = arith.constant 0 : i32
          %scatter3A_271 = tpu.memref_slice %arg5[%scatter3A_268, %scatter3A_269, %scatter3A_270] : memref<2x16x1024xf32, #tpu.memory_space<vmem>> -> memref<1x16x1024xf32, #tpu.memory_space<vmem>>
          %scatter3A_272 = tpu.memref_squeeze %scatter3A_271 : memref<1x16x1024xf32, #tpu.memory_space<vmem>> -> memref<16x1024xf32, #tpu.memory_space<vmem>>
          tpu.vector_store_idx %scatter3A_272[%iota3A, %gather3A_267], %broadcast_in_dim3A_1 {add = true} : memref<16x1024xf32, #tpu.memory_space<vmem>>[vector<16xi32>, vector<16xi32>], vector<16xf32>,
          %scan3A_273 = arith.constant 0 : i32
          %scan3A_274 = arith.constant 4 : i32
          %scan3A_275 = arith.addi %scan3A_216, %scan3A_274 : i32
          %broadcast_in_dim3A_276 = vector.broadcast %scan3A_275 : i32 to vector<16xi32>
          %gather3A_277 = arith.constant 2 : i32
          %gather3A_278 = arith.constant 0 : i32
          %gather3A_279 = arith.constant 0 : i32
          %gather3A_280 = tpu.memref_slice %arg4[%gather3A_277, %gather3A_278, %gather3A_279] : memref<4x16x64xi32, #tpu.memory_space<vmem>> -> memref<1x16x64xi32, #tpu.memory_space<vmem>>
          %gather3A_281 = tpu.memref_squeeze %gather3A_280 : memref<1x16x64xi32, #tpu.memory_space<vmem>> -> memref<16x64xi32, #tpu.memory_space<vmem>>
          %gather3A_282 = tpu.vector_load_idx %gather3A_281[%iota3A, %broadcast_in_dim3A_276] : memref<16x64xi32, #tpu.memory_space<vmem>>[vector<16xi32>, vector<16xi32>], vector<16xi32>,
          %scatter3A_283 = arith.constant 0 : i32
          %scatter3A_284 = arith.constant 0 : i32
          %scatter3A_285 = arith.constant 0 : i32
          %scatter3A_286 = tpu.memref_slice %arg5[%scatter3A_283, %scatter3A_284, %scatter3A_285] : memref<2x16x1024xf32, #tpu.memory_space<vmem>> -> memref<1x16x1024xf32, #tpu.memory_space<vmem>>
          %scatter3A_287 = tpu.memref_squeeze %scatter3A_286 : memref<1x16x1024xf32, #tpu.memory_space<vmem>> -> memref<16x1024xf32, #tpu.memory_space<vmem>>
          tpu.vector_store_idx %scatter3A_287[%iota3A, %gather3A_282], %broadcast_in_dim3A_1 {add = true} : memref<16x1024xf32, #tpu.memory_space<vmem>>[vector<16xi32>, vector<16xi32>], vector<16xf32>,
          %scan3A_288 = arith.constant 0 : i32
          %scan3A_289 = arith.constant 5 : i32
          %scan3A_290 = arith.addi %scan3A_216, %scan3A_289 : i32
          %broadcast_in_dim3A_291 = vector.broadcast %scan3A_290 : i32 to vector<16xi32>
          %gather3A_292 = arith.constant 2 : i32
          %gather3A_293 = arith.constant 0 : i32
          %gather3A_294 = arith.constant 0 : i32
          %gather3A_295 = tpu.memref_slice %arg4[%gather3A_292, %gather3A_293, %gather3A_294] : memref<4x16x64xi32, #tpu.memory_space<vmem>> -> memref<1x16x64xi32, #tpu.memory_space<vmem>>
          %gather3A_296 = tpu.memref_squeeze %gather3A_295 : memref<1x16x64xi32, #tpu.memory_space<vmem>> -> memref<16x64xi32, #tpu.memory_space<vmem>>
          %gather3A_297 = tpu.vector_load_idx %gather3A_296[%iota3A, %broadcast_in_dim3A_291] : memref<16x64xi32, #tpu.memory_space<vmem>>[vector<16xi32>, vector<16xi32>], vector<16xi32>,
          %scatter3A_298 = arith.constant 0 : i32
          %scatter3A_299 = arith.constant 0 : i32
          %scatter3A_300 = arith.constant 0 : i32
          %scatter3A_301 = tpu.memref_slice %arg5[%scatter3A_298, %scatter3A_299, %scatter3A_300] : memref<2x16x1024xf32, #tpu.memory_space<vmem>> -> memref<1x16x1024xf32, #tpu.memory_space<vmem>>
          %scatter3A_302 = tpu.memref_squeeze %scatter3A_301 : memref<1x16x1024xf32, #tpu.memory_space<vmem>> -> memref<16x1024xf32, #tpu.memory_space<vmem>>
          tpu.vector_store_idx %scatter3A_302[%iota3A, %gather3A_297], %broadcast_in_dim3A_1 {add = true} : memref<16x1024xf32, #tpu.memory_space<vmem>>[vector<16xi32>, vector<16xi32>], vector<16xf32>,
          %scan3A_303 = arith.constant 0 : i32
          %scan3A_304 = arith.constant 6 : i32
          %scan3A_305 = arith.addi %scan3A_216, %scan3A_304 : i32
          %broadcast_in_dim3A_306 = vector.broadcast %scan3A_305 : i32 to vector<16xi32>
          %gather3A_307 = arith.constant 2 : i32
          %gather3A_308 = arith.constant 0 : i32
          %gather3A_309 = arith.constant 0 : i32
          %gather3A_310 = tpu.memref_slice %arg4[%gather3A_307, %gather3A_308, %gather3A_309] : memref<4x16x64xi32, #tpu.memory_space<vmem>> -> memref<1x16x64xi32, #tpu.memory_space<vmem>>
          %gather3A_311 = tpu.memref_squeeze %gather3A_310 : memref<1x16x64xi32, #tpu.memory_space<vmem>> -> memref<16x64xi32, #tpu.memory_space<vmem>>
          %gather3A_312 = tpu.vector_load_idx %gather3A_311[%iota3A, %broadcast_in_dim3A_306] : memref<16x64xi32, #tpu.memory_space<vmem>>[vector<16xi32>, vector<16xi32>], vector<16xi32>,
          %scatter3A_313 = arith.constant 0 : i32
          %scatter3A_314 = arith.constant 0 : i32
          %scatter3A_315 = arith.constant 0 : i32
          %scatter3A_316 = tpu.memref_slice %arg5[%scatter3A_313, %scatter3A_314, %scatter3A_315] : memref<2x16x1024xf32, #tpu.memory_space<vmem>> -> memref<1x16x1024xf32, #tpu.memory_space<vmem>>
          %scatter3A_317 = tpu.memref_squeeze %scatter3A_316 : memref<1x16x1024xf32, #tpu.memory_space<vmem>> -> memref<16x1024xf32, #tpu.memory_space<vmem>>
          tpu.vector_store_idx %scatter3A_317[%iota3A, %gather3A_312], %broadcast_in_dim3A_1 {add = true} : memref<16x1024xf32, #tpu.memory_space<vmem>>[vector<16xi32>, vector<16xi32>], vector<16xf32>,
          %scan3A_318 = arith.constant 0 : i32
          %scan3A_319 = arith.constant 7 : i32
          %scan3A_320 = arith.addi %scan3A_216, %scan3A_319 : i32
          %broadcast_in_dim3A_321 = vector.broadcast %scan3A_320 : i32 to vector<16xi32>
          %gather3A_322 = arith.constant 2 : i32
          %gather3A_323 = arith.constant 0 : i32
          %gather3A_324 = arith.constant 0 : i32
          %gather3A_325 = tpu.memref_slice %arg4[%gather3A_322, %gather3A_323, %gather3A_324] : memref<4x16x64xi32, #tpu.memory_space<vmem>> -> memref<1x16x64xi32, #tpu.memory_space<vmem>>
          %gather3A_326 = tpu.memref_squeeze %gather3A_325 : memref<1x16x64xi32, #tpu.memory_space<vmem>> -> memref<16x64xi32, #tpu.memory_space<vmem>>
          %gather3A_327 = tpu.vector_load_idx %gather3A_326[%iota3A, %broadcast_in_dim3A_321] : memref<16x64xi32, #tpu.memory_space<vmem>>[vector<16xi32>, vector<16xi32>], vector<16xi32>,
          %scatter3A_328 = arith.constant 0 : i32
          %scatter3A_329 = arith.constant 0 : i32
          %scatter3A_330 = arith.constant 0 : i32
          %scatter3A_331 = tpu.memref_slice %arg5[%scatter3A_328, %scatter3A_329, %scatter3A_330] : memref<2x16x1024xf32, #tpu.memory_space<vmem>> -> memref<1x16x1024xf32, #tpu.memory_space<vmem>>
          %scatter3A_332 = tpu.memref_squeeze %scatter3A_331 : memref<1x16x1024xf32, #tpu.memory_space<vmem>> -> memref<16x1024xf32, #tpu.memory_space<vmem>>
          tpu.vector_store_idx %scatter3A_332[%iota3A, %gather3A_327], %broadcast_in_dim3A_1 {add = true} : memref<16x1024xf32, #tpu.memory_space<vmem>>[vector<16xi32>, vector<16xi32>], vector<16xf32>,
          %scan3A_333 = arith.constant 0 : i32
          scf.yield %scan3A_333 : i32
        }
        %scan3A_215 = arith.constant 64 : i32
      } else {
      }
      %lt3A_163 = arith.constant 327 : i32
      %lt3A_164 = arith.cmpi slt, %add3A_134, %lt3A_163 : i32
      %convert_element_type3A_165 = arith.extui %lt3A_164 : i1 to i32
      %cond3A_166 = arith.constant 0 : i32
      %cond3A_167 = arith.cmpi ne, %convert_element_type3A_165, %cond3A_166 : i32
      scf.if %cond3A_167 {
        %mul3A_209 = arith.constant 16 : i32
        %mul3A_210 = arith.muli %add3A_134, %mul3A_209 : i32
        %dma_start3A = arith.constant 0 : i32
        %dma_start3A_211 = arith.constant 0 : i32
        %dma_start3A_212 = arith.constant 0 : i32
        %dma_start3A_213 = tpu.memref_slice %arg5[%dma_start3A, %dma_start3A_211, %dma_start3A_212] : memref<2x16x1024xf32, #tpu.memory_space<vmem>> -> memref<1x16x1024xf32, #tpu.memory_space<vmem>>
        %dma_start3A_214 = tpu.memref_squeeze %dma_start3A_213 : memref<1x16x1024xf32, #tpu.memory_space<vmem>> -> memref<16x1024xf32, #tpu.memory_space<vmem>>
        %dma_start3A_215 = arith.constant 0 : i32
        %dma_start3A_216 = tpu.memref_slice %arg3[%mul3A_210, %dma_start3A_215] : memref<5232x1024xf32, #tpu.memory_space<hbm>> -> memref<16x1024xf32, #tpu.memory_space<hbm>>
        %dma_start3A_217 = arith.constant 0 : i32
        %dma_start3A_218 = tpu.memref_slice %arg3[%mul3A_210, %dma_start3A_217] : memref<5232x1024xf32, #tpu.memory_space<hbm>> -> memref<16x1024xf32, #tpu.memory_space<hbm>>
        %dma_start3A_219 = arith.constant 0 : i32
        %dma_start3A_220 = arith.constant 0 : i32
        %dma_start3A_221 = tpu.memref_slice %arg5[%dma_start3A, %dma_start3A_219, %dma_start3A_220] : memref<2x16x1024xf32, #tpu.memory_space<vmem>> -> memref<1x16x1024xf32, #tpu.memory_space<vmem>>
        %dma_start3A_222 = tpu.memref_squeeze %dma_start3A_221 : memref<1x16x1024xf32, #tpu.memory_space<vmem>> -> memref<16x1024xf32, #tpu.memory_space<vmem>>
        tpu.enqueue_dma source(%dma_start3A_222 : memref<16x1024xf32, #tpu.memory_space<vmem>>) target(%dma_start3A_218 : memref<16x1024xf32, #tpu.memory_space<hbm>>) target_semaphore(%arg6 : memref<!tpu.dma_semaphore, #tpu.memory_space<semaphore_mem>>)
      } else {
      }
      %mul3A_168 = arith.constant 4 : i32
      %mul3A_169 = arith.muli %scan3A_48, %mul3A_168 : i32
      %add3A_170 = arith.constant 3 : i32
      %add3A_171 = arith.addi %mul3A_169, %add3A_170 : i32
      %mul3A_172 = arith.constant 32 : i32
      %mul3A_173 = arith.muli %add3A_171, %mul3A_172 : i32
      %add3A_174 = arith.addi %mul3A_173, %add3A : i32
      %add3A_175 = arith.constant 32 : i32
      %add3A_176 = arith.addi %add3A_174, %add3A_175 : i32
      %lt3A_177 = arith.constant 327 : i32
      %lt3A_178 = arith.cmpi slt, %add3A_176, %lt3A_177 : i32
      %convert_element_type3A_179 = arith.extui %lt3A_178 : i1 to i32
      %cond3A_180 = arith.constant 0 : i32
      %cond3A_181 = arith.cmpi ne, %convert_element_type3A_179, %cond3A_180 : i32
      scf.if %cond3A_181 {
        %mul3A_209 = arith.constant 16 : i32
        %mul3A_210 = arith.muli %add3A_176, %mul3A_209 : i32
        %dma_start3A = arith.constant 0 : i32
        %dma_start3A_211 = arith.constant 0 : i32
        %dma_start3A_212 = arith.constant 0 : i32
        %dma_start3A_213 = tpu.memref_slice %arg4[%dma_start3A, %dma_start3A_211, %dma_start3A_212] : memref<4x16x64xi32, #tpu.memory_space<vmem>> -> memref<1x16x64xi32, #tpu.memory_space<vmem>>
        %dma_start3A_214 = tpu.memref_squeeze %dma_start3A_213 : memref<1x16x64xi32, #tpu.memory_space<vmem>> -> memref<16x64xi32, #tpu.memory_space<vmem>>
        %dma_start3A_215 = arith.constant 0 : i32
        %dma_start3A_216 = tpu.memref_slice %arg2[%mul3A_210, %dma_start3A_215] : memref<5232x64xi32, #tpu.memory_space<hbm>> -> memref<16x64xi32, #tpu.memory_space<hbm>>
        %dma_start3A_217 = arith.constant 0 : i32
        %dma_start3A_218 = arith.constant 0 : i32
        %dma_start3A_219 = tpu.memref_slice %arg4[%dma_start3A, %dma_start3A_217, %dma_start3A_218] : memref<4x16x64xi32, #tpu.memory_space<vmem>> -> memref<1x16x64xi32, #tpu.memory_space<vmem>>
        %dma_start3A_220 = tpu.memref_squeeze %dma_start3A_219 : memref<1x16x64xi32, #tpu.memory_space<vmem>> -> memref<16x64xi32, #tpu.memory_space<vmem>>
        %dma_start3A_221 = arith.constant 0 : i32
        %dma_start3A_222 = tpu.memref_slice %arg2[%mul3A_210, %dma_start3A_221] : memref<5232x64xi32, #tpu.memory_space<hbm>> -> memref<16x64xi32, #tpu.memory_space<hbm>>
        tpu.enqueue_dma source(%dma_start3A_222 : memref<16x64xi32, #tpu.memory_space<hbm>>) target(%dma_start3A_220 : memref<16x64xi32, #tpu.memory_space<vmem>>) target_semaphore(%arg8 : memref<!tpu.dma_semaphore, #tpu.memory_space<semaphore_mem>>)
      } else {
      }
      %lt3A_182 = arith.constant 327 : i32
      %lt3A_183 = arith.cmpi slt, %add3A_174, %lt3A_182 : i32
      %convert_element_type3A_184 = arith.extui %lt3A_183 : i1 to i32
      %cond3A_185 = arith.constant 0 : i32
      %cond3A_186 = arith.cmpi ne, %convert_element_type3A_184, %cond3A_185 : i32
      scf.if %cond3A_186 {
        %mul3A_209 = arith.constant 16 : i32
        %mul3A_210 = arith.muli %add3A_174, %mul3A_209 : i32
        %dma_wait3A_211 = arith.constant 3 : i32
        %dma_wait3A_212 = arith.constant 0 : i32
        %dma_wait3A_213 = arith.constant 0 : i32
        %dma_wait3A_214 = tpu.memref_slice %arg4[%dma_wait3A_211, %dma_wait3A_212, %dma_wait3A_213] : memref<4x16x64xi32, #tpu.memory_space<vmem>> -> memref<1x16x64xi32, #tpu.memory_space<vmem>>
        %dma_wait3A_215 = tpu.memref_squeeze %dma_wait3A_214 : memref<1x16x64xi32, #tpu.memory_space<vmem>> -> memref<16x64xi32, #tpu.memory_space<vmem>>
        %dma_wait3A_216 = arith.constant 0 : i32
        %dma_wait3A_217 = tpu.memref_slice %arg2[%mul3A_210, %dma_wait3A_216] : memref<5232x64xi32, #tpu.memory_space<hbm>> -> memref<16x64xi32, #tpu.memory_space<hbm>>
        %dma_wait3A_218 = arith.constant 0 : i32
        %dma_wait3A_219 = arith.constant 0 : i32
        %dma_wait3A_220 = tpu.memref_slice %arg4[%dma_wait3A_211, %dma_wait3A_218, %dma_wait3A_219] : memref<4x16x64xi32, #tpu.memory_space<vmem>> -> memref<1x16x64xi32, #tpu.memory_space<vmem>>
        %dma_wait3A_221 = tpu.memref_squeeze %dma_wait3A_220 : memref<1x16x64xi32, #tpu.memory_space<vmem>> -> memref<16x64xi32, #tpu.memory_space<vmem>>
        %dma_wait3A_222 = arith.constant 0 : i32
        %dma_wait3A_223 = tpu.memref_slice %arg2[%mul3A_210, %dma_wait3A_222] : memref<5232x64xi32, #tpu.memory_space<hbm>> -> memref<16x64xi32, #tpu.memory_space<hbm>>
        tpu.wait_dma2 semaphore(%arg11 : memref<!tpu.dma_semaphore, #tpu.memory_space<semaphore_mem>>) src(%dma_wait3A_223 : memref<16x64xi32, #tpu.memory_space<hbm>>) dst(%dma_wait3A_221 : memref<16x64xi32, #tpu.memory_space<vmem>>)
      } else {
      }
      %lt3A_187 = arith.constant 327 : i32
      %lt3A_188 = arith.cmpi slt, %add3A_174, %lt3A_187 : i32
      %ge3A_189 = arith.constant 2 : i32
      %ge3A_190 = arith.cmpi sge, %add3A_171, %ge3A_189 : i32
      %and3A_191 = arith.andi %lt3A_188, %ge3A_190 : i1
      %convert_element_type3A_192 = arith.extui %and3A_191 : i1 to i32
      %cond3A_193 = arith.constant 0 : i32
      %cond3A_194 = arith.cmpi ne, %convert_element_type3A_192, %cond3A_193 : i32
      scf.if %cond3A_194 {
        %sub3A = arith.constant 64 : i32
        %sub3A_209 = arith.subi %add3A_174, %sub3A : i32
        %mul3A_210 = arith.constant 16 : i32
        %mul3A_211 = arith.muli %sub3A_209, %mul3A_210 : i32
        %dma_wait3A_212 = arith.constant 1 : i32
        %dma_wait3A_213 = arith.constant 0 : i32
        %dma_wait3A_214 = arith.constant 0 : i32
        %dma_wait3A_215 = tpu.memref_slice %arg5[%dma_wait3A_212, %dma_wait3A_213, %dma_wait3A_214] : memref<2x16x1024xf32, #tpu.memory_space<vmem>> -> memref<1x16x1024xf32, #tpu.memory_space<vmem>>
        %dma_wait3A_216 = tpu.memref_squeeze %dma_wait3A_215 : memref<1x16x1024xf32, #tpu.memory_space<vmem>> -> memref<16x1024xf32, #tpu.memory_space<vmem>>
        %dma_wait3A_217 = arith.constant 0 : i32
        %dma_wait3A_218 = tpu.memref_slice %arg3[%mul3A_211, %dma_wait3A_217] : memref<5232x1024xf32, #tpu.memory_space<hbm>> -> memref<16x1024xf32, #tpu.memory_space<hbm>>
        %dma_wait3A_219 = arith.constant 0 : i32
        %dma_wait3A_220 = tpu.memref_slice %arg3[%mul3A_211, %dma_wait3A_219] : memref<5232x1024xf32, #tpu.memory_space<hbm>> -> memref<16x1024xf32, #tpu.memory_space<hbm>>
        %dma_wait3A_221 = arith.constant 0 : i32
        %dma_wait3A_222 = arith.constant 0 : i32
        %dma_wait3A_223 = tpu.memref_slice %arg5[%dma_wait3A_212, %dma_wait3A_221, %dma_wait3A_222] : memref<2x16x1024xf32, #tpu.memory_space<vmem>> -> memref<1x16x1024xf32, #tpu.memory_space<vmem>>
        %dma_wait3A_224 = tpu.memref_squeeze %dma_wait3A_223 : memref<1x16x1024xf32, #tpu.memory_space<vmem>> -> memref<16x1024xf32, #tpu.memory_space<vmem>>
        tpu.wait_dma2 semaphore(%arg7 : memref<!tpu.dma_semaphore, #tpu.memory_space<semaphore_mem>>) src(%dma_wait3A_224 : memref<16x1024xf32, #tpu.memory_space<vmem>>) dst(%dma_wait3A_220 : memref<16x1024xf32, #tpu.memory_space<hbm>>)
        %scan3A_225 = arith.constant 0 : i32
        %scan3A_226 = arith.constant 0 : i32
        %scan3A_227 = arith.constant 64 : i32
        %scan3A_228 = arith.addi %scan3A_226, %scan3A_227 : i32
        %scan3A_229 = arith.constant 4 : i32
        %scan3A_230 = scf.for %scan3A_232 = %scan3A_226 to %scan3A_228 step %scan3A_229 iter_args(%scan3A_233 = %scan3A_225) -> (i32)  : i32 {
          %broadcast_in_dim3A_234 = vector.broadcast %scan3A_232 : i32 to vector<16xi32>
          %gather3A = arith.constant 1 : i32
          %gather3A_235 = arith.constant 0 : i32
          %gather3A_236 = arith.constant 0 : i32
          %gather3A_237 = tpu.memref_slice %arg4[%gather3A, %gather3A_235, %gather3A_236] : memref<4x16x64xi32, #tpu.memory_space<vmem>> -> memref<1x16x64xi32, #tpu.memory_space<vmem>>
          %gather3A_238 = tpu.memref_squeeze %gather3A_237 : memref<1x16x64xi32, #tpu.memory_space<vmem>> -> memref<16x64xi32, #tpu.memory_space<vmem>>
          %gather3A_239 = tpu.vector_load_idx %gather3A_238[%iota3A, %broadcast_in_dim3A_234] : memref<16x64xi32, #tpu.memory_space<vmem>>[vector<16xi32>, vector<16xi32>], vector<16xi32>,
          %gather3A_240 = arith.constant 3 : i32
          %gather3A_241 = arith.constant 0 : i32
          %gather3A_242 = arith.constant 0 : i32
          %gather3A_243 = tpu.memref_slice %arg4[%gather3A_240, %gather3A_241, %gather3A_242] : memref<4x16x64xi32, #tpu.memory_space<vmem>> -> memref<1x16x64xi32, #tpu.memory_space<vmem>>
          %gather3A_244 = tpu.memref_squeeze %gather3A_243 : memref<1x16x64xi32, #tpu.memory_space<vmem>> -> memref<16x64xi32, #tpu.memory_space<vmem>>
          %gather3A_245 = tpu.vector_load_idx %gather3A_244[%iota3A, %broadcast_in_dim3A_234] : memref<16x64xi32, #tpu.memory_space<vmem>>[vector<16xi32>, vector<16xi32>], vector<16xi32>,
          %neg3A = arith.constant 0.000000e+00 : f32
          %neg3A_246 = vector.broadcast %neg3A : f32 to vector<16xf32>
          %neg3A_247 = arith.subf %neg3A_246, %broadcast_in_dim3A_1 : vector<16xf32>
          %scatter3A = arith.constant 1 : i32
          %scatter3A_248 = arith.constant 0 : i32
          %scatter3A_249 = arith.constant 0 : i32
          %scatter3A_250 = tpu.memref_slice %arg5[%scatter3A, %scatter3A_248, %scatter3A_249] : memref<2x16x1024xf32, #tpu.memory_space<vmem>> -> memref<1x16x1024xf32, #tpu.memory_space<vmem>>
          %scatter3A_251 = tpu.memref_squeeze %scatter3A_250 : memref<1x16x1024xf32, #tpu.memory_space<vmem>> -> memref<16x1024xf32, #tpu.memory_space<vmem>>
          tpu.vector_store_idx %scatter3A_251[%iota3A, %gather3A_239], %neg3A_247 {add = true} : memref<16x1024xf32, #tpu.memory_space<vmem>>[vector<16xi32>, vector<16xi32>], vector<16xf32>,
          %scatter3A_252 = arith.constant 1 : i32
          %scatter3A_253 = arith.constant 0 : i32
          %scatter3A_254 = arith.constant 0 : i32
          %scatter3A_255 = tpu.memref_slice %arg5[%scatter3A_252, %scatter3A_253, %scatter3A_254] : memref<2x16x1024xf32, #tpu.memory_space<vmem>> -> memref<1x16x1024xf32, #tpu.memory_space<vmem>>
          %scatter3A_256 = tpu.memref_squeeze %scatter3A_255 : memref<1x16x1024xf32, #tpu.memory_space<vmem>> -> memref<16x1024xf32, #tpu.memory_space<vmem>>
          tpu.vector_store_idx %scatter3A_256[%iota3A, %gather3A_245], %broadcast_in_dim3A_1 {add = true} : memref<16x1024xf32, #tpu.memory_space<vmem>>[vector<16xi32>, vector<16xi32>], vector<16xf32>,
          %scan3A_257 = arith.constant 0 : i32
          %scan3A_258 = arith.constant 1 : i32
          %scan3A_259 = arith.addi %scan3A_232, %scan3A_258 : i32
          %broadcast_in_dim3A_260 = vector.broadcast %scan3A_259 : i32 to vector<16xi32>
          %gather3A_261 = arith.constant 1 : i32
          %gather3A_262 = arith.constant 0 : i32
          %gather3A_263 = arith.constant 0 : i32
          %gather3A_264 = tpu.memref_slice %arg4[%gather3A_261, %gather3A_262, %gather3A_263] : memref<4x16x64xi32, #tpu.memory_space<vmem>> -> memref<1x16x64xi32, #tpu.memory_space<vmem>>
          %gather3A_265 = tpu.memref_squeeze %gather3A_264 : memref<1x16x64xi32, #tpu.memory_space<vmem>> -> memref<16x64xi32, #tpu.memory_space<vmem>>
          %gather3A_266 = tpu.vector_load_idx %gather3A_265[%iota3A, %broadcast_in_dim3A_260] : memref<16x64xi32, #tpu.memory_space<vmem>>[vector<16xi32>, vector<16xi32>], vector<16xi32>,
          %gather3A_267 = arith.constant 3 : i32
          %gather3A_268 = arith.constant 0 : i32
          %gather3A_269 = arith.constant 0 : i32
          %gather3A_270 = tpu.memref_slice %arg4[%gather3A_267, %gather3A_268, %gather3A_269] : memref<4x16x64xi32, #tpu.memory_space<vmem>> -> memref<1x16x64xi32, #tpu.memory_space<vmem>>
          %gather3A_271 = tpu.memref_squeeze %gather3A_270 : memref<1x16x64xi32, #tpu.memory_space<vmem>> -> memref<16x64xi32, #tpu.memory_space<vmem>>
          %gather3A_272 = tpu.vector_load_idx %gather3A_271[%iota3A, %broadcast_in_dim3A_260] : memref<16x64xi32, #tpu.memory_space<vmem>>[vector<16xi32>, vector<16xi32>], vector<16xi32>,
          %neg3A_273 = arith.constant 0.000000e+00 : f32
          %neg3A_274 = vector.broadcast %neg3A_273 : f32 to vector<16xf32>
          %neg3A_275 = arith.subf %neg3A_274, %broadcast_in_dim3A_1 : vector<16xf32>
          %scatter3A_276 = arith.constant 1 : i32
          %scatter3A_277 = arith.constant 0 : i32
          %scatter3A_278 = arith.constant 0 : i32
          %scatter3A_279 = tpu.memref_slice %arg5[%scatter3A_276, %scatter3A_277, %scatter3A_278] : memref<2x16x1024xf32, #tpu.memory_space<vmem>> -> memref<1x16x1024xf32, #tpu.memory_space<vmem>>
          %scatter3A_280 = tpu.memref_squeeze %scatter3A_279 : memref<1x16x1024xf32, #tpu.memory_space<vmem>> -> memref<16x1024xf32, #tpu.memory_space<vmem>>
          tpu.vector_store_idx %scatter3A_280[%iota3A, %gather3A_266], %neg3A_275 {add = true} : memref<16x1024xf32, #tpu.memory_space<vmem>>[vector<16xi32>, vector<16xi32>], vector<16xf32>,
          %scatter3A_281 = arith.constant 1 : i32
          %scatter3A_282 = arith.constant 0 : i32
          %scatter3A_283 = arith.constant 0 : i32
          %scatter3A_284 = tpu.memref_slice %arg5[%scatter3A_281, %scatter3A_282, %scatter3A_283] : memref<2x16x1024xf32, #tpu.memory_space<vmem>> -> memref<1x16x1024xf32, #tpu.memory_space<vmem>>
          %scatter3A_285 = tpu.memref_squeeze %scatter3A_284 : memref<1x16x1024xf32, #tpu.memory_space<vmem>> -> memref<16x1024xf32, #tpu.memory_space<vmem>>
          tpu.vector_store_idx %scatter3A_285[%iota3A, %gather3A_272], %broadcast_in_dim3A_1 {add = true} : memref<16x1024xf32, #tpu.memory_space<vmem>>[vector<16xi32>, vector<16xi32>], vector<16xf32>,
          %scan3A_286 = arith.constant 0 : i32
          %scan3A_287 = arith.constant 2 : i32
          %scan3A_288 = arith.addi %scan3A_232, %scan3A_287 : i32
          %broadcast_in_dim3A_289 = vector.broadcast %scan3A_288 : i32 to vector<16xi32>
          %gather3A_290 = arith.constant 1 : i32
          %gather3A_291 = arith.constant 0 : i32
          %gather3A_292 = arith.constant 0 : i32
          %gather3A_293 = tpu.memref_slice %arg4[%gather3A_290, %gather3A_291, %gather3A_292] : memref<4x16x64xi32, #tpu.memory_space<vmem>> -> memref<1x16x64xi32, #tpu.memory_space<vmem>>
          %gather3A_294 = tpu.memref_squeeze %gather3A_293 : memref<1x16x64xi32, #tpu.memory_space<vmem>> -> memref<16x64xi32, #tpu.memory_space<vmem>>
          %gather3A_295 = tpu.vector_load_idx %gather3A_294[%iota3A, %broadcast_in_dim3A_289] : memref<16x64xi32, #tpu.memory_space<vmem>>[vector<16xi32>, vector<16xi32>], vector<16xi32>,
          %gather3A_296 = arith.constant 3 : i32
          %gather3A_297 = arith.constant 0 : i32
          %gather3A_298 = arith.constant 0 : i32
          %gather3A_299 = tpu.memref_slice %arg4[%gather3A_296, %gather3A_297, %gather3A_298] : memref<4x16x64xi32, #tpu.memory_space<vmem>> -> memref<1x16x64xi32, #tpu.memory_space<vmem>>
          %gather3A_300 = tpu.memref_squeeze %gather3A_299 : memref<1x16x64xi32, #tpu.memory_space<vmem>> -> memref<16x64xi32, #tpu.memory_space<vmem>>
          %gather3A_301 = tpu.vector_load_idx %gather3A_300[%iota3A, %broadcast_in_dim3A_289] : memref<16x64xi32, #tpu.memory_space<vmem>>[vector<16xi32>, vector<16xi32>], vector<16xi32>,
          %neg3A_302 = arith.constant 0.000000e+00 : f32
          %neg3A_303 = vector.broadcast %neg3A_302 : f32 to vector<16xf32>
          %neg3A_304 = arith.subf %neg3A_303, %broadcast_in_dim3A_1 : vector<16xf32>
          %scatter3A_305 = arith.constant 1 : i32
          %scatter3A_306 = arith.constant 0 : i32
          %scatter3A_307 = arith.constant 0 : i32
          %scatter3A_308 = tpu.memref_slice %arg5[%scatter3A_305, %scatter3A_306, %scatter3A_307] : memref<2x16x1024xf32, #tpu.memory_space<vmem>> -> memref<1x16x1024xf32, #tpu.memory_space<vmem>>
          %scatter3A_309 = tpu.memref_squeeze %scatter3A_308 : memref<1x16x1024xf32, #tpu.memory_space<vmem>> -> memref<16x1024xf32, #tpu.memory_space<vmem>>
          tpu.vector_store_idx %scatter3A_309[%iota3A, %gather3A_295], %neg3A_304 {add = true} : memref<16x1024xf32, #tpu.memory_space<vmem>>[vector<16xi32>, vector<16xi32>], vector<16xf32>,
          %scatter3A_310 = arith.constant 1 : i32
          %scatter3A_311 = arith.constant 0 : i32
          %scatter3A_312 = arith.constant 0 : i32
          %scatter3A_313 = tpu.memref_slice %arg5[%scatter3A_310, %scatter3A_311, %scatter3A_312] : memref<2x16x1024xf32, #tpu.memory_space<vmem>> -> memref<1x16x1024xf32, #tpu.memory_space<vmem>>
          %scatter3A_314 = tpu.memref_squeeze %scatter3A_313 : memref<1x16x1024xf32, #tpu.memory_space<vmem>> -> memref<16x1024xf32, #tpu.memory_space<vmem>>
          tpu.vector_store_idx %scatter3A_314[%iota3A, %gather3A_301], %broadcast_in_dim3A_1 {add = true} : memref<16x1024xf32, #tpu.memory_space<vmem>>[vector<16xi32>, vector<16xi32>], vector<16xf32>,
          %scan3A_315 = arith.constant 0 : i32
          %scan3A_316 = arith.constant 3 : i32
          %scan3A_317 = arith.addi %scan3A_232, %scan3A_316 : i32
          %broadcast_in_dim3A_318 = vector.broadcast %scan3A_317 : i32 to vector<16xi32>
          %gather3A_319 = arith.constant 1 : i32
          %gather3A_320 = arith.constant 0 : i32
          %gather3A_321 = arith.constant 0 : i32
          %gather3A_322 = tpu.memref_slice %arg4[%gather3A_319, %gather3A_320, %gather3A_321] : memref<4x16x64xi32, #tpu.memory_space<vmem>> -> memref<1x16x64xi32, #tpu.memory_space<vmem>>
          %gather3A_323 = tpu.memref_squeeze %gather3A_322 : memref<1x16x64xi32, #tpu.memory_space<vmem>> -> memref<16x64xi32, #tpu.memory_space<vmem>>
          %gather3A_324 = tpu.vector_load_idx %gather3A_323[%iota3A, %broadcast_in_dim3A_318] : memref<16x64xi32, #tpu.memory_space<vmem>>[vector<16xi32>, vector<16xi32>], vector<16xi32>,
          %gather3A_325 = arith.constant 3 : i32
          %gather3A_326 = arith.constant 0 : i32
          %gather3A_327 = arith.constant 0 : i32
          %gather3A_328 = tpu.memref_slice %arg4[%gather3A_325, %gather3A_326, %gather3A_327] : memref<4x16x64xi32, #tpu.memory_space<vmem>> -> memref<1x16x64xi32, #tpu.memory_space<vmem>>
          %gather3A_329 = tpu.memref_squeeze %gather3A_328 : memref<1x16x64xi32, #tpu.memory_space<vmem>> -> memref<16x64xi32, #tpu.memory_space<vmem>>
          %gather3A_330 = tpu.vector_load_idx %gather3A_329[%iota3A, %broadcast_in_dim3A_318] : memref<16x64xi32, #tpu.memory_space<vmem>>[vector<16xi32>, vector<16xi32>], vector<16xi32>,
          %neg3A_331 = arith.constant 0.000000e+00 : f32
          %neg3A_332 = vector.broadcast %neg3A_331 : f32 to vector<16xf32>
          %neg3A_333 = arith.subf %neg3A_332, %broadcast_in_dim3A_1 : vector<16xf32>
          %scatter3A_334 = arith.constant 1 : i32
          %scatter3A_335 = arith.constant 0 : i32
          %scatter3A_336 = arith.constant 0 : i32
          %scatter3A_337 = tpu.memref_slice %arg5[%scatter3A_334, %scatter3A_335, %scatter3A_336] : memref<2x16x1024xf32, #tpu.memory_space<vmem>> -> memref<1x16x1024xf32, #tpu.memory_space<vmem>>
          %scatter3A_338 = tpu.memref_squeeze %scatter3A_337 : memref<1x16x1024xf32, #tpu.memory_space<vmem>> -> memref<16x1024xf32, #tpu.memory_space<vmem>>
          tpu.vector_store_idx %scatter3A_338[%iota3A, %gather3A_324], %neg3A_333 {add = true} : memref<16x1024xf32, #tpu.memory_space<vmem>>[vector<16xi32>, vector<16xi32>], vector<16xf32>,
          %scatter3A_339 = arith.constant 1 : i32
          %scatter3A_340 = arith.constant 0 : i32
          %scatter3A_341 = arith.constant 0 : i32
          %scatter3A_342 = tpu.memref_slice %arg5[%scatter3A_339, %scatter3A_340, %scatter3A_341] : memref<2x16x1024xf32, #tpu.memory_space<vmem>> -> memref<1x16x1024xf32, #tpu.memory_space<vmem>>
          %scatter3A_343 = tpu.memref_squeeze %scatter3A_342 : memref<1x16x1024xf32, #tpu.memory_space<vmem>> -> memref<16x1024xf32, #tpu.memory_space<vmem>>
          tpu.vector_store_idx %scatter3A_343[%iota3A, %gather3A_330], %broadcast_in_dim3A_1 {add = true} : memref<16x1024xf32, #tpu.memory_space<vmem>>[vector<16xi32>, vector<16xi32>], vector<16xf32>,
          %scan3A_344 = arith.constant 0 : i32
          scf.yield %scan3A_344 : i32
        }
        %scan3A_231 = arith.constant 64 : i32
      } else {
      }
      %lt3A_195 = arith.constant 327 : i32
      %lt3A_196 = arith.cmpi slt, %add3A_174, %lt3A_195 : i32
      %lt3A_197 = arith.constant 2 : i32
      %lt3A_198 = arith.cmpi slt, %add3A_171, %lt3A_197 : i32
      %and3A_199 = arith.andi %lt3A_196, %lt3A_198 : i1
      %convert_element_type3A_200 = arith.extui %and3A_199 : i1 to i32
      %cond3A_201 = arith.constant 0 : i32
      %cond3A_202 = arith.cmpi ne, %convert_element_type3A_200, %cond3A_201 : i32
      scf.if %cond3A_202 {
        %scan3A_209 = arith.constant 0 : i32
        %scan3A_210 = arith.constant 0 : i32
        %scan3A_211 = arith.constant 64 : i32
        %scan3A_212 = arith.addi %scan3A_210, %scan3A_211 : i32
        %scan3A_213 = arith.constant 8 : i32
        %scan3A_214 = scf.for %scan3A_216 = %scan3A_210 to %scan3A_212 step %scan3A_213 iter_args(%scan3A_217 = %scan3A_209) -> (i32)  : i32 {
          %broadcast_in_dim3A_218 = vector.broadcast %scan3A_216 : i32 to vector<16xi32>
          %gather3A = arith.constant 3 : i32
          %gather3A_219 = arith.constant 0 : i32
          %gather3A_220 = arith.constant 0 : i32
          %gather3A_221 = tpu.memref_slice %arg4[%gather3A, %gather3A_219, %gather3A_220] : memref<4x16x64xi32, #tpu.memory_space<vmem>> -> memref<1x16x64xi32, #tpu.memory_space<vmem>>
          %gather3A_222 = tpu.memref_squeeze %gather3A_221 : memref<1x16x64xi32, #tpu.memory_space<vmem>> -> memref<16x64xi32, #tpu.memory_space<vmem>>
          %gather3A_223 = tpu.vector_load_idx %gather3A_222[%iota3A, %broadcast_in_dim3A_218] : memref<16x64xi32, #tpu.memory_space<vmem>>[vector<16xi32>, vector<16xi32>], vector<16xi32>,
          %scatter3A = arith.constant 1 : i32
          %scatter3A_224 = arith.constant 0 : i32
          %scatter3A_225 = arith.constant 0 : i32
          %scatter3A_226 = tpu.memref_slice %arg5[%scatter3A, %scatter3A_224, %scatter3A_225] : memref<2x16x1024xf32, #tpu.memory_space<vmem>> -> memref<1x16x1024xf32, #tpu.memory_space<vmem>>
          %scatter3A_227 = tpu.memref_squeeze %scatter3A_226 : memref<1x16x1024xf32, #tpu.memory_space<vmem>> -> memref<16x1024xf32, #tpu.memory_space<vmem>>
          tpu.vector_store_idx %scatter3A_227[%iota3A, %gather3A_223], %broadcast_in_dim3A_1 {add = true} : memref<16x1024xf32, #tpu.memory_space<vmem>>[vector<16xi32>, vector<16xi32>], vector<16xf32>,
          %scan3A_228 = arith.constant 0 : i32
          %scan3A_229 = arith.constant 1 : i32
          %scan3A_230 = arith.addi %scan3A_216, %scan3A_229 : i32
          %broadcast_in_dim3A_231 = vector.broadcast %scan3A_230 : i32 to vector<16xi32>
          %gather3A_232 = arith.constant 3 : i32
          %gather3A_233 = arith.constant 0 : i32
          %gather3A_234 = arith.constant 0 : i32
          %gather3A_235 = tpu.memref_slice %arg4[%gather3A_232, %gather3A_233, %gather3A_234] : memref<4x16x64xi32, #tpu.memory_space<vmem>> -> memref<1x16x64xi32, #tpu.memory_space<vmem>>
          %gather3A_236 = tpu.memref_squeeze %gather3A_235 : memref<1x16x64xi32, #tpu.memory_space<vmem>> -> memref<16x64xi32, #tpu.memory_space<vmem>>
          %gather3A_237 = tpu.vector_load_idx %gather3A_236[%iota3A, %broadcast_in_dim3A_231] : memref<16x64xi32, #tpu.memory_space<vmem>>[vector<16xi32>, vector<16xi32>], vector<16xi32>,
          %scatter3A_238 = arith.constant 1 : i32
          %scatter3A_239 = arith.constant 0 : i32
          %scatter3A_240 = arith.constant 0 : i32
          %scatter3A_241 = tpu.memref_slice %arg5[%scatter3A_238, %scatter3A_239, %scatter3A_240] : memref<2x16x1024xf32, #tpu.memory_space<vmem>> -> memref<1x16x1024xf32, #tpu.memory_space<vmem>>
          %scatter3A_242 = tpu.memref_squeeze %scatter3A_241 : memref<1x16x1024xf32, #tpu.memory_space<vmem>> -> memref<16x1024xf32, #tpu.memory_space<vmem>>
          tpu.vector_store_idx %scatter3A_242[%iota3A, %gather3A_237], %broadcast_in_dim3A_1 {add = true} : memref<16x1024xf32, #tpu.memory_space<vmem>>[vector<16xi32>, vector<16xi32>], vector<16xf32>,
          %scan3A_243 = arith.constant 0 : i32
          %scan3A_244 = arith.constant 2 : i32
          %scan3A_245 = arith.addi %scan3A_216, %scan3A_244 : i32
          %broadcast_in_dim3A_246 = vector.broadcast %scan3A_245 : i32 to vector<16xi32>
          %gather3A_247 = arith.constant 3 : i32
          %gather3A_248 = arith.constant 0 : i32
          %gather3A_249 = arith.constant 0 : i32
          %gather3A_250 = tpu.memref_slice %arg4[%gather3A_247, %gather3A_248, %gather3A_249] : memref<4x16x64xi32, #tpu.memory_space<vmem>> -> memref<1x16x64xi32, #tpu.memory_space<vmem>>
          %gather3A_251 = tpu.memref_squeeze %gather3A_250 : memref<1x16x64xi32, #tpu.memory_space<vmem>> -> memref<16x64xi32, #tpu.memory_space<vmem>>
          %gather3A_252 = tpu.vector_load_idx %gather3A_251[%iota3A, %broadcast_in_dim3A_246] : memref<16x64xi32, #tpu.memory_space<vmem>>[vector<16xi32>, vector<16xi32>], vector<16xi32>,
          %scatter3A_253 = arith.constant 1 : i32
          %scatter3A_254 = arith.constant 0 : i32
          %scatter3A_255 = arith.constant 0 : i32
          %scatter3A_256 = tpu.memref_slice %arg5[%scatter3A_253, %scatter3A_254, %scatter3A_255] : memref<2x16x1024xf32, #tpu.memory_space<vmem>> -> memref<1x16x1024xf32, #tpu.memory_space<vmem>>
          %scatter3A_257 = tpu.memref_squeeze %scatter3A_256 : memref<1x16x1024xf32, #tpu.memory_space<vmem>> -> memref<16x1024xf32, #tpu.memory_space<vmem>>
          tpu.vector_store_idx %scatter3A_257[%iota3A, %gather3A_252], %broadcast_in_dim3A_1 {add = true} : memref<16x1024xf32, #tpu.memory_space<vmem>>[vector<16xi32>, vector<16xi32>], vector<16xf32>,
          %scan3A_258 = arith.constant 0 : i32
          %scan3A_259 = arith.constant 3 : i32
          %scan3A_260 = arith.addi %scan3A_216, %scan3A_259 : i32
          %broadcast_in_dim3A_261 = vector.broadcast %scan3A_260 : i32 to vector<16xi32>
          %gather3A_262 = arith.constant 3 : i32
          %gather3A_263 = arith.constant 0 : i32
          %gather3A_264 = arith.constant 0 : i32
          %gather3A_265 = tpu.memref_slice %arg4[%gather3A_262, %gather3A_263, %gather3A_264] : memref<4x16x64xi32, #tpu.memory_space<vmem>> -> memref<1x16x64xi32, #tpu.memory_space<vmem>>
          %gather3A_266 = tpu.memref_squeeze %gather3A_265 : memref<1x16x64xi32, #tpu.memory_space<vmem>> -> memref<16x64xi32, #tpu.memory_space<vmem>>
          %gather3A_267 = tpu.vector_load_idx %gather3A_266[%iota3A, %broadcast_in_dim3A_261] : memref<16x64xi32, #tpu.memory_space<vmem>>[vector<16xi32>, vector<16xi32>], vector<16xi32>,
          %scatter3A_268 = arith.constant 1 : i32
          %scatter3A_269 = arith.constant 0 : i32
          %scatter3A_270 = arith.constant 0 : i32
          %scatter3A_271 = tpu.memref_slice %arg5[%scatter3A_268, %scatter3A_269, %scatter3A_270] : memref<2x16x1024xf32, #tpu.memory_space<vmem>> -> memref<1x16x1024xf32, #tpu.memory_space<vmem>>
          %scatter3A_272 = tpu.memref_squeeze %scatter3A_271 : memref<1x16x1024xf32, #tpu.memory_space<vmem>> -> memref<16x1024xf32, #tpu.memory_space<vmem>>
          tpu.vector_store_idx %scatter3A_272[%iota3A, %gather3A_267], %broadcast_in_dim3A_1 {add = true} : memref<16x1024xf32, #tpu.memory_space<vmem>>[vector<16xi32>, vector<16xi32>], vector<16xf32>,
          %scan3A_273 = arith.constant 0 : i32
          %scan3A_274 = arith.constant 4 : i32
          %scan3A_275 = arith.addi %scan3A_216, %scan3A_274 : i32
          %broadcast_in_dim3A_276 = vector.broadcast %scan3A_275 : i32 to vector<16xi32>
          %gather3A_277 = arith.constant 3 : i32
          %gather3A_278 = arith.constant 0 : i32
          %gather3A_279 = arith.constant 0 : i32
          %gather3A_280 = tpu.memref_slice %arg4[%gather3A_277, %gather3A_278, %gather3A_279] : memref<4x16x64xi32, #tpu.memory_space<vmem>> -> memref<1x16x64xi32, #tpu.memory_space<vmem>>
          %gather3A_281 = tpu.memref_squeeze %gather3A_280 : memref<1x16x64xi32, #tpu.memory_space<vmem>> -> memref<16x64xi32, #tpu.memory_space<vmem>>
          %gather3A_282 = tpu.vector_load_idx %gather3A_281[%iota3A, %broadcast_in_dim3A_276] : memref<16x64xi32, #tpu.memory_space<vmem>>[vector<16xi32>, vector<16xi32>], vector<16xi32>,
          %scatter3A_283 = arith.constant 1 : i32
          %scatter3A_284 = arith.constant 0 : i32
          %scatter3A_285 = arith.constant 0 : i32
          %scatter3A_286 = tpu.memref_slice %arg5[%scatter3A_283, %scatter3A_284, %scatter3A_285] : memref<2x16x1024xf32, #tpu.memory_space<vmem>> -> memref<1x16x1024xf32, #tpu.memory_space<vmem>>
          %scatter3A_287 = tpu.memref_squeeze %scatter3A_286 : memref<1x16x1024xf32, #tpu.memory_space<vmem>> -> memref<16x1024xf32, #tpu.memory_space<vmem>>
          tpu.vector_store_idx %scatter3A_287[%iota3A, %gather3A_282], %broadcast_in_dim3A_1 {add = true} : memref<16x1024xf32, #tpu.memory_space<vmem>>[vector<16xi32>, vector<16xi32>], vector<16xf32>,
          %scan3A_288 = arith.constant 0 : i32
          %scan3A_289 = arith.constant 5 : i32
          %scan3A_290 = arith.addi %scan3A_216, %scan3A_289 : i32
          %broadcast_in_dim3A_291 = vector.broadcast %scan3A_290 : i32 to vector<16xi32>
          %gather3A_292 = arith.constant 3 : i32
          %gather3A_293 = arith.constant 0 : i32
          %gather3A_294 = arith.constant 0 : i32
          %gather3A_295 = tpu.memref_slice %arg4[%gather3A_292, %gather3A_293, %gather3A_294] : memref<4x16x64xi32, #tpu.memory_space<vmem>> -> memref<1x16x64xi32, #tpu.memory_space<vmem>>
          %gather3A_296 = tpu.memref_squeeze %gather3A_295 : memref<1x16x64xi32, #tpu.memory_space<vmem>> -> memref<16x64xi32, #tpu.memory_space<vmem>>
          %gather3A_297 = tpu.vector_load_idx %gather3A_296[%iota3A, %broadcast_in_dim3A_291] : memref<16x64xi32, #tpu.memory_space<vmem>>[vector<16xi32>, vector<16xi32>], vector<16xi32>,
          %scatter3A_298 = arith.constant 1 : i32
          %scatter3A_299 = arith.constant 0 : i32
          %scatter3A_300 = arith.constant 0 : i32
          %scatter3A_301 = tpu.memref_slice %arg5[%scatter3A_298, %scatter3A_299, %scatter3A_300] : memref<2x16x1024xf32, #tpu.memory_space<vmem>> -> memref<1x16x1024xf32, #tpu.memory_space<vmem>>
          %scatter3A_302 = tpu.memref_squeeze %scatter3A_301 : memref<1x16x1024xf32, #tpu.memory_space<vmem>> -> memref<16x1024xf32, #tpu.memory_space<vmem>>
          tpu.vector_store_idx %scatter3A_302[%iota3A, %gather3A_297], %broadcast_in_dim3A_1 {add = true} : memref<16x1024xf32, #tpu.memory_space<vmem>>[vector<16xi32>, vector<16xi32>], vector<16xf32>,
          %scan3A_303 = arith.constant 0 : i32
          %scan3A_304 = arith.constant 6 : i32
          %scan3A_305 = arith.addi %scan3A_216, %scan3A_304 : i32
          %broadcast_in_dim3A_306 = vector.broadcast %scan3A_305 : i32 to vector<16xi32>
          %gather3A_307 = arith.constant 3 : i32
          %gather3A_308 = arith.constant 0 : i32
          %gather3A_309 = arith.constant 0 : i32
          %gather3A_310 = tpu.memref_slice %arg4[%gather3A_307, %gather3A_308, %gather3A_309] : memref<4x16x64xi32, #tpu.memory_space<vmem>> -> memref<1x16x64xi32, #tpu.memory_space<vmem>>
          %gather3A_311 = tpu.memref_squeeze %gather3A_310 : memref<1x16x64xi32, #tpu.memory_space<vmem>> -> memref<16x64xi32, #tpu.memory_space<vmem>>
          %gather3A_312 = tpu.vector_load_idx %gather3A_311[%iota3A, %broadcast_in_dim3A_306] : memref<16x64xi32, #tpu.memory_space<vmem>>[vector<16xi32>, vector<16xi32>], vector<16xi32>,
          %scatter3A_313 = arith.constant 1 : i32
          %scatter3A_314 = arith.constant 0 : i32
          %scatter3A_315 = arith.constant 0 : i32
          %scatter3A_316 = tpu.memref_slice %arg5[%scatter3A_313, %scatter3A_314, %scatter3A_315] : memref<2x16x1024xf32, #tpu.memory_space<vmem>> -> memref<1x16x1024xf32, #tpu.memory_space<vmem>>
          %scatter3A_317 = tpu.memref_squeeze %scatter3A_316 : memref<1x16x1024xf32, #tpu.memory_space<vmem>> -> memref<16x1024xf32, #tpu.memory_space<vmem>>
          tpu.vector_store_idx %scatter3A_317[%iota3A, %gather3A_312], %broadcast_in_dim3A_1 {add = true} : memref<16x1024xf32, #tpu.memory_space<vmem>>[vector<16xi32>, vector<16xi32>], vector<16xf32>,
          %scan3A_318 = arith.constant 0 : i32
          %scan3A_319 = arith.constant 7 : i32
          %scan3A_320 = arith.addi %scan3A_216, %scan3A_319 : i32
          %broadcast_in_dim3A_321 = vector.broadcast %scan3A_320 : i32 to vector<16xi32>
          %gather3A_322 = arith.constant 3 : i32
          %gather3A_323 = arith.constant 0 : i32
          %gather3A_324 = arith.constant 0 : i32
          %gather3A_325 = tpu.memref_slice %arg4[%gather3A_322, %gather3A_323, %gather3A_324] : memref<4x16x64xi32, #tpu.memory_space<vmem>> -> memref<1x16x64xi32, #tpu.memory_space<vmem>>
          %gather3A_326 = tpu.memref_squeeze %gather3A_325 : memref<1x16x64xi32, #tpu.memory_space<vmem>> -> memref<16x64xi32, #tpu.memory_space<vmem>>
          %gather3A_327 = tpu.vector_load_idx %gather3A_326[%iota3A, %broadcast_in_dim3A_321] : memref<16x64xi32, #tpu.memory_space<vmem>>[vector<16xi32>, vector<16xi32>], vector<16xi32>,
          %scatter3A_328 = arith.constant 1 : i32
          %scatter3A_329 = arith.constant 0 : i32
          %scatter3A_330 = arith.constant 0 : i32
          %scatter3A_331 = tpu.memref_slice %arg5[%scatter3A_328, %scatter3A_329, %scatter3A_330] : memref<2x16x1024xf32, #tpu.memory_space<vmem>> -> memref<1x16x1024xf32, #tpu.memory_space<vmem>>
          %scatter3A_332 = tpu.memref_squeeze %scatter3A_331 : memref<1x16x1024xf32, #tpu.memory_space<vmem>> -> memref<16x1024xf32, #tpu.memory_space<vmem>>
          tpu.vector_store_idx %scatter3A_332[%iota3A, %gather3A_327], %broadcast_in_dim3A_1 {add = true} : memref<16x1024xf32, #tpu.memory_space<vmem>>[vector<16xi32>, vector<16xi32>], vector<16xf32>,
          %scan3A_333 = arith.constant 0 : i32
          scf.yield %scan3A_333 : i32
        }
        %scan3A_215 = arith.constant 64 : i32
      } else {
      }
      %lt3A_203 = arith.constant 327 : i32
      %lt3A_204 = arith.cmpi slt, %add3A_174, %lt3A_203 : i32
      %convert_element_type3A_205 = arith.extui %lt3A_204 : i1 to i32
      %cond3A_206 = arith.constant 0 : i32
      %cond3A_207 = arith.cmpi ne, %convert_element_type3A_205, %cond3A_206 : i32
      scf.if %cond3A_207 {
        %mul3A_209 = arith.constant 16 : i32
        %mul3A_210 = arith.muli %add3A_174, %mul3A_209 : i32
        %dma_start3A = arith.constant 1 : i32
        %dma_start3A_211 = arith.constant 0 : i32
        %dma_start3A_212 = arith.constant 0 : i32
        %dma_start3A_213 = tpu.memref_slice %arg5[%dma_start3A, %dma_start3A_211, %dma_start3A_212] : memref<2x16x1024xf32, #tpu.memory_space<vmem>> -> memref<1x16x1024xf32, #tpu.memory_space<vmem>>
        %dma_start3A_214 = tpu.memref_squeeze %dma_start3A_213 : memref<1x16x1024xf32, #tpu.memory_space<vmem>> -> memref<16x1024xf32, #tpu.memory_space<vmem>>
        %dma_start3A_215 = arith.constant 0 : i32
        %dma_start3A_216 = tpu.memref_slice %arg3[%mul3A_210, %dma_start3A_215] : memref<5232x1024xf32, #tpu.memory_space<hbm>> -> memref<16x1024xf32, #tpu.memory_space<hbm>>
        %dma_start3A_217 = arith.constant 0 : i32
        %dma_start3A_218 = tpu.memref_slice %arg3[%mul3A_210, %dma_start3A_217] : memref<5232x1024xf32, #tpu.memory_space<hbm>> -> memref<16x1024xf32, #tpu.memory_space<hbm>>
        %dma_start3A_219 = arith.constant 0 : i32
        %dma_start3A_220 = arith.constant 0 : i32
        %dma_start3A_221 = tpu.memref_slice %arg5[%dma_start3A, %dma_start3A_219, %dma_start3A_220] : memref<2x16x1024xf32, #tpu.memory_space<vmem>> -> memref<1x16x1024xf32, #tpu.memory_space<vmem>>
        %dma_start3A_222 = tpu.memref_squeeze %dma_start3A_221 : memref<1x16x1024xf32, #tpu.memory_space<vmem>> -> memref<16x1024xf32, #tpu.memory_space<vmem>>
        tpu.enqueue_dma source(%dma_start3A_222 : memref<16x1024xf32, #tpu.memory_space<vmem>>) target(%dma_start3A_218 : memref<16x1024xf32, #tpu.memory_space<hbm>>) target_semaphore(%arg7 : memref<!tpu.dma_semaphore, #tpu.memory_space<semaphore_mem>>)
      } else {
      }
      %scan3A_208 = arith.constant 0 : i32
      scf.yield %scan3A_208 : i32
    }
    %scan3A_18 = arith.constant 3 : i32
    %dma_wait3A = arith.constant 0 : i32
    %dma_wait3A_19 = arith.constant 0 : i32
    %dma_wait3A_20 = arith.constant 0 : i32
    %dma_wait3A_21 = tpu.memref_slice %arg5[%dma_wait3A, %dma_wait3A_19, %dma_wait3A_20] : memref<2x16x1024xf32, #tpu.memory_space<vmem>> -> memref<1x16x1024xf32, #tpu.memory_space<vmem>>
    %dma_wait3A_22 = tpu.memref_squeeze %dma_wait3A_21 : memref<1x16x1024xf32, #tpu.memory_space<vmem>> -> memref<16x1024xf32, #tpu.memory_space<vmem>>
    %dma_wait3A_23 = arith.constant 0 : i32
    %dma_wait3A_24 = arith.constant 0 : i32
    %dma_wait3A_25 = tpu.memref_slice %arg3[%dma_wait3A_23, %dma_wait3A_24] : memref<5232x1024xf32, #tpu.memory_space<hbm>> -> memref<16x1024xf32, #tpu.memory_space<hbm>>
    %dma_wait3A_26 = arith.constant 0 : i32
    %dma_wait3A_27 = arith.constant 0 : i32
    %dma_wait3A_28 = tpu.memref_slice %arg3[%dma_wait3A_26, %dma_wait3A_27] : memref<5232x1024xf32, #tpu.memory_space<hbm>> -> memref<16x1024xf32, #tpu.memory_space<hbm>>
    %dma_wait3A_29 = arith.constant 0 : i32
    %dma_wait3A_30 = arith.constant 0 : i32
    %dma_wait3A_31 = tpu.memref_slice %arg5[%dma_wait3A, %dma_wait3A_29, %dma_wait3A_30] : memref<2x16x1024xf32, #tpu.memory_space<vmem>> -> memref<1x16x1024xf32, #tpu.memory_space<vmem>>
    %dma_wait3A_32 = tpu.memref_squeeze %dma_wait3A_31 : memref<1x16x1024xf32, #tpu.memory_space<vmem>> -> memref<16x1024xf32, #tpu.memory_space<vmem>>
    tpu.wait_dma2 semaphore(%arg6 : memref<!tpu.dma_semaphore, #tpu.memory_space<semaphore_mem>>) src(%dma_wait3A_32 : memref<16x1024xf32, #tpu.memory_space<vmem>>) dst(%dma_wait3A_28 : memref<16x1024xf32, #tpu.memory_space<hbm>>)
    %dma_wait3A_33 = arith.constant 1 : i32
    %dma_wait3A_34 = arith.constant 0 : i32
    %dma_wait3A_35 = arith.constant 0 : i32
    %dma_wait3A_36 = tpu.memref_slice %arg5[%dma_wait3A_33, %dma_wait3A_34, %dma_wait3A_35] : memref<2x16x1024xf32, #tpu.memory_space<vmem>> -> memref<1x16x1024xf32, #tpu.memory_space<vmem>>
    %dma_wait3A_37 = tpu.memref_squeeze %dma_wait3A_36 : memref<1x16x1024xf32, #tpu.memory_space<vmem>> -> memref<16x1024xf32, #tpu.memory_space<vmem>>
    %dma_wait3A_38 = arith.constant 0 : i32
    %dma_wait3A_39 = arith.constant 0 : i32
    %dma_wait3A_40 = tpu.memref_slice %arg3[%dma_wait3A_38, %dma_wait3A_39] : memref<5232x1024xf32, #tpu.memory_space<hbm>> -> memref<16x1024xf32, #tpu.memory_space<hbm>>
    %dma_wait3A_41 = arith.constant 0 : i32
    %dma_wait3A_42 = arith.constant 0 : i32
    %dma_wait3A_43 = tpu.memref_slice %arg3[%dma_wait3A_41, %dma_wait3A_42] : memref<5232x1024xf32, #tpu.memory_space<hbm>> -> memref<16x1024xf32, #tpu.memory_space<hbm>>
    %dma_wait3A_44 = arith.constant 0 : i32
    %dma_wait3A_45 = arith.constant 0 : i32
    %dma_wait3A_46 = tpu.memref_slice %arg5[%dma_wait3A_33, %dma_wait3A_44, %dma_wait3A_45] : memref<2x16x1024xf32, #tpu.memory_space<vmem>> -> memref<1x16x1024xf32, #tpu.memory_space<vmem>>
    %dma_wait3A_47 = tpu.memref_squeeze %dma_wait3A_46 : memref<1x16x1024xf32, #tpu.memory_space<vmem>> -> memref<16x1024xf32, #tpu.memory_space<vmem>>
    tpu.wait_dma2 semaphore(%arg7 : memref<!tpu.dma_semaphore, #tpu.memory_space<semaphore_mem>>) src(%dma_wait3A_47 : memref<16x1024xf32, #tpu.memory_space<vmem>>) dst(%dma_wait3A_43 : memref<16x1024xf32, #tpu.memory_space<hbm>>)
    return
  }
}

module attributes {stable_mosaic.version = 14 : i64} {
  func.func @_dense_body(%arg0: memref<5232x1024xf32, #tpu.memory_space<vmem>>, %arg1: memref<1024x256xf32, #tpu.memory_space<vmem>>, %arg2: memref<1024x256xf32, #tpu.memory_space<vmem>>, %arg3: memref<256x256xf32, #tpu.memory_space<vmem>>, %arg4: memref<256x256xf32, #tpu.memory_space<vmem>>, %arg5: memref<1x1000xf32, #tpu.memory_space<vmem>>) attributes {dimension_semantics = [], scalar_prefetch = 0 : i64, scratch_operands = 0 : i64, tpu.core_type = #tpu.core_type<tc>} {
    %get3A = arith.constant 0 : index
    %get3A_0 = arith.constant 0 : index
    %get3A_1 = vector.load %arg1[%get3A, %get3A_0] : memref<1024x256xf32, #tpu.memory_space<vmem>>, vector<1024x256xf32>
    %get3A_2 = arith.constant 0 : index
    %get3A_3 = arith.constant 0 : index
    %get3A_4 = vector.load %arg0[%get3A_2, %get3A_3] : memref<5232x1024xf32, #tpu.memory_space<vmem>>, vector<2048x1024xf32>
    %dot_general3A = arith.constant dense<0.000000e+00> : vector<2048x256xf32>
    %dot_general3A_5 = tpu.matmul %get3A_4, %get3A_1, %dot_general3A {dimension_numbers = #tpu.dot_dimension_numbers<[1], [0], [0], [1], [0, 0, 1, 1], [], []>, transpose_lhs_hint = false} : vector<2048x1024xf32>, vector<1024x256xf32>, vector<2048x256xf32> -> vector<2048x256xf32>
    %get3A_6 = arith.constant 2048 : index
    %get3A_7 = arith.constant 0 : index
    %get3A_8 = vector.load %arg0[%get3A_6, %get3A_7] : memref<5232x1024xf32, #tpu.memory_space<vmem>>, vector<2048x1024xf32>
    %dot_general3A_9 = arith.constant dense<0.000000e+00> : vector<2048x256xf32>
    %dot_general3A_10 = tpu.matmul %get3A_8, %get3A_1, %dot_general3A_9 {dimension_numbers = #tpu.dot_dimension_numbers<[1], [0], [0], [1], [0, 0, 1, 1], [], []>, transpose_lhs_hint = false} : vector<2048x1024xf32>, vector<1024x256xf32>, vector<2048x256xf32> -> vector<2048x256xf32>
    %get3A_11 = arith.constant 4096 : index
    %get3A_12 = arith.constant 0 : index
    %get3A_13 = vector.load %arg0[%get3A_11, %get3A_12] : memref<5232x1024xf32, #tpu.memory_space<vmem>>, vector<1000x1024xf32>
    %get3A_14 = arith.constant 0 : index
    %get3A_15 = arith.constant 0 : index
    %get3A_16 = vector.load %arg2[%get3A_14, %get3A_15] : memref<1024x256xf32, #tpu.memory_space<vmem>>, vector<1024x256xf32>
    %dot_general3A_17 = arith.constant dense<0.000000e+00> : vector<1000x256xf32>
    %dot_general3A_18 = tpu.matmul %get3A_13, %get3A_16, %dot_general3A_17 {dimension_numbers = #tpu.dot_dimension_numbers<[1], [0], [0], [1], [0, 0, 1, 1], [], []>, transpose_lhs_hint = false} : vector<1000x1024xf32>, vector<1024x256xf32>, vector<1000x256xf32> -> vector<1000x256xf32>
    %get3A_19 = arith.constant 5096 : index
    %get3A_20 = arith.constant 0 : index
    %get3A_21 = vector.load %arg0[%get3A_19, %get3A_20] : memref<5232x1024xf32, #tpu.memory_space<vmem>>, vector<128x1024xf32>
    %dot_general3A_22 = arith.constant dense<0.000000e+00> : vector<128x256xf32>
    %dot_general3A_23 = tpu.matmul %get3A_21, %get3A_1, %dot_general3A_22 {dimension_numbers = #tpu.dot_dimension_numbers<[1], [0], [0], [1], [0, 0, 1, 1], [], []>, transpose_lhs_hint = false} : vector<128x1024xf32>, vector<1024x256xf32>, vector<128x256xf32> -> vector<128x256xf32>
    %get3A_24 = arith.constant 5224 : index
    %get3A_25 = arith.constant 0 : index
    %get3A_26 = vector.load %arg0[%get3A_24, %get3A_25] : memref<5232x1024xf32, #tpu.memory_space<vmem>>, vector<1x1024xf32>
    %dot_general3A_27 = arith.constant dense<0.000000e+00> : vector<1x256xf32>
    %dot_general3A_28 = tpu.matmul %get3A_26, %get3A_1, %dot_general3A_27 {dimension_numbers = #tpu.dot_dimension_numbers<[1], [0], [0], [1], [0, 0, 1, 1], [], []>, transpose_lhs_hint = false} : vector<1x1024xf32>, vector<1024x256xf32>, vector<1x256xf32> -> vector<1x256xf32>
    %mul3A = arith.mulf %dot_general3A_5, %dot_general3A_5 : vector<2048x256xf32>
    %reduce_sum3A = arith.constant dense<0.000000e+00> : vector<2048xf32>
    %reduce_sum3A_29 = vector.multi_reduction <add>, %mul3A, %reduce_sum3A [1] : vector<2048x256xf32> to vector<2048xf32>
    %sqrt3A = math.sqrt %reduce_sum3A_29 : vector<2048xf32>
    %max3A = arith.constant 9.99999997E-7 : f32
    %max3A_30 = vector.broadcast %max3A : f32 to vector<2048xf32>
    %max3A_31 = arith.maximumf %sqrt3A, %max3A_30 : vector<2048xf32>
    %broadcast_in_dim3A = vector.shape_cast %max3A_31 : vector<2048xf32> to vector<1x2048xf32>
    %mul3A_32 = arith.mulf %dot_general3A_18, %dot_general3A_18 : vector<1000x256xf32>
    %reduce_sum3A_33 = arith.constant dense<0.000000e+00> : vector<1000xf32>
    %reduce_sum3A_34 = vector.multi_reduction <add>, %mul3A_32, %reduce_sum3A_33 [1] : vector<1000x256xf32> to vector<1000xf32>
    %sqrt3A_35 = math.sqrt %reduce_sum3A_34 : vector<1000xf32>
    %max3A_36 = arith.constant 9.99999997E-7 : f32
    %max3A_37 = vector.broadcast %max3A_36 : f32 to vector<1000xf32>
    %max3A_38 = arith.maximumf %sqrt3A_35, %max3A_37 : vector<1000xf32>
    %broadcast_in_dim3A_39 = vector.shape_cast %max3A_38 : vector<1000xf32> to vector<1x1000xf32>
    %mul3A_40 = arith.mulf %dot_general3A_23, %dot_general3A_23 : vector<128x256xf32>
    %reduce_sum3A_41 = arith.constant dense<0.000000e+00> : vector<128xf32>
    %reduce_sum3A_42 = vector.multi_reduction <add>, %mul3A_40, %reduce_sum3A_41 [1] : vector<128x256xf32> to vector<128xf32>
    %sqrt3A_43 = math.sqrt %reduce_sum3A_42 : vector<128xf32>
    %max3A_44 = arith.constant 9.99999997E-7 : f32
    %max3A_45 = vector.broadcast %max3A_44 : f32 to vector<128xf32>
    %max3A_46 = arith.maximumf %sqrt3A_43, %max3A_45 : vector<128xf32>
    %broadcast_in_dim3A_47 = vector.shape_cast %max3A_46 : vector<128xf32> to vector<1x128xf32>
    %get3A_48 = arith.constant 0 : index
    %get3A_49 = arith.constant 0 : index
    %get3A_50 = vector.load %arg3[%get3A_48, %get3A_49] : memref<256x256xf32, #tpu.memory_space<vmem>>, vector<256x256xf32>
    %dot_general3A_51 = arith.constant dense<0.000000e+00> : vector<1x128xf32>
    %dot_general3A_52 = tpu.matmul %dot_general3A_28, %dot_general3A_23, %dot_general3A_51 {dimension_numbers = #tpu.dot_dimension_numbers<[1], [1], [0], [0], [0, 0, 1, 0], [], []>, transpose_lhs_hint = false} : vector<1x256xf32>, vector<128x256xf32>, vector<1x128xf32> -> vector<1x128xf32>
    %mul3A_53 = arith.mulf %dot_general3A_28, %dot_general3A_28 : vector<1x256xf32>
    %reduce_sum3A_54 = vector.shape_cast %mul3A_53 : vector<1x256xf32> to vector<1x1x256xf32>
    %reduce_sum3A_55 = arith.constant dense<0.000000e+00> : vector<1xf32>
    %reduce_sum3A_56 = vector.multi_reduction <add>, %reduce_sum3A_54, %reduce_sum3A_55 [1, 2] : vector<1x1x256xf32> to vector<1xf32>
    %reduce_sum3A_57 = vector.shape_cast %reduce_sum3A_56 : vector<1xf32> to vector<1x1x1xf32>
    %reduce_sum3A_58 = vector.extract %reduce_sum3A_57[0, 0, 0] : f32 from vector<1x1x1xf32>
    %sqrt3A_59 = math.sqrt %reduce_sum3A_58 : f32
    %max3A_60 = arith.constant 9.99999997E-7 : f32
    %max3A_61 = arith.maximumf %sqrt3A_59, %max3A_60 : f32
    %mul3A_62 = vector.broadcast %max3A_61 : f32 to vector<1x128xf32>
    %mul3A_63 = arith.mulf %broadcast_in_dim3A_47, %mul3A_62 : vector<1x128xf32>
    %div3A = arith.divf %dot_general3A_52, %mul3A_63 : vector<1x128xf32>
    %reduce_max3A = arith.constant dense<0xFF800000> : vector<1xf32>
    %reduce_max3A_64 = vector.multi_reduction <maximumf>, %div3A, %reduce_max3A [1] : vector<1x128xf32> to vector<1xf32>
    %broadcast_in_dim3A_65 = vector.shape_cast %reduce_max3A_64 : vector<1xf32> to vector<1x1xf32>
    %sub3A = vector.broadcast %broadcast_in_dim3A_65 : vector<1x1xf32> to vector<1x128xf32>
    %sub3A_66 = arith.subf %div3A, %sub3A : vector<1x128xf32>
    %exp3A = math.exp %sub3A_66 : vector<1x128xf32>
    %reduce_sum3A_67 = arith.constant dense<0.000000e+00> : vector<1xf32>
    %reduce_sum3A_68 = vector.multi_reduction <add>, %exp3A, %reduce_sum3A_67 [1] : vector<1x128xf32> to vector<1xf32>
    %broadcast_in_dim3A_69 = vector.shape_cast %reduce_sum3A_68 : vector<1xf32> to vector<1x1xf32>
    %div3A_70 = vector.broadcast %broadcast_in_dim3A_69 : vector<1x1xf32> to vector<1x128xf32>
    %div3A_71 = arith.divf %exp3A, %div3A_70 : vector<1x128xf32>
    %dot_general3A_72 = arith.constant dense<0.000000e+00> : vector<1x256xf32>
    %dot_general3A_73 = tpu.matmul %div3A_71, %dot_general3A_23, %dot_general3A_72 {dimension_numbers = #tpu.dot_dimension_numbers<[1], [0], [0], [1], [0, 0, 1, 1], [], []>, transpose_lhs_hint = false} : vector<1x128xf32>, vector<128x256xf32>, vector<1x256xf32> -> vector<1x256xf32>
    %add3A = arith.addf %dot_general3A_28, %dot_general3A_73 : vector<1x256xf32>
    %dot_general3A_74 = arith.constant dense<0.000000e+00> : vector<1x256xf32>
    %dot_general3A_75 = tpu.matmul %add3A, %get3A_50, %dot_general3A_74 {dimension_numbers = #tpu.dot_dimension_numbers<[1], [1], [0], [0], [0, 0, 1, 0], [], []>, transpose_lhs_hint = false} : vector<1x256xf32>, vector<256x256xf32>, vector<1x256xf32> -> vector<1x256xf32>
    %dot_general3A_76 = arith.constant dense<0.000000e+00> : vector<1x2048xf32>
    %dot_general3A_77 = tpu.matmul %dot_general3A_75, %dot_general3A_5, %dot_general3A_76 {dimension_numbers = #tpu.dot_dimension_numbers<[1], [1], [0], [0], [0, 0, 1, 0], [], []>, transpose_lhs_hint = false} : vector<1x256xf32>, vector<2048x256xf32>, vector<1x2048xf32> -> vector<1x2048xf32>
    %mul3A_78 = arith.mulf %dot_general3A_75, %dot_general3A_75 : vector<1x256xf32>
    %reduce_sum3A_79 = vector.shape_cast %mul3A_78 : vector<1x256xf32> to vector<1x1x256xf32>
    %reduce_sum3A_80 = arith.constant dense<0.000000e+00> : vector<1xf32>
    %reduce_sum3A_81 = vector.multi_reduction <add>, %reduce_sum3A_79, %reduce_sum3A_80 [1, 2] : vector<1x1x256xf32> to vector<1xf32>
    %reduce_sum3A_82 = vector.shape_cast %reduce_sum3A_81 : vector<1xf32> to vector<1x1x1xf32>
    %reduce_sum3A_83 = vector.extract %reduce_sum3A_82[0, 0, 0] : f32 from vector<1x1x1xf32>
    %sqrt3A_84 = math.sqrt %reduce_sum3A_83 : f32
    %max3A_85 = arith.constant 9.99999997E-7 : f32
    %max3A_86 = arith.maximumf %sqrt3A_84, %max3A_85 : f32
    %mul3A_87 = vector.broadcast %max3A_86 : f32 to vector<1x2048xf32>
    %mul3A_88 = arith.mulf %broadcast_in_dim3A, %mul3A_87 : vector<1x2048xf32>
    %div3A_89 = arith.divf %dot_general3A_77, %mul3A_88 : vector<1x2048xf32>
    %reduce_max3A_90 = arith.constant dense<0xFF800000> : vector<1xf32>
    %reduce_max3A_91 = vector.multi_reduction <maximumf>, %div3A_89, %reduce_max3A_90 [1] : vector<1x2048xf32> to vector<1xf32>
    %broadcast_in_dim3A_92 = vector.shape_cast %reduce_max3A_91 : vector<1xf32> to vector<1x1xf32>
    %sub3A_93 = vector.broadcast %broadcast_in_dim3A_92 : vector<1x1xf32> to vector<1x2048xf32>
    %sub3A_94 = arith.subf %div3A_89, %sub3A_93 : vector<1x2048xf32>
    %exp3A_95 = math.exp %sub3A_94 : vector<1x2048xf32>
    %reduce_sum3A_96 = arith.constant dense<0.000000e+00> : vector<1xf32>
    %reduce_sum3A_97 = vector.multi_reduction <add>, %exp3A_95, %reduce_sum3A_96 [1] : vector<1x2048xf32> to vector<1xf32>
    %broadcast_in_dim3A_98 = vector.shape_cast %reduce_sum3A_97 : vector<1xf32> to vector<1x1xf32>
    %div3A_99 = vector.broadcast %broadcast_in_dim3A_98 : vector<1x1xf32> to vector<1x2048xf32>
    %div3A_100 = arith.divf %exp3A_95, %div3A_99 : vector<1x2048xf32>
    %dot_general3A_101 = arith.constant dense<0.000000e+00> : vector<1x256xf32>
    %dot_general3A_102 = tpu.matmul %div3A_100, %dot_general3A_10, %dot_general3A_101 {dimension_numbers = #tpu.dot_dimension_numbers<[1], [0], [0], [1], [0, 0, 1, 1], [], []>, transpose_lhs_hint = false} : vector<1x2048xf32>, vector<2048x256xf32>, vector<1x256xf32> -> vector<1x256xf32>
    %add3A_103 = arith.addf %dot_general3A_75, %dot_general3A_102 : vector<1x256xf32>
    %dot_general3A_104 = arith.constant dense<0.000000e+00> : vector<1x256xf32>
    %dot_general3A_105 = tpu.matmul %add3A_103, %get3A_50, %dot_general3A_104 {dimension_numbers = #tpu.dot_dimension_numbers<[1], [1], [0], [0], [0, 0, 1, 0], [], []>, transpose_lhs_hint = false} : vector<1x256xf32>, vector<256x256xf32>, vector<1x256xf32> -> vector<1x256xf32>
    %get3A_106 = arith.constant 0 : index
    %get3A_107 = arith.constant 0 : index
    %get3A_108 = vector.load %arg4[%get3A_106, %get3A_107] : memref<256x256xf32, #tpu.memory_space<vmem>>, vector<256x256xf32>
    %dot_general3A_109 = arith.constant dense<0.000000e+00> : vector<1x128xf32>
    %dot_general3A_110 = tpu.matmul %dot_general3A_105, %dot_general3A_23, %dot_general3A_109 {dimension_numbers = #tpu.dot_dimension_numbers<[1], [1], [0], [0], [0, 0, 1, 0], [], []>, transpose_lhs_hint = false} : vector<1x256xf32>, vector<128x256xf32>, vector<1x128xf32> -> vector<1x128xf32>
    %mul3A_111 = arith.mulf %dot_general3A_105, %dot_general3A_105 : vector<1x256xf32>
    %reduce_sum3A_112 = vector.shape_cast %mul3A_111 : vector<1x256xf32> to vector<1x1x256xf32>
    %reduce_sum3A_113 = arith.constant dense<0.000000e+00> : vector<1xf32>
    %reduce_sum3A_114 = vector.multi_reduction <add>, %reduce_sum3A_112, %reduce_sum3A_113 [1, 2] : vector<1x1x256xf32> to vector<1xf32>
    %reduce_sum3A_115 = vector.shape_cast %reduce_sum3A_114 : vector<1xf32> to vector<1x1x1xf32>
    %reduce_sum3A_116 = vector.extract %reduce_sum3A_115[0, 0, 0] : f32 from vector<1x1x1xf32>
    %sqrt3A_117 = math.sqrt %reduce_sum3A_116 : f32
    %max3A_118 = arith.constant 9.99999997E-7 : f32
    %max3A_119 = arith.maximumf %sqrt3A_117, %max3A_118 : f32
    %mul3A_120 = vector.broadcast %max3A_119 : f32 to vector<1x128xf32>
    %mul3A_121 = arith.mulf %broadcast_in_dim3A_47, %mul3A_120 : vector<1x128xf32>
    %div3A_122 = arith.divf %dot_general3A_110, %mul3A_121 : vector<1x128xf32>
    %reduce_max3A_123 = arith.constant dense<0xFF800000> : vector<1xf32>
    %reduce_max3A_124 = vector.multi_reduction <maximumf>, %div3A_122, %reduce_max3A_123 [1] : vector<1x128xf32> to vector<1xf32>
    %broadcast_in_dim3A_125 = vector.shape_cast %reduce_max3A_124 : vector<1xf32> to vector<1x1xf32>
    %sub3A_126 = vector.broadcast %broadcast_in_dim3A_125 : vector<1x1xf32> to vector<1x128xf32>
    %sub3A_127 = arith.subf %div3A_122, %sub3A_126 : vector<1x128xf32>
    %exp3A_128 = math.exp %sub3A_127 : vector<1x128xf32>
    %reduce_sum3A_129 = arith.constant dense<0.000000e+00> : vector<1xf32>
    %reduce_sum3A_130 = vector.multi_reduction <add>, %exp3A_128, %reduce_sum3A_129 [1] : vector<1x128xf32> to vector<1xf32>
    %broadcast_in_dim3A_131 = vector.shape_cast %reduce_sum3A_130 : vector<1xf32> to vector<1x1xf32>
    %div3A_132 = vector.broadcast %broadcast_in_dim3A_131 : vector<1x1xf32> to vector<1x128xf32>
    %div3A_133 = arith.divf %exp3A_128, %div3A_132 : vector<1x128xf32>
    %dot_general3A_134 = arith.constant dense<0.000000e+00> : vector<1x256xf32>
    %dot_general3A_135 = tpu.matmul %div3A_133, %dot_general3A_23, %dot_general3A_134 {dimension_numbers = #tpu.dot_dimension_numbers<[1], [0], [0], [1], [0, 0, 1, 1], [], []>, transpose_lhs_hint = false} : vector<1x128xf32>, vector<128x256xf32>, vector<1x256xf32> -> vector<1x256xf32>
    %add3A_136 = arith.addf %dot_general3A_105, %dot_general3A_135 : vector<1x256xf32>
    %dot_general3A_137 = arith.constant dense<0.000000e+00> : vector<1x256xf32>
    %dot_general3A_138 = tpu.matmul %add3A_136, %get3A_108, %dot_general3A_137 {dimension_numbers = #tpu.dot_dimension_numbers<[1], [1], [0], [0], [0, 0, 1, 0], [], []>, transpose_lhs_hint = false} : vector<1x256xf32>, vector<256x256xf32>, vector<1x256xf32> -> vector<1x256xf32>
    %dot_general3A_139 = arith.constant dense<0.000000e+00> : vector<1x2048xf32>
    %dot_general3A_140 = tpu.matmul %dot_general3A_138, %dot_general3A_5, %dot_general3A_139 {dimension_numbers = #tpu.dot_dimension_numbers<[1], [1], [0], [0], [0, 0, 1, 0], [], []>, transpose_lhs_hint = false} : vector<1x256xf32>, vector<2048x256xf32>, vector<1x2048xf32> -> vector<1x2048xf32>
    %mul3A_141 = arith.mulf %dot_general3A_138, %dot_general3A_138 : vector<1x256xf32>
    %reduce_sum3A_142 = vector.shape_cast %mul3A_141 : vector<1x256xf32> to vector<1x1x256xf32>
    %reduce_sum3A_143 = arith.constant dense<0.000000e+00> : vector<1xf32>
    %reduce_sum3A_144 = vector.multi_reduction <add>, %reduce_sum3A_142, %reduce_sum3A_143 [1, 2] : vector<1x1x256xf32> to vector<1xf32>
    %reduce_sum3A_145 = vector.shape_cast %reduce_sum3A_144 : vector<1xf32> to vector<1x1x1xf32>
    %reduce_sum3A_146 = vector.extract %reduce_sum3A_145[0, 0, 0] : f32 from vector<1x1x1xf32>
    %sqrt3A_147 = math.sqrt %reduce_sum3A_146 : f32
    %max3A_148 = arith.constant 9.99999997E-7 : f32
    %max3A_149 = arith.maximumf %sqrt3A_147, %max3A_148 : f32
    %mul3A_150 = vector.broadcast %max3A_149 : f32 to vector<1x2048xf32>
    %mul3A_151 = arith.mulf %broadcast_in_dim3A, %mul3A_150 : vector<1x2048xf32>
    %div3A_152 = arith.divf %dot_general3A_140, %mul3A_151 : vector<1x2048xf32>
    %reduce_max3A_153 = arith.constant dense<0xFF800000> : vector<1xf32>
    %reduce_max3A_154 = vector.multi_reduction <maximumf>, %div3A_152, %reduce_max3A_153 [1] : vector<1x2048xf32> to vector<1xf32>
    %broadcast_in_dim3A_155 = vector.shape_cast %reduce_max3A_154 : vector<1xf32> to vector<1x1xf32>
    %sub3A_156 = vector.broadcast %broadcast_in_dim3A_155 : vector<1x1xf32> to vector<1x2048xf32>
    %sub3A_157 = arith.subf %div3A_152, %sub3A_156 : vector<1x2048xf32>
    %exp3A_158 = math.exp %sub3A_157 : vector<1x2048xf32>
    %reduce_sum3A_159 = arith.constant dense<0.000000e+00> : vector<1xf32>
    %reduce_sum3A_160 = vector.multi_reduction <add>, %exp3A_158, %reduce_sum3A_159 [1] : vector<1x2048xf32> to vector<1xf32>
    %broadcast_in_dim3A_161 = vector.shape_cast %reduce_sum3A_160 : vector<1xf32> to vector<1x1xf32>
    %div3A_162 = vector.broadcast %broadcast_in_dim3A_161 : vector<1x1xf32> to vector<1x2048xf32>
    %div3A_163 = arith.divf %exp3A_158, %div3A_162 : vector<1x2048xf32>
    %dot_general3A_164 = arith.constant dense<0.000000e+00> : vector<1x256xf32>
    %dot_general3A_165 = tpu.matmul %div3A_163, %dot_general3A_10, %dot_general3A_164 {dimension_numbers = #tpu.dot_dimension_numbers<[1], [0], [0], [1], [0, 0, 1, 1], [], []>, transpose_lhs_hint = false} : vector<1x2048xf32>, vector<2048x256xf32>, vector<1x256xf32> -> vector<1x256xf32>
    %add3A_166 = arith.addf %dot_general3A_138, %dot_general3A_165 : vector<1x256xf32>
    %dot_general3A_167 = arith.constant dense<0.000000e+00> : vector<1x256xf32>
    %dot_general3A_168 = tpu.matmul %add3A_166, %get3A_108, %dot_general3A_167 {dimension_numbers = #tpu.dot_dimension_numbers<[1], [1], [0], [0], [0, 0, 1, 0], [], []>, transpose_lhs_hint = false} : vector<1x256xf32>, vector<256x256xf32>, vector<1x256xf32> -> vector<1x256xf32>
    %dot_general3A_169 = arith.constant dense<0.000000e+00> : vector<1x1000xf32>
    %dot_general3A_170 = tpu.matmul %dot_general3A_168, %dot_general3A_18, %dot_general3A_169 {dimension_numbers = #tpu.dot_dimension_numbers<[1], [1], [0], [0], [0, 0, 1, 0], [], []>, transpose_lhs_hint = false} : vector<1x256xf32>, vector<1000x256xf32>, vector<1x1000xf32> -> vector<1x1000xf32>
    %mul3A_171 = arith.mulf %dot_general3A_168, %dot_general3A_168 : vector<1x256xf32>
    %reduce_sum3A_172 = vector.shape_cast %mul3A_171 : vector<1x256xf32> to vector<1x1x256xf32>
    %reduce_sum3A_173 = arith.constant dense<0.000000e+00> : vector<1xf32>
    %reduce_sum3A_174 = vector.multi_reduction <add>, %reduce_sum3A_172, %reduce_sum3A_173 [1, 2] : vector<1x1x256xf32> to vector<1xf32>
    %reduce_sum3A_175 = vector.shape_cast %reduce_sum3A_174 : vector<1xf32> to vector<1x1x1xf32>
    %reduce_sum3A_176 = vector.extract %reduce_sum3A_175[0, 0, 0] : f32 from vector<1x1x1xf32>
    %sqrt3A_177 = math.sqrt %reduce_sum3A_176 : f32
    %max3A_178 = arith.constant 9.99999997E-7 : f32
    %max3A_179 = arith.maximumf %sqrt3A_177, %max3A_178 : f32
    %mul3A_180 = vector.broadcast %max3A_179 : f32 to vector<1x1000xf32>
    %mul3A_181 = arith.mulf %broadcast_in_dim3A_39, %mul3A_180 : vector<1x1000xf32>
    %div3A_182 = arith.divf %dot_general3A_170, %mul3A_181 : vector<1x1000xf32>
    %swap3A = arith.constant 0 : index
    %swap3A_183 = arith.constant 0 : index
    %swap3A_184 = vector.load %arg5[%swap3A, %swap3A_183] : memref<1x1000xf32, #tpu.memory_space<vmem>>, vector<1x1000xf32>
    tpu.vector_store %arg5[%swap3A, %swap3A_183], %div3A_182 {strides = array<i32>} : memref<1x1000xf32, #tpu.memory_space<vmem>>, vector<1x1000xf32>,
    return
  }
}

</mosaic_0001>

<sc_bundles>
// kernel: kernel.4.cloned.1.call-start
scs
__scs_entry_jumppad:
0x0: {  	(pc) =	sbr.rel $0x88, $3  }
0x1: {  	(tag) =	ssettag $0x0;
	lr =	simm.s32 $0x1  }
0x2: {  	[smem:$0x3F98] =	sst lr;
	_ =	strace $0xD0000000  }
0x3: {  	_ = 	snop  }
0x4: {  	_ = 	snop  }
0x5: {  	_ = 	snop  }
0x6: {  	_ = 	snop  }
0x7: {  	_ = 	snop  }
__scs_overlays_trampoline_lowered:
0x8: {  	[smem:$0x3FA7] =	sst s0  }
0x9: {  	[smem:$0x3FA8] =	sst s1  }
0xa: {  	[smem:$0x3FA9] =	sst s2  }
0xb: {  	[smem:$0x3FAA] =	sst s3  }
0xc: {  	[smem:$0x3FAB] =	sst s4  }
0xd: {  	[smem:$0x3FAC] =	sst s5  }
0xe: {  	[smem:$0x3FAD] =	sst s6  }
0xf: {  	[smem:$0x3FAE] =	sst s7  }
0x10: {  	[smem:$0x3FAF] =	sst s8  }
0x11: {  	[smem:$0x3FB0] =	sst s9;
	s0 =	simm.s32 @!p0 $0x0  }
0x12: {  	s1 =	sld [smem:$0x3F96];
	s0 =	simm.s32 @p0 $0x1  }
0x13: {  	[smem:$0x3FB1] =	sst s0;
	s0 =	simm.s32 @!p1 $0x0  }
0x14: {  	s2 =	sld [smem:$0x3F95];
	s0 =	simm.s32 @p1 $0x1  }
0x15: {  	[smem:$0x3FB2] =	sst s0;
	s0 =	simm.s32 @!p2 $0x0  }
0x16: {  	s3 =	sld [smem:$0x3FDB];
	s0 =	simm.s32 @p2 $0x1  }
0x17: {  	s4 =	simm.s32 $0x1BF5;
	[smem:$0x3FB4] =	sst s0  }
0x18: {  	s0 =	sld [smem:$0x3F97];
	_ =	swait.ge [sflag:s4], $0x0  }
0x19: {  	s7 =	sld [smem:$0x3F98]  }
0x1a: {  	s8 =	sadd.s32 $0xFFFFE003, lr  }
0x1b: {  	s9 =	sadd.s32 $0xFFFFFEF7, lr;
	s5 =	simm.s32 $0xFFFFFFFF;
	p2 =	slt.u32 s8, $0xFFFFF086  }
0x1c: {  	p1 =	slt.u32 s9, $0xF7A;
	s5 =	simm.s32 @!p2 $0x0  }
0x1d: {  	s5 =	simm.s32 @p1 $0x1;
	p0 =	seq.s32 s7, s2  }
0x1e: {  	s7 =	smul.u32 @!p0 $0xF7A, s2;
	p2 =	seq.s32 @!p0 s5, $0x0  }
0x1f: {  	s9 =	smul.u32 $0xF7A, s1;
	s8 =	simm.s32 @!p0 $0x1BF5;
	p2 =	por !p2, p0  }
0x20: {  	[sflag:s8] =	ssyncset.s32 @!p0 $0xFFFFF086;
	s6 =	sadd.s32 @!p0 s3, s7;
	s7 =	simm.s32 @!p0 $0x108  }
0x21: {  	s3 =	sadd.s32 s3, s9;
	s6 =	sadd.s32 @!p0 $0x88, s6;
	s7 =	simm.s32 @p2 $0x1082  }
0x22: {  	[simem:s7], [sflag:s8] =	dma.local @!p0 [hbm:s6], $0xF7A  }
0x23: {  	s9 =	sor.u32 $0xD0000000, s2;
	s6 =	simm.s32 $0x108;
	_ =	swait.ge @!p0 [sflag:s8], $0x0  }
0x24: {  	s3 =	sadd.s32 $0x88, s3;
	s6 =	simm.s32 @!p1 $0x1082;
	[sflag:s4] =	ssyncset.s32 $0xFFFFF086  }
0x25: {  	[simem:s6], [sflag:s4] =	dma.local [hbm:s3], $0xF7A  }
0x26: {  	[smem:$0x3F98] =	sst s1;
	(tag) =	ssettag s2;
	_ =	strace s9  }
0x27: {  	s1 =	sld [smem:$0x3FA8]  }
0x28: {  	s2 =	sld [smem:$0x3FA9]  }
0x29: {  	s4 =	sld [smem:$0x3FAB]  }
0x2a: {  	p0 =	seq.s32 s5, $0x0;
	s5 =	sld [smem:$0x3FAC]  }
0x2b: {  	s6 =	sld [smem:$0x3FAD]  }
0x2c: {  	s7 =	sld [smem:$0x3FAE]  }
0x2d: {  	s3 =	simm.s32 $0x108;
	s8 =	sld [smem:$0x3FAF]  }
0x2e: {  	s3 =	simm.s32 @!p0 $0x1082;
	s9 =	sld [smem:$0x3FB0]  }
0x2f: {  	lr =	sadd.s32 s0, s3;
	s0 =	sld [smem:$0x3FA7]  }
0x30: {  	s3 =	sld [smem:$0x3FAA]  }
0x31: {  	[smem:$0x3FB3] =	sst s10  }
0x32: {  	s10 =	sld [smem:$0x3FB1];
	_ =	sdelay $0x3  }
0x33: {  	p0 =	seq.s32 s10, $0x1;
	s10 =	sld [smem:$0x3FB3];
	_ =	sdelay $0x3  }
0x34: {  	[smem:$0x3FB3] =	sst s10  }
0x35: {  	s10 =	sld [smem:$0x3FB2];
	_ =	sdelay $0x3  }
0x36: {  	p1 =	seq.s32 s10, $0x1;
	s10 =	sld [smem:$0x3FB3];
	_ =	sdelay $0x3  }
0x37: {  	[smem:$0x3FB3] =	sst s10  }
0x38: {  	s10 =	sld [smem:$0x3FB4]  }
0x39: {  	_ = 	snop;
	(pc) =	sbr.ind lr, $3  }
0x3a: {  	_ = 	snop  }
0x3b: {  	_ = 	snop  }
0x3c: {  	p2 =	seq.s32 s10, $0x1;
	s10 =	sld [smem:$0x3FB3]  }
0x3d: {  	_ =	shalt  }
0x3e: {  	_ =	shalt  }
0x3f: {  	_ =	shalt  }
0x40: {  	_ =	shalt  }
0x41: {  	_ =	shalt  }
0x42: {  	_ =	shalt  }
0x43: {  	_ =	shalt  }
0x44: {  	_ =	shalt  }
0x45: {  	_ =	shalt  }
0x46: {  	_ =	shalt  }
0x47: {  	_ =	shalt  }
0x48: {  	_ =	shalt  }
0x49: {  	_ =	shalt  }
0x4a: {  	_ =	shalt  }
0x4b: {  	_ =	shalt  }
0x4c: {  	_ =	shalt  }
0x4d: {  	_ =	shalt  }
0x4e: {  	_ =	shalt  }
0x4f: {  	_ =	shalt  }
0x50: {  	_ =	shalt  }
0x51: {  	_ =	shalt  }
0x52: {  	_ =	shalt  }
0x53: {  	_ =	shalt  }
0x54: {  	_ =	shalt  }
0x55: {  	_ =	shalt  }
0x56: {  	_ =	shalt  }
0x57: {  	_ =	shalt  }
0x58: {  	_ =	shalt  }
0x59: {  	_ =	shalt  }
0x5a: {  	_ =	shalt  }
0x5b: {  	_ =	shalt  }
0x5c: {  	_ =	shalt  }
0x5d: {  	_ =	shalt  }
0x5e: {  	_ =	shalt  }
0x5f: {  	_ =	shalt  }
0x60: {  	_ =	shalt  }
0x61: {  	_ =	shalt  }
0x62: {  	_ =	shalt  }
0x63: {  	_ =	shalt  }
0x64: {  	_ =	shalt  }
0x65: {  	_ =	shalt  }
0x66: {  	_ =	shalt  }
0x67: {  	_ =	shalt  }
0x68: {  	_ =	shalt  }
0x69: {  	_ =	shalt  }
0x6a: {  	_ =	shalt  }
0x6b: {  	_ =	shalt  }
0x6c: {  	_ =	shalt  }
0x6d: {  	_ =	shalt  }
0x6e: {  	_ =	shalt  }
0x6f: {  	_ =	shalt  }
0x70: {  	_ =	shalt  }
0x71: {  	_ =	shalt  }
0x72: {  	_ =	shalt  }
0x73: {  	_ =	shalt  }
0x74: {  	_ =	shalt  }
0x75: {  	_ =	shalt  }
0x76: {  	_ =	shalt  }
0x77: {  	_ =	shalt  }
0x78: {  	_ =	shalt  }
0x79: {  	_ =	shalt  }
0x7a: {  	_ =	shalt  }
0x7b: {  	_ =	shalt  }
0x7c: {  	_ =	shalt  }
0x7d: {  	_ =	shalt  }
0x7e: {  	_ =	shalt  }
0x7f: {  	_ =	shalt  }
0x80: {  	_ =	shalt  }
0x81: {  	_ =	shalt  }
0x82: {  	_ =	shalt  }
0x83: {  	_ =	shalt  }
0x84: {  	_ =	shalt  }
0x85: {  	_ =	shalt  }
0x86: {  	_ =	shalt  }
0x87: {  	_ =	shalt  }
.Lfunc_end0:
.L_simem_size_0:
called_computation_lowered:
.L_overlay_start_0:
0x88: {  	s2 =	sld [smem:$0x3FD9]  }
0x89: {  	s3 =	sld [smem:$0x3FFE];
	_ =	sdelay $0x1  }
0x8a: {  	s1 =	srdreg.scid  }
0x8b: {  	s0 =	sand.u32 $0x1, s1  }
0x8c: {  	s16 =	sshll.u32 s0, $0xA;
	s2 =	sadd.s32 s3, s2  }
0x8d: {  	s2 =	sadd.s32 s2, s16  }
0x8e: {  	[smem:$0x3FBF] =	sst s2  }
0x8f: {  	_ = 	snop  }
0x90: {  	(tm) =	ssettm $0x1  }
0x91: {  	s17 =	sld [smem:$0x3FFB];
	_ =	sdelay $0x3  }
0x92: {  	_ =	strace s17  }
0x93: {  	s2 =	sld [smem:$0x3FFC];
	_ =	sdelay $0x3  }
0x94: {  	_ =	strace s2  }
0x95: {  	s2 =	sld [smem:$0x3FFD];
	_ =	sdelay $0x3  }
0x96: {  	_ =	strace s2  }
0x97: {  	_ =	strace $0x8FFFFFFF  }
0x98: {  	s18 =	sld [smem:$0x3FDB];
	_ =	sdelay $0x1  }
0x99: {  	s19 =	simm.s32 $_scs_section_size  }
0x9a: {  	s4 =	simm.s32 $_size__tile_overlayer_lowered;
	s5 =	simm.s32 $_tile_overlayer_lowered  }
0x9b: {  	s22 =	simm.s32 $0x1BFF;
	s21 =	sshll.u32 s5, $0x1;
	s2 =	sadd.s32 s19, s18  }
0x9c: {  	s6 =	simm.s32 $0x0;
	s20 =	sshll.u32 s4, $0x1;
	s4 =	sadd.s32 s21, s2  }
0x9d: {  	[timem:s6], [sflag:s22] =	dma.local [hbm:s4], s20  }
0x9e: {  	_ =	swait.ge [sflag:s22], s20  }
0x9f: {  	s3 =	ssub.s32 $0x0, s20;
	[sflag:s22] =	ssyncset.done $0x0  }
0xa0: {  	[sflag:s22] =	ssyncadd.s32 s3;
	_ =	sdelay $0x1  }
0xa1: {  	s23 =	simm.s32 $0x1B8B  }
0xa2: {  	_ =	swait.ge [sflag:s23], $0x1  }
0xa3: {  	[sflag:s23] =	ssyncset.done $0x0  }
0xa4: {  	s25 =	simm.s32 $0x1B8E;
	s24 =	sld [smem:$0x3FFE];
	[sflag:s23] =	ssyncadd.s32 $0xFFFFFFFF  }
0xa5: {  	s26 =	simm.s32 $execute0_lowered;
	[smem:$0x3FD2] =	sst s25  }
0xa6: {  	s4 =	sshll.u32 s26, $0x1;
	_ =	strace $0x80000046;
	[dreg:$0x1] =	wrdreg $0xFFFFFFFF  }
0xa7: {  	s28 =	simm.s32 $_size_execute0_lowered;
	s2 =	sadd.s32 s2, s4;
	[dreg:$0x0] =	wrdreg $0x0  }
0xa8: {  	s4 =	sshll.u32 s28, $0x1;
	[dreg:$0x2] =	wrdreg s2  }
0xa9: {  	[dreg:$0x3] =	wrdreg s4  }
0xaa: {  	[dreg:$0x4] =	wrdreg $0xC0  }
0xab: {  	_ =	task [dreg:s6], $0x5FFFF  }
0xac: {  	[dreg:$0x1] =	wrdreg $0xFFFFFFFF  }
0xad: {  	[dreg:$0x0] =	wrdreg $0x60  }
0xae: {  	[dreg:$0x2] =	wrdreg s24  }
0xaf: {  	[dreg:$0x3] =	wrdreg $0x9  }
0xb0: {  	_ =	task.clear_ibuf [dreg:s6], $0x4FFFF;
	_ =	strace $0x90000046  }
0xb1: {  	s29 =	simm.s32 $0x9;
	_ =	strace $0x80000048  }
0xb2: {  	_ =	swait.ge [sflag:s29], $0x1  }
0xb3: {  	[sflag:s29] =	ssyncadd.s32 $0xFFFFFFFF  }
0xb4: {  	_ =	strace $0x90000048  }
0xb5: {  	_ =	sfence  }
0xb6: {  	s30 =	sld [smem:$0x0];
	_ =	sdelay $0x2  }
0xb7: {  	s31 =	sshll.u32 s1, $0xD;
	s1 =	sshrl.u32 s1, $0x2  }
0xb8: {  	s3 =	sand.u32 $0x4000, s31;
	s1 =	sadd.s32 s1, s30  }
0xb9: {  	s0 =	sor.u32 s3, s0;
	s1 =	sshll.u32 s1, $0x11  }
0xba: {  	s0 =	sor.u32 s1, s0  }
0xbb: {  	s0 =	sadd.s32 $0x8F2B, s0  }
0xbc: {  	[sflag:s0] =	ssyncadd.remote.s32 $0x1  }
0xbd: {  	_ =	sfence.sel $0xFFFF  }
0xbe: {  	[dreg:$0x0] =	wrdreg $0xFFFFFFFF;
	(pc) =	sbr.abs _section_cstart, $3  }
0xbf: {  	[dreg:$0x1] =	wrdreg $0xFFFFFFFF  }
0xc0: {  	_ =	task.clear_ibuf [dreg:s6], $0x2FFFF;
	_ =	strace $0x9FFFFFFF  }
0xc1: {  	(tm) =	ssettm $0x7FFFFFFF  }
tec
execute0_lowered:
.L_overlay_start_1:
0x0: {  	(tag) =	ssettag $0x1  }
0x1: {  	v0 =	vimm.s32 $0x2380;
	vm0 =	vcmask $0x300  }
0x2: {  	vm14 =	vcmask $0x704;
	v0 =	vsel vm0, $0x0, v0  }
0x3: {  	vm15 =	vcmask $0xB08;
	v0 =	vsel vm14, $0x80, v0  }
0x4: {  	vm4 =	vcmask $0xF0C;
	v0 =	vsel vm15, $0x100, v0  }
0x5: {  	s8 =	rddreg [dreg:$0x0];
	vm5 =	vcmask $0x1310;
	v0 =	vsel vm4, $0x180, v0  }
0x6: {  	s0 =	rddreg [dreg:$0x1];
	vm6 =	vcmask $0x1714;
	s2 =	simm.s32 $0x0;
	v0 =	vsel vm5, $0x200, v0  }
0x7: {  	s3 =	srdreg.scid;
	s1 =	stileid.u32;
	vm7 =	vcmask $0x1B18;
	s11 =	simm.s32 $0x3;
	v0 =	vsel vm6, $0x280, v0  }
0x8: {  	vm8 =	vcmask $0x1F1C;
	s12 =	simm.s32 $0x2000;
	s13 =	simm.s32 $0x4;
	s14 =	simm.s32 $0x6000;
	v0 =	vsel vm7, $0x300, v0  }
0x9: {  	vm9 =	vcmask $0x2320;
	s15 =	simm.s32 $0x5;
	s16 =	simm.s32 $0x1;
	s17 =	simm.s32 $0x1000;
	v0 =	vsel vm8, $0x380, v0  }
0xa: {  	vm10 =	vcmask $0x2724;
	s18 =	simm.s32 $0x6;
	s19 =	simm.s32 $0x2;
	s20 =	simm.s32 $0x1800;
	v0 =	vsel vm9, $0x2000, v0  }
0xb: {  	vm11 =	vcmask $0x2B28;
	s21 =	simm.s32 $0x0;
	[smem:$0x7FF] =	sst s2;
	s3 =	sand.u32 $0x1, s3;
	v0 =	vsel vm10, $0x2080, v0  }
.Ltmp0:
0xc: {  	vm12 =	vcmask $0x2F2C;
	s4 =	sshll.u32 s1, $0x1;
	s5 =	sadd.s32 $0x15C00, s8;
	v1 =	vsel vm11, $0x2100, v0;
	(pc) =	sbr.rel .LBB2_1-.Ltmp0, $4  }
0xd: {  	vm13 =	vcmask $0x3330;
	v2 =	vlaneseq.u32;
	_ =	strace $0x80000047;
	s6 =	ssub.s32 $0x2, s3;
	s3 =	sor.u32 s3, s4;
	v1 =	vsel vm12, $0x2180, v1  }
0xe: {  	v4 =	vimm.f32 $-1.000000000e+00;
	s4 =	sadd.s32 $0x1400, s8;
	vm14 =	vcmask $0x3734;
	s7 =	sshrl.u32 s6, $0x1;
	s9 =	sshll.u32 s3, $0x8;
	v3 =	vsel vm13, $0x2200, v1  }
0xf: {  	vm15 =	vcmask $0x3B38;
	s10 =	ssub.s32 s6, s7;
	s6 =	sadd.s32 s4, s9;
	s7 =	sadd.s32 $0x3400, s8;
	v1 =	vmul.u32 $0x80, v2;
	v2 =	vsel vm14, $0x2280, v3  }
0x10: {  	s8 =	sadd.s32 $0x9400, s8;
	s9 =	smax.u32 s10, $0x1;
	s10 =	simm.s32 $0x800;
	v0 =	vimm.f32 $0.0e+00;
	v3 =	vimm.f32 $1.000000000e+00;
	v2 =	vsel vm15, $0x2300, v2  }
.LBB2_23:
0x11: {  	s21 =	sadd.s32 $0x1, s21  }
0x12: {  	_ =	swait.ge [sflag:s16], $0x4000;
	p0 =	sne.s32 s21, s9  }
.Ltmp1:
0x13: {  	[sflag:s16] =	ssyncset.done $0x0;
	(pc) =	sbr.rel @!p0 .LBB2_24-.Ltmp1, $4  }
0x14: {  	[sflag:s16] =	ssyncadd.s32 $0xFFFFC000  }
0x15: {  	_ =	swait.ge [sflag:s19], $0x4000  }
0x16: {  	[sflag:s19] =	ssyncset.done $0x0  }
0x17: {  	[sflag:s19] =	ssyncadd.s32 $0xFFFFC000  }
.LBB2_1:
0x18: {  	[tilespmem:s2], [sflag:$0x3] =	stream.linear.gather [hbm4b:s6+s2], $0x800, $0x38;
	[tilespmem:$0xA000] =	vst v63  }
0x19: {  	s22 =	sand.u32 $0x70, s2;
	s23 =	sand.u32 $0x1C00, s2  }
0x1a: {  	s23 =	sor.u32 s22, s23  }
0x1b: {  	[tilespmem:s23+$0x2080] =	vst v0  }
0x1c: {  	[tilespmem:s23+$0x2100] =	vst v0  }
0x1d: {  	[tilespmem:s23+$0x2180] =	vst v0  }
0x1e: {  	[tilespmem:s23+$0x2200] =	vst v0  }
0x1f: {  	[tilespmem:s23+$0x2280] =	vst v0  }
0x20: {  	s25 =	sor.u32 s2, s2;
	s24 =	simm.s32 $0x0;
	s22 =	simm.s32 $0x10;
	[tilespmem:s23+$0x2300] =	vst v0  }
.LBB2_2:
0x21: {  	p0 =	sne.s32 s22, $0x3F0;
	[tilespmem:s23+$0x2000] =	vst v0;
	s25 =	sor.u32 $0x380, s25  }
0x22: {  	[tilespmem:s25+$0x2000] =	vst v0  }
0x23: {  	[tilespmem:s23+$0x4000] =	vst v0  }
0x24: {  	[tilespmem:s23+$0x4080] =	vst v0  }
0x25: {  	[tilespmem:s23+$0x4100] =	vst v0  }
0x26: {  	[tilespmem:s23+$0x4180] =	vst v0  }
0x27: {  	[tilespmem:s23+$0x4200] =	vst v0  }
0x28: {  	[tilespmem:s23+$0x4280] =	vst v0  }
0x29: {  	[tilespmem:s23+$0x4300] =	vst v0  }
0x2a: {  	[tilespmem:s23+$0x4380] =	vst v0  }
0x2b: {  	[tilespmem:s23+$0x6000] =	vst v0  }
0x2c: {  	[tilespmem:s23+$0x6080] =	vst v0  }
0x2d: {  	[tilespmem:s23+$0x6100] =	vst v0  }
0x2e: {  	[tilespmem:s23+$0x6180] =	vst v0  }
0x2f: {  	[tilespmem:s23+$0x6200] =	vst v0  }
0x30: {  	[tilespmem:s23+$0x6280] =	vst v0  }
0x31: {  	[tilespmem:s23+$0x6300] =	vst v0  }
0x32: {  	[tilespmem:s23+$0x6380] =	vst v0  }
0x33: {  	[tilespmem:s23+$0x8000] =	vst v0  }
0x34: {  	[tilespmem:s23+$0x8080] =	vst v0  }
0x35: {  	[tilespmem:s23+$0x8100] =	vst v0  }
0x36: {  	[tilespmem:s23+$0x8180] =	vst v0  }
0x37: {  	[tilespmem:s23+$0x8200] =	vst v0  }
0x38: {  	s24 =	sadd.s32 $0x80, s24;
	[tilespmem:s23+$0x8280] =	vst v0  }
0x39: {  	s25 =	sand.u32 $0x70, s22;
	s26 =	sand.u32 $0x1C00, s24;
	[tilespmem:s23+$0x8300] =	vst v0  }
0x3a: {  	[tilespmem:s23+$0x8380] =	vst v0;
	s23 =	sor.u32 s25, s26  }
0x3b: {  	[tilespmem:s23+$0x2080] =	vst v0  }
.Ltmp2:
0x3c: {  	[tilespmem:s23+$0x2100] =	vst v0;
	(pc) =	sbr.rel @p0 .LBB2_2-.Ltmp2, $4  }
0x3d: {  	[tilespmem:s23+$0x2180] =	vst v0  }
0x3e: {  	[tilespmem:s23+$0x2200] =	vst v0  }
0x3f: {  	[tilespmem:s23+$0x2280] =	vst v0  }
0x40: {  	s25 =	sor.u32 s24, s22;
	s22 =	sadd.s32 $0x10, s22;
	[tilespmem:s23+$0x2300] =	vst v0  }
0x41: {  	[tilespmem:s23+$0x2000] =	vst v0;
	s22 =	sor.u32 $0x380, s25  }
0x42: {  	[tilespmem:s22+$0x2000] =	vst v0  }
0x43: {  	[tilespmem:s23+$0x4000] =	vst v0  }
0x44: {  	[tilespmem:s23+$0x4080] =	vst v0  }
0x45: {  	[tilespmem:s23+$0x4100] =	vst v0  }
0x46: {  	[tilespmem:s23+$0x4180] =	vst v0  }
0x47: {  	[tilespmem:s23+$0x4200] =	vst v0  }
0x48: {  	[tilespmem:s23+$0x4280] =	vst v0  }
0x49: {  	[tilespmem:s23+$0x4300] =	vst v0  }
0x4a: {  	[tilespmem:s23+$0x4380] =	vst v0  }
0x4b: {  	[tilespmem:s23+$0x6000] =	vst v0  }
0x4c: {  	[tilespmem:s23+$0x6080] =	vst v0  }
0x4d: {  	[tilespmem:s23+$0x6100] =	vst v0  }
0x4e: {  	[tilespmem:s23+$0x6180] =	vst v0  }
0x4f: {  	[tilespmem:s23+$0x6200] =	vst v0  }
0x50: {  	[tilespmem:s23+$0x6280] =	vst v0  }
0x51: {  	[tilespmem:s23+$0x6300] =	vst v0  }
0x52: {  	[tilespmem:s23+$0x6380] =	vst v0  }
0x53: {  	[tilespmem:s23+$0x8000] =	vst v0  }
0x54: {  	[tilespmem:s23+$0x8080] =	vst v0  }
0x55: {  	[tilespmem:s23+$0x8100] =	vst v0  }
.Ltmp3:
0x56: {  	[tilespmem:s23+$0x8180] =	vst v0;
	(pc) =	sbr.rel .LBB2_4-.Ltmp3, $4  }
0x57: {  	[tilespmem:s23+$0x8200] =	vst v0  }
0x58: {  	[tilespmem:s23+$0x8280] =	vst v0  }
0x59: {  	[tilespmem:s23+$0x8300] =	vst v0  }
0x5a: {  	s22 =	simm.s32 $0x0;
	[tilespmem:s23+$0x8380] =	vst v0;
	s23 =	simm.s32 $0x0  }
.LBB2_22:
0x5b: {  	s23 =	sadd.s32 $0x1, s23  }
0x5c: {  	p0 =	sne.s32 s23, $0x3  }
.Ltmp4:
0x5d: {  	_ = 	snop;
	(pc) =	sbr.rel @!p0 .LBB2_23-.Ltmp4, $1  }
0x5e: {  	_ =	sdelay $0x3  }
.LBB2_4:
0x5f: {  	s24 =	sshll.u32 s23, $0x7  }
0x60: {  	s24 =	sor.u32 s3, s24  }
0x61: {  	s25 =	sor.u32 $0x20, s24  }
0x62: {  	p0 =	seq.s32 s23, $0x0;
	s26 =	sshll.u32 s25, $0x8  }
.Ltmp5:
0x63: {  	s28 =	sadd.s32 s4, s26;
	(pc) =	sbr.rel @p0 .LBB2_7-.Ltmp5, $4  }
0x64: {  	[tilespmem:s10], [sflag:$0x4] =	stream.linear.gather [hbm4b:s28+s22], $0x800, $0x38;
	[tilespmem:$0xA000] =	vst v63  }
0x65: {  	_ =	swait.ge [sflag:s11], $0x800  }
0x66: {  	[sflag:s11] =	ssyncset.done $0x0  }
0x67: {  	s28 =	simm.s32 $0x0;
	[sflag:s11] =	ssyncadd.s32 $0xFFFFF800  }
0x68: {  	_ =	swait.ge [sflag:s16], $0x4000  }
0x69: {  	[sflag:s16] =	ssyncset.done $0x0  }
0x6a: {  	s28 =	simm.s32 $0x0;
	[sflag:s16] =	ssyncadd.s32 $0xFFFFC000  }
.LBB2_6:
0x6b: {  	v5 =	vmov s28  }
0x6c: {  	v5 =	vand.u32 $0x7C, v5  }
0x6d: {  	v5 =	vbroadcast v5, $0x0;
	_ =	sdelay $0x1  }
0x6e: {  	v5 =	vor.u32 v1, v5;
	_ =	sdelay $0x4  }
0x6f: {  	v6 =	vld.idx.msk [tilespmem:v5+s17+$0x0], $0xffff;
	_ =	sdelay $0x1  }
0x70: {  	v5 =	vld.idx.msk [tilespmem:v5+s2+$0x0], $0xffff;
	_ =	sdelay $0x2  }
0x71: {  	v7 =	vshll.u32 v6, $0x3  }
0x72: {  	s29 =	sadd.s32 $0x1, s28;
	v6 =	vand.u32 $0x7F, v6;
	v7 =	vand.u32 $0xFFFFFC00, v7  }
0x73: {  	v8 =	vmov s29;
	v6 =	vor.u32 v6, v7;
	v7 =	vshll.u32 v5, $0x3  }
0x74: {  	v8 =	vand.u32 $0x7D, v8;
	v5 =	vand.u32 $0x7F, v5;
	v7 =	vand.u32 $0xFFFFFC00, v7  }
0x75: {  	v6 =	vadd.s32 v2, v6;
	v5 =	vor.u32 v5, v7;
	v7 =	vbroadcast v8, $0x0  }
0x76: {  	v5 =	vadd.s32 v2, v5  }
0x77: {  	v7 =	vor.u32 v1, v7;
	_ =	sdelay $0x2  }
0x78: {  	[tilespmem:v6+s12+$0x0] =	vst.idx.add.f32.msk $0xffff, v4  }
0x79: {  	[tilespmem:v5+s12+$0x0] =	vst.idx.add.f32.msk $0xffff, v3  }
0x7a: {  	v5 =	vld.idx.msk [tilespmem:v7+s17+$0x0], $0xffff;
	_ =	sdelay $0x1  }
0x7b: {  	v6 =	vld.idx.msk [tilespmem:v7+s2+$0x0], $0xffff;
	_ =	sdelay $0x2  }
0x7c: {  	v7 =	vshll.u32 v5, $0x3  }
0x7d: {  	s30 =	sadd.s32 $0x2, s28;
	v5 =	vand.u32 $0x7F, v5;
	v7 =	vand.u32 $0xFFFFFC00, v7  }
0x7e: {  	v61 =	vmov s30;
	v5 =	vor.u32 v5, v7;
	v7 =	vshll.u32 v6, $0x3  }
0x7f: {  	v8 =	vand.u32 $0x7E, v61;
	v6 =	vand.u32 $0x7F, v6;
	v7 =	vand.u32 $0xFFFFFC00, v7  }
0x80: {  	v5 =	vadd.s32 v2, v5;
	v6 =	vor.u32 v6, v7;
	v7 =	vbroadcast v8, $0x0  }
0x81: {  	v6 =	vadd.s32 v2, v6  }
0x82: {  	v7 =	vor.u32 v1, v7;
	_ =	sdelay $0x2  }
0x83: {  	[tilespmem:v5+s12+$0x0] =	vst.idx.add.f32.msk $0xffff, v4  }
0x84: {  	[tilespmem:v6+s12+$0x0] =	vst.idx.add.f32.msk $0xffff, v3  }
0x85: {  	v5 =	vld.idx.msk [tilespmem:v7+s17+$0x0], $0xffff;
	_ =	sdelay $0x1  }
0x86: {  	v6 =	vld.idx.msk [tilespmem:v7+s2+$0x0], $0xffff;
	_ =	sdelay $0x2  }
0x87: {  	v7 =	vshll.u32 v5, $0x3  }
0x88: {  	s31 =	sadd.s32 $0x3, s28;
	v5 =	vand.u32 $0x7F, v5;
	v7 =	vand.u32 $0xFFFFFC00, v7  }
0x89: {  	v62 =	vmov s31;
	v5 =	vor.u32 v5, v7;
	v7 =	vshll.u32 v6, $0x3  }
0x8a: {  	v8 =	vand.u32 $0x7F, v62;
	v6 =	vand.u32 $0x7F, v6;
	v7 =	vand.u32 $0xFFFFFC00, v7  }
0x8b: {  	v5 =	vadd.s32 v2, v5;
	v6 =	vor.u32 v6, v7;
	v7 =	vbroadcast v8, $0x0  }
0x8c: {  	v6 =	vadd.s32 v2, v6  }
0x8d: {  	v7 =	vor.u32 v1, v7;
	_ =	sdelay $0x2  }
0x8e: {  	[tilespmem:v5+s12+$0x0] =	vst.idx.add.f32.msk $0xffff, v4  }
0x8f: {  	[tilespmem:v6+s12+$0x0] =	vst.idx.add.f32.msk $0xffff, v3  }
0x90: {  	v5 =	vld.idx.msk [tilespmem:v7+s17+$0x0], $0xffff  }
0x91: {  	v6 =	vld.idx.msk [tilespmem:v7+s2+$0x0], $0xffff;
	_ =	sdelay $0x3  }
0x92: {  	v7 =	vshll.u32 v5, $0x3  }
0x93: {  	v5 =	vand.u32 $0x7F, v5;
	v63 =	vshll.u32 v6, $0x3;
	v7 =	vand.u32 $0xFFFFFC00, v7  }
0x94: {  	v6 =	vand.u32 $0x7F, v6;
	v5 =	vor.u32 v5, v7;
	v7 =	vand.u32 $0xFFFFFC00, v63  }
0x95: {  	v5 =	vadd.s32 v2, v5;
	v6 =	vor.u32 v6, v7  }
0x96: {  	p1 =	slt.u32 s28, $0x3C;
	v6 =	vadd.s32 v2, v6  }
.Ltmp6:
0x97: {  	_ = 	snop;
	(pc) =	sbr.rel @p1 .LBB2_6-.Ltmp6, $3  }
0x98: {  	_ =	sdelay $0x1  }
0x99: {  	[tilespmem:v5+s12+$0x0] =	vst.idx.add.f32.msk $0xffff, v4  }
0x9a: {  	s28 =	sadd.s32 $0x4, s28;
	[tilespmem:v6+s12+$0x0] =	vst.idx.add.f32.msk $0xffff, v3  }
.Ltmp7:
0x9b: {  	_ = 	snop;
	(pc) =	sbr.rel .LBB2_8-.Ltmp7, $1  }
0x9c: {  	_ =	sdelay $0x3  }
.LBB2_7:
0x9d: {  	v5 =	vmov s28  }
0x9e: {  	v5 =	vand.u32 $0x78, v5  }
0x9f: {  	v5 =	vbroadcast v5, $0x0;
	_ =	sdelay $0x1  }
0xa0: {  	v5 =	vor.u32 v1, v5;
	_ =	sdelay $0x4  }
0xa1: {  	v5 =	vld.idx.msk [tilespmem:v5+s2+$0x0], $0xffff;
	_ =	sdelay $0x3  }
0xa2: {  	s29 =	sadd.s32 $0x1, s28  }
0xa3: {  	v7 =	vmov s29;
	v6 =	vshll.u32 v5, $0x3  }
0xa4: {  	v7 =	vand.u32 $0x79, v7;
	v5 =	vand.u32 $0x7F, v5;
	v6 =	vand.u32 $0xFFFFFC00, v6  }
0xa5: {  	v5 =	vor.u32 v5, v6;
	v6 =	vbroadcast v7, $0x0  }
0xa6: {  	v5 =	vadd.s32 v2, v5  }
0xa7: {  	v6 =	vor.u32 v1, v6;
	_ =	sdelay $0x3  }
0xa8: {  	[tilespmem:v5+s12+$0x0] =	vst.idx.add.f32.msk $0xffff, v3  }
0xa9: {  	v5 =	vld.idx.msk [tilespmem:v6+s2+$0x0], $0xffff;
	_ =	sdelay $0x3  }
0xaa: {  	s30 =	sadd.s32 $0x2, s28  }
0xab: {  	v7 =	vmov s30;
	v6 =	vshll.u32 v5, $0x3  }
0xac: {  	v7 =	vand.u32 $0x7A, v7;
	v5 =	vand.u32 $0x7F, v5;
	v6 =	vand.u32 $0xFFFFFC00, v6  }
0xad: {  	v5 =	vor.u32 v5, v6;
	v6 =	vbroadcast v7, $0x0  }
0xae: {  	v5 =	vadd.s32 v2, v5  }
0xaf: {  	v6 =	vor.u32 v1, v6;
	_ =	sdelay $0x3  }
0xb0: {  	[tilespmem:v5+s12+$0x0] =	vst.idx.add.f32.msk $0xffff, v3  }
0xb1: {  	v5 =	vld.idx.msk [tilespmem:v6+s2+$0x0], $0xffff;
	_ =	sdelay $0x3  }
0xb2: {  	s31 =	sadd.s32 $0x3, s28  }
0xb3: {  	v7 =	vmov s31;
	v6 =	vshll.u32 v5, $0x3  }
0xb4: {  	v7 =	vand.u32 $0x7B, v7;
	v5 =	vand.u32 $0x7F, v5;
	v6 =	vand.u32 $0xFFFFFC00, v6  }
0xb5: {  	v5 =	vor.u32 v5, v6;
	v6 =	vbroadcast v7, $0x0  }
0xb6: {  	v5 =	vadd.s32 v2, v5  }
0xb7: {  	v6 =	vor.u32 v1, v6;
	_ =	sdelay $0x3  }
0xb8: {  	[tilespmem:v5+s12+$0x0] =	vst.idx.add.f32.msk $0xffff, v3  }
0xb9: {  	v5 =	vld.idx.msk [tilespmem:v6+s2+$0x0], $0xffff;
	_ =	sdelay $0x3  }
0xba: {  	s30 =	sadd.s32 $0x4, s28  }
0xbb: {  	v7 =	vmov s30;
	v6 =	vshll.u32 v5, $0x3  }
0xbc: {  	v7 =	vand.u32 $0x7C, v7;
	v5 =	vand.u32 $0x7F, v5;
	v6 =	vand.u32 $0xFFFFFC00, v6  }
0xbd: {  	v5 =	vor.u32 v5, v6;
	v6 =	vbroadcast v7, $0x0  }
0xbe: {  	v5 =	vadd.s32 v2, v5  }
0xbf: {  	v6 =	vor.u32 v1, v6;
	_ =	sdelay $0x3  }
0xc0: {  	[tilespmem:v5+s12+$0x0] =	vst.idx.add.f32.msk $0xffff, v3  }
0xc1: {  	v5 =	vld.idx.msk [tilespmem:v6+s2+$0x0], $0xffff;
	_ =	sdelay $0x3  }
0xc2: {  	s31 =	sadd.s32 $0x5, s28  }
0xc3: {  	v7 =	vmov s31;
	v6 =	vshll.u32 v5, $0x3  }
0xc4: {  	v7 =	vand.u32 $0x7D, v7;
	v5 =	vand.u32 $0x7F, v5;
	v6 =	vand.u32 $0xFFFFFC00, v6  }
0xc5: {  	v5 =	vor.u32 v5, v6;
	v6 =	vbroadcast v7, $0x0  }
0xc6: {  	v5 =	vadd.s32 v2, v5  }
0xc7: {  	v6 =	vor.u32 v1, v6;
	_ =	sdelay $0x3  }
0xc8: {  	[tilespmem:v5+s12+$0x0] =	vst.idx.add.f32.msk $0xffff, v3  }
0xc9: {  	v5 =	vld.idx.msk [tilespmem:v6+s2+$0x0], $0xffff;
	_ =	sdelay $0x3  }
0xca: {  	s30 =	sadd.s32 $0x6, s28  }
0xcb: {  	v7 =	vmov s30;
	v6 =	vshll.u32 v5, $0x3  }
0xcc: {  	v7 =	vand.u32 $0x7E, v7;
	v5 =	vand.u32 $0x7F, v5;
	v6 =	vand.u32 $0xFFFFFC00, v6  }
0xcd: {  	v5 =	vor.u32 v5, v6;
	v6 =	vbroadcast v7, $0x0  }
0xce: {  	v5 =	vadd.s32 v2, v5  }
0xcf: {  	v6 =	vor.u32 v1, v6;
	_ =	sdelay $0x3  }
0xd0: {  	[tilespmem:v5+s12+$0x0] =	vst.idx.add.f32.msk $0xffff, v3  }
0xd1: {  	v5 =	vld.idx.msk [tilespmem:v6+s2+$0x0], $0xffff;
	_ =	sdelay $0x3  }
0xd2: {  	s31 =	sadd.s32 $0x7, s28  }
0xd3: {  	v7 =	vmov s31;
	v6 =	vshll.u32 v5, $0x3  }
0xd4: {  	v7 =	vand.u32 $0x7F, v7;
	v5 =	vand.u32 $0x7F, v5;
	v6 =	vand.u32 $0xFFFFFC00, v6  }
0xd5: {  	v5 =	vor.u32 v5, v6;
	v6 =	vbroadcast v7, $0x0  }
0xd6: {  	v5 =	vadd.s32 v2, v5  }
0xd7: {  	v6 =	vor.u32 v1, v6;
	_ =	sdelay $0x3  }
0xd8: {  	[tilespmem:v5+s12+$0x0] =	vst.idx.add.f32.msk $0xffff, v3  }
0xd9: {  	v5 =	vld.idx.msk [tilespmem:v6+s2+$0x0], $0xffff;
	_ =	sdelay $0x4  }
0xda: {  	v6 =	vshll.u32 v5, $0x3  }
0xdb: {  	v5 =	vand.u32 $0x7F, v5;
	v6 =	vand.u32 $0xFFFFFC00, v6  }
0xdc: {  	v5 =	vor.u32 v5, v6  }
0xdd: {  	p1 =	slt.u32 s28, $0x38;
	v5 =	vadd.s32 v2, v5  }
.Ltmp8:
0xde: {  	_ = 	snop;
	(pc) =	sbr.rel @p1 .LBB2_7-.Ltmp8, $2  }
0xdf: {  	_ =	sdelay $0x2  }
0xe0: {  	s28 =	sadd.s32 $0x8, s28;
	[tilespmem:v5+s12+$0x0] =	vst.idx.add.f32.msk $0xffff, v3  }
.LBB2_8:
0xe1: {  	s28 =	sshll.u32 s24, $0xB;
	p1 =	sgt.u32 s25, $0x126  }
0xe2: {  	s28 =	sadd.s32 s5, s28;
	s26 =	sadd.s32 @!p1 s26, s7  }
0xe3: {  	[hbm4b:s28+s2] =	stream.linear.scatter [tilespmem:s12], [sflag:$0x1], $0x4000, $0x38;
	[tilespmem:$0xA000] =	vst v63  }
.Ltmp9:
0xe4: {  	s29 =	simm.s32 @!p1 $0x1000;
	s28 =	simm.s32 @!p1 $0x0;
	(pc) =	sbr.rel @p0 .LBB2_9-.Ltmp9, $4  }
0xe5: {  	[tilespmem:s29], [sflag:$0x5] =	stream.linear.gather @!p1 [hbm4b:s26+s28], $0x800, $0x38;
	[tilespmem:$0xA000] =	vst v63  }
0xe6: {  	_ =	swait.ge [sflag:s13], $0x800  }
0xe7: {  	[sflag:s13] =	ssyncset.done $0x0  }
0xe8: {  	[sflag:s13] =	ssyncadd.s32 $0xFFFFF800  }
0xe9: {  	_ =	swait.ge [sflag:s19], $0x4000  }
0xea: {  	[sflag:s19] =	ssyncset.done $0x0  }
0xeb: {  	s26 =	simm.s32 $0x0;
	[sflag:s19] =	ssyncadd.s32 $0xFFFFC000  }
.LBB2_12:
0xec: {  	v5 =	vmov s26  }
0xed: {  	v5 =	vand.u32 $0x7C, v5  }
0xee: {  	v5 =	vbroadcast v5, $0x0;
	_ =	sdelay $0x1  }
0xef: {  	v5 =	vor.u32 v1, v5;
	_ =	sdelay $0x4  }
0xf0: {  	v6 =	vld.idx.msk [tilespmem:v5+s20+$0x0], $0xffff;
	_ =	sdelay $0x1  }
0xf1: {  	v5 =	vld.idx.msk [tilespmem:v5+s10+$0x0], $0xffff;
	_ =	sdelay $0x2  }
0xf2: {  	v7 =	vshll.u32 v6, $0x3  }
0xf3: {  	s28 =	sadd.s32 $0x1, s26;
	v6 =	vand.u32 $0x7F, v6;
	v7 =	vand.u32 $0xFFFFFC00, v7  }
0xf4: {  	v8 =	vmov s28;
	v6 =	vor.u32 v6, v7;
	v7 =	vshll.u32 v5, $0x3  }
0xf5: {  	v8 =	vand.u32 $0x7D, v8;
	v5 =	vand.u32 $0x7F, v5;
	v7 =	vand.u32 $0xFFFFFC00, v7  }
0xf6: {  	v6 =	vadd.s32 v2, v6;
	v5 =	vor.u32 v5, v7;
	v7 =	vbroadcast v8, $0x0  }
0xf7: {  	v5 =	vadd.s32 v2, v5  }
0xf8: {  	v7 =	vor.u32 v1, v7;
	_ =	sdelay $0x2  }
0xf9: {  	[tilespmem:v6+s14+$0x0] =	vst.idx.add.f32.msk $0xffff, v4  }
0xfa: {  	[tilespmem:v5+s14+$0x0] =	vst.idx.add.f32.msk $0xffff, v3  }
0xfb: {  	v5 =	vld.idx.msk [tilespmem:v7+s20+$0x0], $0xffff;
	_ =	sdelay $0x1  }
0xfc: {  	v6 =	vld.idx.msk [tilespmem:v7+s10+$0x0], $0xffff;
	_ =	sdelay $0x2  }
0xfd: {  	v7 =	vshll.u32 v5, $0x3  }
0xfe: {  	s30 =	sadd.s32 $0x2, s26;
	v5 =	vand.u32 $0x7F, v5;
	v7 =	vand.u32 $0xFFFFFC00, v7  }
0xff: {  	v61 =	vmov s30;
	v5 =	vor.u32 v5, v7;
	v7 =	vshll.u32 v6, $0x3  }
0x100: {  	v8 =	vand.u32 $0x7E, v61;
	v6 =	vand.u32 $0x7F, v6;
	v7 =	vand.u32 $0xFFFFFC00, v7  }
0x101: {  	v5 =	vadd.s32 v2, v5;
	v6 =	vor.u32 v6, v7;
	v7 =	vbroadcast v8, $0x0  }
0x102: {  	v6 =	vadd.s32 v2, v6  }
0x103: {  	v7 =	vor.u32 v1, v7;
	_ =	sdelay $0x2  }
0x104: {  	[tilespmem:v5+s14+$0x0] =	vst.idx.add.f32.msk $0xffff, v4  }
0x105: {  	[tilespmem:v6+s14+$0x0] =	vst.idx.add.f32.msk $0xffff, v3  }
0x106: {  	v5 =	vld.idx.msk [tilespmem:v7+s20+$0x0], $0xffff;
	_ =	sdelay $0x1  }
0x107: {  	v6 =	vld.idx.msk [tilespmem:v7+s10+$0x0], $0xffff;
	_ =	sdelay $0x2  }
0x108: {  	v7 =	vshll.u32 v5, $0x3  }
0x109: {  	s31 =	sadd.s32 $0x3, s26;
	v5 =	vand.u32 $0x7F, v5;
	v7 =	vand.u32 $0xFFFFFC00, v7  }
0x10a: {  	v62 =	vmov s31;
	v5 =	vor.u32 v5, v7;
	v7 =	vshll.u32 v6, $0x3  }
0x10b: {  	v8 =	vand.u32 $0x7F, v62;
	v6 =	vand.u32 $0x7F, v6;
	v7 =	vand.u32 $0xFFFFFC00, v7  }
0x10c: {  	v5 =	vadd.s32 v2, v5;
	v6 =	vor.u32 v6, v7;
	v7 =	vbroadcast v8, $0x0  }
0x10d: {  	v6 =	vadd.s32 v2, v6  }
0x10e: {  	v7 =	vor.u32 v1, v7;
	_ =	sdelay $0x2  }
0x10f: {  	[tilespmem:v5+s14+$0x0] =	vst.idx.add.f32.msk $0xffff, v4  }
0x110: {  	[tilespmem:v6+s14+$0x0] =	vst.idx.add.f32.msk $0xffff, v3  }
0x111: {  	v5 =	vld.idx.msk [tilespmem:v7+s20+$0x0], $0xffff  }
0x112: {  	v6 =	vld.idx.msk [tilespmem:v7+s10+$0x0], $0xffff;
	_ =	sdelay $0x3  }
0x113: {  	v7 =	vshll.u32 v5, $0x3  }
0x114: {  	v5 =	vand.u32 $0x7F, v5;
	v63 =	vshll.u32 v6, $0x3;
	v7 =	vand.u32 $0xFFFFFC00, v7  }
0x115: {  	v6 =	vand.u32 $0x7F, v6;
	v5 =	vor.u32 v5, v7;
	v7 =	vand.u32 $0xFFFFFC00, v63  }
0x116: {  	v5 =	vadd.s32 v2, v5;
	v6 =	vor.u32 v6, v7  }
0x117: {  	p0 =	slt.u32 s26, $0x3C;
	v6 =	vadd.s32 v2, v6  }
.Ltmp10:
0x118: {  	_ = 	snop;
	(pc) =	sbr.rel @p0 .LBB2_12-.Ltmp10, $3  }
0x119: {  	_ =	sdelay $0x1  }
0x11a: {  	[tilespmem:v5+s14+$0x0] =	vst.idx.add.f32.msk $0xffff, v4  }
0x11b: {  	s26 =	sadd.s32 $0x4, s26;
	[tilespmem:v6+s14+$0x0] =	vst.idx.add.f32.msk $0xffff, v3  }
.Ltmp11:
0x11c: {  	_ = 	snop;
	(pc) =	sbr.rel .LBB2_13-.Ltmp11, $1  }
0x11d: {  	_ =	sdelay $0x3  }
.LBB2_9:
0x11e: {  	s26 =	simm.s32 $0x0  }
.LBB2_10:
0x11f: {  	v5 =	vmov s26  }
0x120: {  	v5 =	vand.u32 $0x78, v5  }
0x121: {  	v5 =	vbroadcast v5, $0x0;
	_ =	sdelay $0x1  }
0x122: {  	v5 =	vor.u32 v1, v5;
	_ =	sdelay $0x4  }
0x123: {  	v5 =	vld.idx.msk [tilespmem:v5+s10+$0x0], $0xffff;
	_ =	sdelay $0x3  }
0x124: {  	s28 =	sadd.s32 $0x1, s26  }
0x125: {  	v7 =	vmov s28;
	v6 =	vshll.u32 v5, $0x3  }
0x126: {  	v7 =	vand.u32 $0x79, v7;
	v5 =	vand.u32 $0x7F, v5;
	v6 =	vand.u32 $0xFFFFFC00, v6  }
0x127: {  	v5 =	vor.u32 v5, v6;
	v6 =	vbroadcast v7, $0x0  }
0x128: {  	v5 =	vadd.s32 v2, v5  }
0x129: {  	v6 =	vor.u32 v1, v6;
	_ =	sdelay $0x3  }
0x12a: {  	[tilespmem:v5+s14+$0x0] =	vst.idx.add.f32.msk $0xffff, v3  }
0x12b: {  	v5 =	vld.idx.msk [tilespmem:v6+s10+$0x0], $0xffff;
	_ =	sdelay $0x3  }
0x12c: {  	s29 =	sadd.s32 $0x2, s26  }
0x12d: {  	v7 =	vmov s29;
	v6 =	vshll.u32 v5, $0x3  }
0x12e: {  	v7 =	vand.u32 $0x7A, v7;
	v5 =	vand.u32 $0x7F, v5;
	v6 =	vand.u32 $0xFFFFFC00, v6  }
0x12f: {  	v5 =	vor.u32 v5, v6;
	v6 =	vbroadcast v7, $0x0  }
0x130: {  	v5 =	vadd.s32 v2, v5  }
0x131: {  	v6 =	vor.u32 v1, v6;
	_ =	sdelay $0x3  }
0x132: {  	[tilespmem:v5+s14+$0x0] =	vst.idx.add.f32.msk $0xffff, v3  }
0x133: {  	v5 =	vld.idx.msk [tilespmem:v6+s10+$0x0], $0xffff;
	_ =	sdelay $0x3  }
0x134: {  	s30 =	sadd.s32 $0x3, s26  }
0x135: {  	v7 =	vmov s30;
	v6 =	vshll.u32 v5, $0x3  }
0x136: {  	v7 =	vand.u32 $0x7B, v7;
	v5 =	vand.u32 $0x7F, v5;
	v6 =	vand.u32 $0xFFFFFC00, v6  }
0x137: {  	v5 =	vor.u32 v5, v6;
	v6 =	vbroadcast v7, $0x0  }
0x138: {  	v5 =	vadd.s32 v2, v5  }
0x139: {  	v6 =	vor.u32 v1, v6;
	_ =	sdelay $0x3  }
0x13a: {  	[tilespmem:v5+s14+$0x0] =	vst.idx.add.f32.msk $0xffff, v3  }
0x13b: {  	v5 =	vld.idx.msk [tilespmem:v6+s10+$0x0], $0xffff;
	_ =	sdelay $0x3  }
0x13c: {  	s31 =	sadd.s32 $0x4, s26  }
0x13d: {  	v7 =	vmov s31;
	v6 =	vshll.u32 v5, $0x3  }
0x13e: {  	v7 =	vand.u32 $0x7C, v7;
	v5 =	vand.u32 $0x7F, v5;
	v6 =	vand.u32 $0xFFFFFC00, v6  }
0x13f: {  	v5 =	vor.u32 v5, v6;
	v6 =	vbroadcast v7, $0x0  }
0x140: {  	v5 =	vadd.s32 v2, v5  }
0x141: {  	v6 =	vor.u32 v1, v6;
	_ =	sdelay $0x3  }
0x142: {  	[tilespmem:v5+s14+$0x0] =	vst.idx.add.f32.msk $0xffff, v3  }
0x143: {  	v5 =	vld.idx.msk [tilespmem:v6+s10+$0x0], $0xffff;
	_ =	sdelay $0x3  }
0x144: {  	s29 =	sadd.s32 $0x5, s26  }
0x145: {  	v7 =	vmov s29;
	v6 =	vshll.u32 v5, $0x3  }
0x146: {  	v7 =	vand.u32 $0x7D, v7;
	v5 =	vand.u32 $0x7F, v5;
	v6 =	vand.u32 $0xFFFFFC00, v6  }
0x147: {  	v5 =	vor.u32 v5, v6;
	v6 =	vbroadcast v7, $0x0  }
0x148: {  	v5 =	vadd.s32 v2, v5  }
0x149: {  	v6 =	vor.u32 v1, v6;
	_ =	sdelay $0x3  }
0x14a: {  	[tilespmem:v5+s14+$0x0] =	vst.idx.add.f32.msk $0xffff, v3  }
0x14b: {  	v5 =	vld.idx.msk [tilespmem:v6+s10+$0x0], $0xffff;
	_ =	sdelay $0x3  }
0x14c: {  	s30 =	sadd.s32 $0x6, s26  }
0x14d: {  	v7 =	vmov s30;
	v6 =	vshll.u32 v5, $0x3  }
0x14e: {  	v7 =	vand.u32 $0x7E, v7;
	v5 =	vand.u32 $0x7F, v5;
	v6 =	vand.u32 $0xFFFFFC00, v6  }
0x14f: {  	v5 =	vor.u32 v5, v6;
	v6 =	vbroadcast v7, $0x0  }
0x150: {  	v5 =	vadd.s32 v2, v5  }
0x151: {  	v6 =	vor.u32 v1, v6;
	_ =	sdelay $0x3  }
0x152: {  	[tilespmem:v5+s14+$0x0] =	vst.idx.add.f32.msk $0xffff, v3  }
0x153: {  	v5 =	vld.idx.msk [tilespmem:v6+s10+$0x0], $0xffff;
	_ =	sdelay $0x3  }
0x154: {  	s31 =	sadd.s32 $0x7, s26  }
0x155: {  	v7 =	vmov s31;
	v6 =	vshll.u32 v5, $0x3  }
0x156: {  	v7 =	vand.u32 $0x7F, v7;
	v5 =	vand.u32 $0x7F, v5;
	v6 =	vand.u32 $0xFFFFFC00, v6  }
0x157: {  	v5 =	vor.u32 v5, v6;
	v6 =	vbroadcast v7, $0x0  }
0x158: {  	v5 =	vadd.s32 v2, v5  }
0x159: {  	v6 =	vor.u32 v1, v6;
	_ =	sdelay $0x3  }
0x15a: {  	[tilespmem:v5+s14+$0x0] =	vst.idx.add.f32.msk $0xffff, v3  }
0x15b: {  	v5 =	vld.idx.msk [tilespmem:v6+s10+$0x0], $0xffff;
	_ =	sdelay $0x4  }
0x15c: {  	v6 =	vshll.u32 v5, $0x3  }
0x15d: {  	v5 =	vand.u32 $0x7F, v5;
	v6 =	vand.u32 $0xFFFFFC00, v6  }
0x15e: {  	v5 =	vor.u32 v5, v6  }
0x15f: {  	p0 =	slt.u32 s26, $0x38;
	v5 =	vadd.s32 v2, v5  }
.Ltmp12:
0x160: {  	_ = 	snop;
	(pc) =	sbr.rel @p0 .LBB2_10-.Ltmp12, $2  }
0x161: {  	_ =	sdelay $0x2  }
0x162: {  	s26 =	sadd.s32 $0x8, s26;
	[tilespmem:v5+s14+$0x0] =	vst.idx.add.f32.msk $0xffff, v3  }
.LBB2_13:
0x163: {  	s25 =	sshll.u32 s25, $0xB;
	s26 =	sor.u32 $0x40, s24  }
0x164: {  	s25 =	sadd.s32 s5, s25;
	p1 =	sgt.u32 s26, $0x146  }
0x165: {  	[hbm4b:s25+s2] =	stream.linear.scatter [tilespmem:s14], [sflag:$0x2], $0x4000, $0x38;
	[tilespmem:$0xA000] =	vst v63  }
.Ltmp13:
0x166: {  	s25 =	sor.u32 $0x60, s24;
	(pc) =	sbr.rel @p1 .LBB2_18-.Ltmp13, $4  }
0x167: {  	p0 =	sgt.u32 s25, $0x146  }
0x168: {  	s28 =	sshll.u32 @!p0 s25, $0x8  }
0x169: {  	s29 =	simm.s32 @!p0 $0x0;
	s30 =	simm.s32 @!p0 $0x1800;
	s28 =	sadd.s32 @!p0 s4, s28  }
0x16a: {  	[tilespmem:s30], [sflag:$0x6] =	stream.linear.gather @!p0 [hbm4b:s28+s29], $0x800, $0x38;
	[tilespmem:$0xA000] =	vst v63  }
0x16b: {  	_ =	swait.ge [sflag:s15], $0x800  }
0x16c: {  	[sflag:s15] =	ssyncset.done $0x0  }
0x16d: {  	[sflag:s15] =	ssyncadd.s32 $0xFFFFF800  }
0x16e: {  	_ =	swait.ge [sflag:s16], $0x4000  }
0x16f: {  	[sflag:s16] =	ssyncset.done $0x0  }
0x170: {  	s28 =	simm.s32 $0x0;
	[sflag:s16] =	ssyncadd.s32 $0xFFFFC000  }
.LBB2_15:
0x171: {  	v5 =	vmov s28  }
0x172: {  	v5 =	vand.u32 $0x7C, v5  }
0x173: {  	v5 =	vbroadcast v5, $0x0;
	_ =	sdelay $0x1  }
0x174: {  	v5 =	vor.u32 v1, v5;
	_ =	sdelay $0x4  }
0x175: {  	v6 =	vld.idx.msk [tilespmem:v5+s2+$0x0], $0xffff;
	_ =	sdelay $0x1  }
0x176: {  	v5 =	vld.idx.msk [tilespmem:v5+s17+$0x0], $0xffff;
	_ =	sdelay $0x2  }
0x177: {  	v7 =	vshll.u32 v6, $0x3  }
0x178: {  	s29 =	sadd.s32 $0x1, s28;
	v6 =	vand.u32 $0x7F, v6;
	v7 =	vand.u32 $0xFFFFFC00, v7  }
0x179: {  	v8 =	vmov s29;
	v6 =	vor.u32 v6, v7;
	v7 =	vshll.u32 v5, $0x3  }
0x17a: {  	v8 =	vand.u32 $0x7D, v8;
	v5 =	vand.u32 $0x7F, v5;
	v7 =	vand.u32 $0xFFFFFC00, v7  }
0x17b: {  	v6 =	vadd.s32 v2, v6;
	v5 =	vor.u32 v5, v7;
	v7 =	vbroadcast v8, $0x0  }
0x17c: {  	v5 =	vadd.s32 v2, v5  }
0x17d: {  	v7 =	vor.u32 v1, v7;
	_ =	sdelay $0x2  }
0x17e: {  	[tilespmem:v6+s12+$0x0] =	vst.idx.add.f32.msk $0xffff, v4  }
0x17f: {  	[tilespmem:v5+s12+$0x0] =	vst.idx.add.f32.msk $0xffff, v3  }
0x180: {  	v5 =	vld.idx.msk [tilespmem:v7+s2+$0x0], $0xffff;
	_ =	sdelay $0x1  }
0x181: {  	v6 =	vld.idx.msk [tilespmem:v7+s17+$0x0], $0xffff;
	_ =	sdelay $0x2  }
0x182: {  	v7 =	vshll.u32 v5, $0x3  }
0x183: {  	s30 =	sadd.s32 $0x2, s28;
	v5 =	vand.u32 $0x7F, v5;
	v7 =	vand.u32 $0xFFFFFC00, v7  }
0x184: {  	v61 =	vmov s30;
	v5 =	vor.u32 v5, v7;
	v7 =	vshll.u32 v6, $0x3  }
0x185: {  	v8 =	vand.u32 $0x7E, v61;
	v6 =	vand.u32 $0x7F, v6;
	v7 =	vand.u32 $0xFFFFFC00, v7  }
0x186: {  	v5 =	vadd.s32 v2, v5;
	v6 =	vor.u32 v6, v7;
	v7 =	vbroadcast v8, $0x0  }
0x187: {  	v6 =	vadd.s32 v2, v6  }
0x188: {  	v7 =	vor.u32 v1, v7;
	_ =	sdelay $0x2  }
0x189: {  	[tilespmem:v5+s12+$0x0] =	vst.idx.add.f32.msk $0xffff, v4  }
0x18a: {  	[tilespmem:v6+s12+$0x0] =	vst.idx.add.f32.msk $0xffff, v3  }
0x18b: {  	v5 =	vld.idx.msk [tilespmem:v7+s2+$0x0], $0xffff;
	_ =	sdelay $0x1  }
0x18c: {  	v6 =	vld.idx.msk [tilespmem:v7+s17+$0x0], $0xffff;
	_ =	sdelay $0x2  }
0x18d: {  	v7 =	vshll.u32 v5, $0x3  }
0x18e: {  	s31 =	sadd.s32 $0x3, s28;
	v5 =	vand.u32 $0x7F, v5;
	v7 =	vand.u32 $0xFFFFFC00, v7  }
0x18f: {  	v62 =	vmov s31;
	v5 =	vor.u32 v5, v7;
	v7 =	vshll.u32 v6, $0x3  }
0x190: {  	v8 =	vand.u32 $0x7F, v62;
	v6 =	vand.u32 $0x7F, v6;
	v7 =	vand.u32 $0xFFFFFC00, v7  }
0x191: {  	v5 =	vadd.s32 v2, v5;
	v6 =	vor.u32 v6, v7;
	v7 =	vbroadcast v8, $0x0  }
0x192: {  	v6 =	vadd.s32 v2, v6  }
0x193: {  	v7 =	vor.u32 v1, v7;
	_ =	sdelay $0x2  }
0x194: {  	[tilespmem:v5+s12+$0x0] =	vst.idx.add.f32.msk $0xffff, v4  }
0x195: {  	[tilespmem:v6+s12+$0x0] =	vst.idx.add.f32.msk $0xffff, v3  }
0x196: {  	v5 =	vld.idx.msk [tilespmem:v7+s2+$0x0], $0xffff  }
0x197: {  	v6 =	vld.idx.msk [tilespmem:v7+s17+$0x0], $0xffff;
	_ =	sdelay $0x3  }
0x198: {  	v7 =	vshll.u32 v5, $0x3  }
0x199: {  	v5 =	vand.u32 $0x7F, v5;
	v63 =	vshll.u32 v6, $0x3;
	v7 =	vand.u32 $0xFFFFFC00, v7  }
0x19a: {  	v6 =	vand.u32 $0x7F, v6;
	v5 =	vor.u32 v5, v7;
	v7 =	vand.u32 $0xFFFFFC00, v63  }
0x19b: {  	v5 =	vadd.s32 v2, v5;
	v6 =	vor.u32 v6, v7  }
0x19c: {  	p1 =	slt.u32 s28, $0x3C;
	v6 =	vadd.s32 v2, v6  }
.Ltmp14:
0x19d: {  	_ = 	snop;
	(pc) =	sbr.rel @p1 .LBB2_15-.Ltmp14, $3  }
0x19e: {  	_ =	sdelay $0x1  }
0x19f: {  	[tilespmem:v5+s12+$0x0] =	vst.idx.add.f32.msk $0xffff, v4  }
0x1a0: {  	s28 =	sadd.s32 $0x4, s28;
	[tilespmem:v6+s12+$0x0] =	vst.idx.add.f32.msk $0xffff, v3  }
0x1a1: {  	p1 =	sgt.u32 s24, $0xC6  }
.Ltmp15:
0x1a2: {  	_ = 	snop;
	(pc) =	sbr.rel @p1 .LBB2_18-.Ltmp15, $4  }
0x1a3: {  	_ = 	snop  }
0x1a4: {  	s26 =	sshll.u32 s26, $0xB  }
0x1a5: {  	s26 =	sadd.s32 s5, s26  }
0x1a6: {  	[hbm4b:s26+s2] =	stream.linear.scatter [tilespmem:s12], [sflag:$0x1], $0x4000, $0x38;
	[tilespmem:$0xA000] =	vst v63  }
.Ltmp16:
0x1a7: {  	(pc) =	sbr.rel .LBB2_19-.Ltmp16, $4  }
0x1a8: {  	_ = 	snop  }
0x1a9: {  	s24 =	sshll.u32 s24, $0x8  }
0x1aa: {  	s24 =	sadd.s32 s24, s8  }
0x1ab: {  	[tilespmem:s2], [sflag:$0x3] =	stream.linear.gather [hbm4b:s24+s2], $0x800, $0x38;
	[tilespmem:$0xA000] =	vst v63  }
.LBB2_18:
.Ltmp17:
0x1ac: {  	(pc) =	sbr.rel @p0 .LBB2_22-.Ltmp17, $1  }
0x1ad: {  	_ =	sdelay $0x3  }
.LBB2_19:
0x1ae: {  	_ =	swait.ge [sflag:s18], $0x800  }
0x1af: {  	[sflag:s18] =	ssyncset.done $0x0  }
0x1b0: {  	[sflag:s18] =	ssyncadd.s32 $0xFFFFF800  }
0x1b1: {  	_ =	swait.ge [sflag:s19], $0x4000  }
0x1b2: {  	[sflag:s19] =	ssyncset.done $0x0  }
0x1b3: {  	s24 =	simm.s32 $0x0;
	[sflag:s19] =	ssyncadd.s32 $0xFFFFC000  }
.LBB2_20:
0x1b4: {  	v5 =	vmov s24  }
0x1b5: {  	v5 =	vand.u32 $0x7C, v5  }
0x1b6: {  	v5 =	vbroadcast v5, $0x0;
	_ =	sdelay $0x1  }
0x1b7: {  	v5 =	vor.u32 v1, v5;
	_ =	sdelay $0x4  }
0x1b8: {  	v6 =	vld.idx.msk [tilespmem:v5+s10+$0x0], $0xffff;
	_ =	sdelay $0x1  }
0x1b9: {  	v5 =	vld.idx.msk [tilespmem:v5+s20+$0x0], $0xffff;
	_ =	sdelay $0x2  }
0x1ba: {  	v7 =	vshll.u32 v6, $0x3  }
0x1bb: {  	s26 =	sadd.s32 $0x1, s24;
	v6 =	vand.u32 $0x7F, v6;
	v7 =	vand.u32 $0xFFFFFC00, v7  }
0x1bc: {  	v8 =	vmov s26;
	v6 =	vor.u32 v6, v7;
	v7 =	vshll.u32 v5, $0x3  }
0x1bd: {  	v8 =	vand.u32 $0x7D, v8;
	v5 =	vand.u32 $0x7F, v5;
	v7 =	vand.u32 $0xFFFFFC00, v7  }
0x1be: {  	v6 =	vadd.s32 v2, v6;
	v5 =	vor.u32 v5, v7;
	v7 =	vbroadcast v8, $0x0  }
0x1bf: {  	v5 =	vadd.s32 v2, v5  }
0x1c0: {  	v7 =	vor.u32 v1, v7;
	_ =	sdelay $0x2  }
0x1c1: {  	[tilespmem:v6+s14+$0x0] =	vst.idx.add.f32.msk $0xffff, v4  }
0x1c2: {  	[tilespmem:v5+s14+$0x0] =	vst.idx.add.f32.msk $0xffff, v3  }
0x1c3: {  	v5 =	vld.idx.msk [tilespmem:v7+s10+$0x0], $0xffff;
	_ =	sdelay $0x1  }
0x1c4: {  	v6 =	vld.idx.msk [tilespmem:v7+s20+$0x0], $0xffff;
	_ =	sdelay $0x2  }
0x1c5: {  	v7 =	vshll.u32 v5, $0x3  }
0x1c6: {  	s30 =	sadd.s32 $0x2, s24;
	v5 =	vand.u32 $0x7F, v5;
	v7 =	vand.u32 $0xFFFFFC00, v7  }
0x1c7: {  	v61 =	vmov s30;
	v5 =	vor.u32 v5, v7;
	v7 =	vshll.u32 v6, $0x3  }
0x1c8: {  	v8 =	vand.u32 $0x7E, v61;
	v6 =	vand.u32 $0x7F, v6;
	v7 =	vand.u32 $0xFFFFFC00, v7  }
0x1c9: {  	v5 =	vadd.s32 v2, v5;
	v6 =	vor.u32 v6, v7;
	v7 =	vbroadcast v8, $0x0  }
0x1ca: {  	v6 =	vadd.s32 v2, v6  }
0x1cb: {  	v7 =	vor.u32 v1, v7;
	_ =	sdelay $0x2  }
0x1cc: {  	[tilespmem:v5+s14+$0x0] =	vst.idx.add.f32.msk $0xffff, v4  }
0x1cd: {  	[tilespmem:v6+s14+$0x0] =	vst.idx.add.f32.msk $0xffff, v3  }
0x1ce: {  	v5 =	vld.idx.msk [tilespmem:v7+s10+$0x0], $0xffff;
	_ =	sdelay $0x1  }
0x1cf: {  	v6 =	vld.idx.msk [tilespmem:v7+s20+$0x0], $0xffff;
	_ =	sdelay $0x2  }
0x1d0: {  	v7 =	vshll.u32 v5, $0x3  }
0x1d1: {  	s31 =	sadd.s32 $0x3, s24;
	v5 =	vand.u32 $0x7F, v5;
	v7 =	vand.u32 $0xFFFFFC00, v7  }
0x1d2: {  	v62 =	vmov s31;
	v5 =	vor.u32 v5, v7;
	v7 =	vshll.u32 v6, $0x3  }
0x1d3: {  	v8 =	vand.u32 $0x7F, v62;
	v6 =	vand.u32 $0x7F, v6;
	v7 =	vand.u32 $0xFFFFFC00, v7  }
0x1d4: {  	v5 =	vadd.s32 v2, v5;
	v6 =	vor.u32 v6, v7;
	v7 =	vbroadcast v8, $0x0  }
0x1d5: {  	v6 =	vadd.s32 v2, v6  }
0x1d6: {  	v7 =	vor.u32 v1, v7;
	_ =	sdelay $0x2  }
0x1d7: {  	[tilespmem:v5+s14+$0x0] =	vst.idx.add.f32.msk $0xffff, v4  }
0x1d8: {  	[tilespmem:v6+s14+$0x0] =	vst.idx.add.f32.msk $0xffff, v3  }
0x1d9: {  	v5 =	vld.idx.msk [tilespmem:v7+s10+$0x0], $0xffff  }
0x1da: {  	v6 =	vld.idx.msk [tilespmem:v7+s20+$0x0], $0xffff;
	_ =	sdelay $0x3  }
0x1db: {  	v7 =	vshll.u32 v5, $0x3  }
0x1dc: {  	v5 =	vand.u32 $0x7F, v5;
	v63 =	vshll.u32 v6, $0x3;
	v7 =	vand.u32 $0xFFFFFC00, v7  }
0x1dd: {  	v6 =	vand.u32 $0x7F, v6;
	v5 =	vor.u32 v5, v7;
	v7 =	vand.u32 $0xFFFFFC00, v63  }
0x1de: {  	v5 =	vadd.s32 v2, v5;
	v6 =	vor.u32 v6, v7  }
0x1df: {  	p0 =	slt.u32 s24, $0x3C;
	v6 =	vadd.s32 v2, v6  }
.Ltmp18:
0x1e0: {  	_ = 	snop;
	(pc) =	sbr.rel @p0 .LBB2_20-.Ltmp18, $3  }
0x1e1: {  	_ =	sdelay $0x1  }
0x1e2: {  	[tilespmem:v5+s14+$0x0] =	vst.idx.add.f32.msk $0xffff, v4  }
0x1e3: {  	s24 =	sadd.s32 $0x4, s24;
	[tilespmem:v6+s14+$0x0] =	vst.idx.add.f32.msk $0xffff, v3  }
.Ltmp19:
0x1e4: {  	(pc) =	sbr.rel .LBB2_22-.Ltmp19, $4  }
0x1e5: {  	_ = 	snop  }
0x1e6: {  	s24 =	sshll.u32 s25, $0xB  }
0x1e7: {  	s24 =	sadd.s32 s5, s24  }
0x1e8: {  	[hbm4b:s24+s2] =	stream.linear.scatter [tilespmem:s14], [sflag:$0x2], $0x4000, $0x38;
	[tilespmem:$0xA000] =	vst v63  }
.LBB2_24:
0x1e9: {  	_ =	sfence.sel $0x180000  }
0x1ea: {  	[bflag:$0x0] =	sbarrier.arrive $0xFFFF  }
0x1eb: {  	p0 =	sne.s32 s1, $0x0;
	_ =	strace $0x90000047  }
0x1ec: {  	s0 =	sadd.s32 @!p0 $0x100000, s0;
	[bflag:$0x2] =	sbarrier.arrive $0xFFFF  }
0x1ed: {  	[sflag:s0] =	ssyncadd.tile.s32 @!p0 $0x1;
	_ =	shalt  }
.Lfunc_end2:
_tile_overlayer_lowered:
.L_overlay_start_2:
0x1ee: {  	(tag) =	ssettag $0x2  }
0x1ef: {  	s0 =	rddreg [dreg:$0x0];
	s2 =	stileid.u32  }
0x1f0: {  	s1 =	rddreg [dreg:$0x1];
	p0 =	sne.s32 s2, $0x0  }
0x1f1: {  	s3 =	rddreg [dreg:$0x2];
	[bflag:$0x3] =	sbarrier.arrive $0xFFFF;
	s2 =	simm.s32 @!p0 $0x1C07  }
0x1f2: {  	[timem:s3], [sflag:s2] =	dma.local @!p0 [hbm:s0], s1  }
0x1f3: {  	s0 =	simm.s32 @!p0 $0x7  }
0x1f4: {  	_ =	swait.ge @!p0 [sflag:s0], s1  }
0x1f5: {  	s1 =	ssub.s32 @!p0 $0x0, s1;
	[sflag:s0] =	ssyncset.done @!p0 $0x0  }
0x1f6: {  	[sflag:s0] =	ssyncadd.s32 @!p0 s1  }
0x1f7: {  	[bflag:$0x3] =	sbarrier.arrive $0xFFFF  }
0x1f8: {  	_ =	shalt  }

</sc_bundles>
